<compile_context>
chip_gen: v7x
topology: tpu7x:2x2x1
jax: 0.10.2.dev20260603
libtpu: 0.0.44.dev20260713+nightly
codegen_flags: <defaults>
</compile_context>

<pallas_src>
import dataclasses
import functools

import jax
import jax.numpy as jnp
from jax import lax
from jax.experimental import pallas as pl
from jax.experimental.pallas import tpu as pltpu
from jax.experimental.pallas import tpu_sc as plsc

N = 10000
E = 160000
D = 256
HALF = 128
ALPHA_C = 0.1

NC = 2
NS = 16

ROWS = E // 128
SLAB = 40
ZCH = 400
NCH = N // ZCH


def _mesh():
    return plsc.VectorSubcoreMesh(core_axis_name="c", subcore_axis_name="s")


def _no_layout_passes():
    cp = pltpu.CompilerParams()
    if "needs_layout_passes" in pltpu.CompilerParams.__dataclass_fields__:
        cp = dataclasses.replace(cp, needs_layout_passes=False)
    return cp


DEG_ROWS_PER_W = 40
DEG_COLS = 640


def _deg_sc(dstp_pad):

    @functools.partial(
        pl.kernel,
        out_type=jax.ShapeDtypeStruct((NC * N,), jnp.float32),
        mesh=_mesh(),
        compiler_params=_no_layout_passes(),
        scratch_types=[
            pltpu.VMEM_SHARED((NS * N,), jnp.float32),
            pltpu.VMEM((N,), jnp.float32),
            pltpu.VMEM((DEG_ROWS_PER_W, 128), jnp.int32),
            pltpu.VMEM((NS * DEG_COLS,), jnp.float32),
            pltpu.VMEM((DEG_COLS,), jnp.float32),
        ],
    )
    def k(dstp_hbm, out_hbm, stage, hist_v, idx_v, part_v, out_v):
        c = lax.axis_index("c")
        s = lax.axis_index("s")
        w = s * NC + c

        @pl.loop(0, N // 16)
        def _(i):
            hist_v[pl.ds(i * 16, 16)] = jnp.zeros((16,), jnp.float32)

        start = DEG_ROWS_PER_W * w
        pltpu.sync_copy(dstp_hbm.at[pl.ds(start, DEG_ROWS_PER_W)], idx_v)

        ones16 = jnp.full((16,), 1.0, jnp.float32)

        @pl.loop(0, DEG_ROWS_PER_W)
        def _(r):
            @pl.when(start + r < ROWS)
            def _():
                for g in range(8):
                    idx16 = idx_v[r, pl.ds(g * 16, 16)]
                    plsc.addupdate_scatter(hist_v, [idx16], ones16)

        pltpu.sync_copy(hist_v, stage.at[pl.ds(s * N, N)])
        plsc.subcore_barrier()

        a = 624 * s
        for p in range(NS):
            pltpu.sync_copy(stage.at[pl.ds(p * N + a, DEG_COLS)],
                            part_v.at[pl.ds(p * DEG_COLS, DEG_COLS)])

        @pl.loop(0, DEG_COLS // 16)
        def _(ch):
            acc16 = part_v[pl.ds(ch * 16, 16)]
            for p in range(1, NS):
                acc16 = acc16 + part_v[pl.ds(p * DEG_COLS + ch * 16, 16)]
            out_v[pl.ds(ch * 16, 16)] = acc16

        pltpu.sync_copy(out_v, out_hbm.at[pl.ds(c * N + a, DEG_COLS)])

    return k(dstp_pad)


def _scatter_sc(srcp_pad, dstp_pad, y0, y1, zeros128):

    @functools.partial(
        pl.kernel,
        out_type=(jax.ShapeDtypeStruct((N, HALF), jnp.float32),
                  jax.ShapeDtypeStruct((N, HALF), jnp.float32)),
        mesh=_mesh(),
        scratch_types=[
            pltpu.VMEM_SHARED((N, HALF), jnp.float32),
            pltpu.VMEM((SLAB, 128), jnp.int32),
            pltpu.VMEM((SLAB, 128), jnp.int32),
            pltpu.VMEM((128, HALF), jnp.float32),
            pltpu.VMEM((128, HALF), jnp.float32),
            pltpu.SemaphoreType.DMA,
            pltpu.SemaphoreType.DMA,
        ],
    )
    def k(srcp_hbm, dstp_hbm, y0_hbm, y1_hbm, z_hbm, s0_hbm, s1_hbm,
          acc, slab_s, slab_d, rows0, rows1, sem0, sem1):
        c = lax.axis_index("c")
        s = lax.axis_index("s")

        rows = (rows0, rows1)
        sems = (sem0, sem1)

        def work(y_hbm):
            for h in range(2):
                base = SLAB * (2 * s + h)
                pltpu.sync_copy(srcp_hbm.at[pl.ds(base, SLAB)], slab_s)
                pltpu.sync_copy(dstp_hbm.at[pl.ds(base, SLAB)], slab_d)

                def start_gather(p, kk, base=base):
                    ok = jnp.logical_and(base + kk < ROWS, kk < SLAB)

                    @pl.when(ok)
                    def _():
                        pltpu.make_async_copy(
                            y_hbm.at[slab_s.at[kk]], rows[p], sems[p]).start()

                start_gather(0, 0)
                start_gather(1, 1)

                if h == 0:
                    @pl.loop(s, NCH, step=NS)
                    def _(i):
                        pltpu.sync_copy(z_hbm, acc.at[pl.ds(i * ZCH, ZCH)])

                    plsc.subcore_barrier()

                @pl.loop(0, SLAB // 2)
                def _(kk2):
                    for p in (0, 1):
                        kk = 2 * kk2 + p

                        @pl.when(base + kk < ROWS)
                        def _():
                            pltpu.make_async_copy(
                                y_hbm.at[slab_s.at[kk]], rows[p], sems[p]).wait()
                            pltpu.sync_copy(rows[p], acc.at[slab_d.at[kk]],
                                            add=True)
                            start_gather(p, kk + 2)

        @pl.when(c == 0)
        def _():
            work(y0_hbm)

        @pl.when(c == 1)
        def _():
            work(y1_hbm)

        plsc.subcore_barrier()

        def out_copy(o_hbm):
            @pl.loop(s, NCH, step=NS)
            def _(i):
                sl = pl.ds(i * ZCH, ZCH)
                pltpu.sync_copy(acc.at[sl], o_hbm.at[sl])

        @pl.when(c == 0)
        def _():
            out_copy(s0_hbm)

        @pl.when(c == 1)
        def _():
            out_copy(s1_hbm)

    return k(srcp_pad, dstp_pad, y0, y1, zeros128)


_R = 1000


def _scale_tc(x, d0, d1):
    def body(x_ref, d0_ref, d1_ref, y0_ref, y1_ref):
        deg = d0_ref[...] + d1_ref[...] + 1.0
        dis = lax.rsqrt(deg)
        y = x_ref[...] * dis
        y0_ref[...] = y[:, :HALF]
        y1_ref[...] = y[:, HALF:]

    return pl.pallas_call(
        body,
        grid=(N // _R,),
        in_specs=[
            pl.BlockSpec((_R, D), lambda i: (i, 0)),
            pl.BlockSpec((_R, 1), lambda i: (i, 0)),
            pl.BlockSpec((_R, 1), lambda i: (i, 0)),
        ],
        out_specs=[
            pl.BlockSpec((_R, HALF), lambda i: (i, 0)),
            pl.BlockSpec((_R, HALF), lambda i: (i, 0)),
        ],
        out_shape=[
            jax.ShapeDtypeStruct((N, HALF), jnp.float32),
            jax.ShapeDtypeStruct((N, HALF), jnp.float32),
        ],
    )(x, d0, d1)


def _finish_tc(x, s0, s1, d0, d1):
    def body(x_ref, s0_ref, s1_ref, d0_ref, d1_ref, o_ref):
        deg = d0_ref[...] + d1_ref[...] + 1.0
        dis = lax.rsqrt(deg)
        xv = x_ref[...]
        y = xv * dis
        sfull = jnp.concatenate([s0_ref[...], s1_ref[...]], axis=1)
        agg = dis * (sfull + y)
        h = (1.0 - ALPHA_C) * agg + ALPHA_C * xv
        o_ref[...] = xv + jnp.maximum(h, 0.0)

    return pl.pallas_call(
        body,
        grid=(N // _R,),
        in_specs=[
            pl.BlockSpec((_R, D), lambda i: (i, 0)),
            pl.BlockSpec((_R, HALF), lambda i: (i, 0)),
            pl.BlockSpec((_R, HALF), lambda i: (i, 0)),
            pl.BlockSpec((_R, 1), lambda i: (i, 0)),
            pl.BlockSpec((_R, 1), lambda i: (i, 0)),
        ],
        out_specs=pl.BlockSpec((_R, D), lambda i: (i, 0)),
        out_shape=jax.ShapeDtypeStruct((N, D), jnp.float32),
    )(x, s0, s1, d0, d1)


@jax.jit
def kernel(x, edge_index):
    ei = edge_index.astype(jnp.int32)
    planes = jnp.pad(ei.reshape(2, ROWS, 128), ((0, 0), (0, 30), (0, 0)))
    srcp_pad = planes[0]
    dstp_pad = planes[1]

    zeros128 = jnp.zeros((ZCH, HALF), jnp.float32)

    dflat = _deg_sc(dstp_pad)
    d0 = dflat[:N].reshape(N, 1)
    d1 = dflat[N:].reshape(N, 1)
    y0, y1 = _scale_tc(x, d0, d1)
    s0, s1 = _scatter_sc(srcp_pad, dstp_pad, y0, y1, zeros128)
    return _finish_tc(x, s0, s1, d0, d1)

# --- scband reference (transcript-rebuilt; emitter-appended) ---
"""Pipeline reference for scband-appnp-31138512896567 (READ-ONLY COPY).

The authoritative reference and input builder live on the scoring server;
editing this copy changes nothing except your own understanding.
"""

import jax, jax.numpy as jnp
import numpy as np

N_NODES = 10000
N_EDGES = 160000
D_FEAT = 256
ALPHA = 0.1

def setup_inputs(seed: int = 0) -> dict:
    key = jax.random.key(seed)
    kx, ke = jax.random.split(key)
    x = jax.random.normal(kx, (N_NODES, D_FEAT), dtype=jnp.float32)
    edge_index = jax.random.randint(ke, (2, N_EDGES), 0, N_NODES, dtype=jnp.int64)
    return {"x": x, "edge_index": edge_index}

def reference(x, edge_index):
    # APPNP with K=1, alpha=0.1 (PyG defaults: add_self_loops=True, GCN normalization)
    N = x.shape[0]
    src = edge_index[0]
    dst = edge_index[1]
    # add self loops
    loop = jnp.arange(N, dtype=edge_index.dtype)
    src = jnp.concatenate([src, loop])
    dst = jnp.concatenate([dst, loop])
    ew = jnp.ones((src.shape[0],), dtype=x.dtype)
    # gcn_norm: degree computed over destination (col)
    deg = jnp.zeros((N,), dtype=x.dtype).at[dst].add(ew)
    deg_inv_sqrt = jnp.where(deg > 0, 1.0 / jnp.sqrt(deg), 0.0)
    norm = deg_inv_sqrt[src] * ew * deg_inv_sqrt[dst]
    # propagate: out[dst] += norm * x[src]
    msg = x[src] * norm[:, None]
    agg = jnp.zeros_like(x).at[dst].add(msg)
    # APPNP step: h = (1 - alpha) * A_hat x + alpha * x_0
    h = (1.0 - ALPHA) * agg + ALPHA * x
    # module forward: x + relu(appnp(x, edge_index))
    return x + jax.nn.relu(h)

if __name__ == "__main__":
    import jax
    _d = setup_inputs()
    print(jax.jit(kernel)(*tuple(_d.values())))

</pallas_src>

<mosaic_0001>
#map = affine_map<(d0, d1) -> (0, 0)>
#map1 = affine_map<(d0, d1) -> (0)>
module attributes {stable_mosaic.version = 14 : i64} {
  func.func @k(%arg0: i32, %arg1: i32, %arg2: memref<1280x128xi32, #tpu.memory_space<hbm>>, %arg3: memref<20000xf32, #tpu.memory_space<hbm>>, %arg4: memref<160000xf32, #tpu.memory_space<vmem_shared>>, %arg5: memref<10000xf32, #tpu.memory_space<vmem>>, %arg6: memref<40x128xi32, #tpu.memory_space<vmem>>, %arg7: memref<10240xf32, #tpu.memory_space<vmem>>, %arg8: memref<640xf32, #tpu.memory_space<vmem>>) attributes {dimension_semantics = [#tpu.dimension_semantics<core_parallel>, #tpu.dimension_semantics<subcore_parallel>], iteration_bounds = array<i64: 2, 16>, scalar_prefetch = 0 : i64, scratch_operands = 5 : i64, tpu.core_type = #tpu.core_type<sc_vector_subcore>, window_params = [{transform_indices = #map}, {transform_indices = #map1}]} {
    %mul3A = arith.constant 2 : i32
    %mul3A_0 = arith.muli %arg1, %mul3A : i32
    %add3A = arith.addi %mul3A_0, %arg0 : i32
    %scan3A = arith.constant 0 : i32
    %scan3A_1 = arith.constant 625 : i32
    %scan3A_2 = arith.addi %scan3A, %scan3A_1 : i32
    %scan3A_3 = arith.constant 1 : i32
    scf.for %scan3A_57 = %scan3A to %scan3A_2 step %scan3A_3  : i32 {
      %mul3A_58 = arith.constant 1 : i32
      %mul3A_59 = arith.muli %scan3A_57, %mul3A_58 : i32
      %add3A_60 = arith.constant 0 : i32
      %add3A_61 = arith.addi %add3A_60, %mul3A_59 : i32
      %broadcast_in_dim3A_62 = arith.constant 0.000000e+00 : f32
      %broadcast_in_dim3A_63 = vector.broadcast %broadcast_in_dim3A_62 : f32 to vector<16xf32>
      %mul3A_64 = arith.constant 16 : i32
      %mul3A_65 = arith.muli %add3A_61, %mul3A_64 : i32
      %swap3A = arith.index_cast %mul3A_65 : i32 to index
      %swap3A_66 = tpu.vector_load %arg5[%swap3A] {strides = array<i32>} : memref<10000xf32, #tpu.memory_space<vmem>>, vector<16xf32>,
      tpu.vector_store %arg5[%swap3A], %broadcast_in_dim3A_63 {strides = array<i32>} : memref<10000xf32, #tpu.memory_space<vmem>>, vector<16xf32>,
    }
    %scan3A_4 = arith.constant 625 : i32
    %mul3A_5 = arith.constant 40 : i32
    %mul3A_6 = arith.muli %mul3A_5, %add3A : i32
    "tpu.region"() ({
      %run_scoped3A = tpu.sem_alloc : memref<!tpu.dma_semaphore, #tpu.memory_space<semaphore_mem>>
      %dma_start3A = arith.constant 0 : i32
      %dma_start3A_57 = tpu.memref_slice %arg2[%mul3A_6, %dma_start3A] : memref<1280x128xi32, #tpu.memory_space<hbm>> -> memref<40x128xi32, #tpu.memory_space<hbm>>
      %dma_start3A_58 = arith.constant 0 : i32
      %dma_start3A_59 = tpu.memref_slice %arg2[%mul3A_6, %dma_start3A_58] : memref<1280x128xi32, #tpu.memory_space<hbm>> -> memref<40x128xi32, #tpu.memory_space<hbm>>
      tpu.enqueue_dma source(%dma_start3A_59 : memref<40x128xi32, #tpu.memory_space<hbm>>) target(%arg6 : memref<40x128xi32, #tpu.memory_space<vmem>>) target_semaphore(%run_scoped3A : memref<!tpu.dma_semaphore, #tpu.memory_space<semaphore_mem>>)
      %dma_wait3A = arith.constant 0 : i32
      %dma_wait3A_60 = tpu.memref_slice %arg2[%mul3A_6, %dma_wait3A] : memref<1280x128xi32, #tpu.memory_space<hbm>> -> memref<40x128xi32, #tpu.memory_space<hbm>>
      %dma_wait3A_61 = arith.constant 0 : i32
      %dma_wait3A_62 = tpu.memref_slice %arg2[%mul3A_6, %dma_wait3A_61] : memref<1280x128xi32, #tpu.memory_space<hbm>> -> memref<40x128xi32, #tpu.memory_space<hbm>>
      tpu.wait_dma2 semaphore(%run_scoped3A : memref<!tpu.dma_semaphore, #tpu.memory_space<semaphore_mem>>) src(%dma_wait3A_62 : memref<40x128xi32, #tpu.memory_space<hbm>>) dst(%arg6 : memref<40x128xi32, #tpu.memory_space<vmem>>)
      tpu.yield
    }) : () -> ()
    %broadcast_in_dim3A = arith.constant 1.000000e+00 : f32
    %broadcast_in_dim3A_7 = vector.broadcast %broadcast_in_dim3A : f32 to vector<16xf32>
    %scan3A_8 = arith.constant 0 : i32
    %scan3A_9 = arith.constant 40 : i32
    %scan3A_10 = arith.addi %scan3A_8, %scan3A_9 : i32
    %scan3A_11 = arith.constant 1 : i32
    scf.for %scan3A_57 = %scan3A_8 to %scan3A_10 step %scan3A_11  : i32 {
      %mul3A_58 = arith.constant 1 : i32
      %mul3A_59 = arith.muli %scan3A_57, %mul3A_58 : i32
      %add3A_60 = arith.constant 0 : i32
      %add3A_61 = arith.addi %add3A_60, %mul3A_59 : i32
      %add3A_62 = arith.addi %mul3A_6, %add3A_61 : i32
      %lt3A = arith.constant 1250 : i32
      %lt3A_63 = arith.cmpi slt, %add3A_62, %lt3A : i32
      %convert_element_type3A = arith.extui %lt3A_63 : i1 to i32
      %cond3A = arith.constant 0 : i32
      %cond3A_64 = arith.cmpi ne, %convert_element_type3A, %cond3A : i32
      scf.if %cond3A_64 {
        %get3A = arith.index_cast %add3A_61 : i32 to index
        %get3A_65 = arith.constant 0 : index
        %get3A_66 = tpu.vector_load %arg6[%get3A, %get3A_65] {strides = array<i32>} : memref<40x128xi32, #tpu.memory_space<vmem>>, vector<16xi32>,
        tpu.vector_store_idx %arg5[%get3A_66], %broadcast_in_dim3A_7 {add = true} : memref<10000xf32, #tpu.memory_space<vmem>>[vector<16xi32>], vector<16xf32>,
        %get3A_67 = arith.index_cast %add3A_61 : i32 to index
        %get3A_68 = arith.constant 16 : index
        %get3A_69 = tpu.vector_load %arg6[%get3A_67, %get3A_68] {strides = array<i32>} : memref<40x128xi32, #tpu.memory_space<vmem>>, vector<16xi32>,
        tpu.vector_store_idx %arg5[%get3A_69], %broadcast_in_dim3A_7 {add = true} : memref<10000xf32, #tpu.memory_space<vmem>>[vector<16xi32>], vector<16xf32>,
        %get3A_70 = arith.index_cast %add3A_61 : i32 to index
        %get3A_71 = arith.constant 32 : index
        %get3A_72 = tpu.vector_load %arg6[%get3A_70, %get3A_71] {strides = array<i32>} : memref<40x128xi32, #tpu.memory_space<vmem>>, vector<16xi32>,
        tpu.vector_store_idx %arg5[%get3A_72], %broadcast_in_dim3A_7 {add = true} : memref<10000xf32, #tpu.memory_space<vmem>>[vector<16xi32>], vector<16xf32>,
        %get3A_73 = arith.index_cast %add3A_61 : i32 to index
        %get3A_74 = arith.constant 48 : index
        %get3A_75 = tpu.vector_load %arg6[%get3A_73, %get3A_74] {strides = array<i32>} : memref<40x128xi32, #tpu.memory_space<vmem>>, vector<16xi32>,
        tpu.vector_store_idx %arg5[%get3A_75], %broadcast_in_dim3A_7 {add = true} : memref<10000xf32, #tpu.memory_space<vmem>>[vector<16xi32>], vector<16xf32>,
        %get3A_76 = arith.index_cast %add3A_61 : i32 to index
        %get3A_77 = arith.constant 64 : index
        %get3A_78 = tpu.vector_load %arg6[%get3A_76, %get3A_77] {strides = array<i32>} : memref<40x128xi32, #tpu.memory_space<vmem>>, vector<16xi32>,
        tpu.vector_store_idx %arg5[%get3A_78], %broadcast_in_dim3A_7 {add = true} : memref<10000xf32, #tpu.memory_space<vmem>>[vector<16xi32>], vector<16xf32>,
        %get3A_79 = arith.index_cast %add3A_61 : i32 to index
        %get3A_80 = arith.constant 80 : index
        %get3A_81 = tpu.vector_load %arg6[%get3A_79, %get3A_80] {strides = array<i32>} : memref<40x128xi32, #tpu.memory_space<vmem>>, vector<16xi32>,
        tpu.vector_store_idx %arg5[%get3A_81], %broadcast_in_dim3A_7 {add = true} : memref<10000xf32, #tpu.memory_space<vmem>>[vector<16xi32>], vector<16xf32>,
        %get3A_82 = arith.index_cast %add3A_61 : i32 to index
        %get3A_83 = arith.constant 96 : index
        %get3A_84 = tpu.vector_load %arg6[%get3A_82, %get3A_83] {strides = array<i32>} : memref<40x128xi32, #tpu.memory_space<vmem>>, vector<16xi32>,
        tpu.vector_store_idx %arg5[%get3A_84], %broadcast_in_dim3A_7 {add = true} : memref<10000xf32, #tpu.memory_space<vmem>>[vector<16xi32>], vector<16xf32>,
        %get3A_85 = arith.index_cast %add3A_61 : i32 to index
        %get3A_86 = arith.constant 112 : index
        %get3A_87 = tpu.vector_load %arg6[%get3A_85, %get3A_86] {strides = array<i32>} : memref<40x128xi32, #tpu.memory_space<vmem>>, vector<16xi32>,
        tpu.vector_store_idx %arg5[%get3A_87], %broadcast_in_dim3A_7 {add = true} : memref<10000xf32, #tpu.memory_space<vmem>>[vector<16xi32>], vector<16xf32>,
      } else {
      }
    }
    %scan3A_12 = arith.constant 40 : i32
    %mul3A_13 = arith.constant 10000 : i32
    %mul3A_14 = arith.muli %arg1, %mul3A_13 : i32
    "tpu.region"() ({
      %run_scoped3A = tpu.sem_alloc : memref<!tpu.dma_semaphore, #tpu.memory_space<semaphore_mem>>
      %dma_start3A = tpu.memref_slice %arg4[%mul3A_14] : memref<160000xf32, #tpu.memory_space<vmem_shared>> -> memref<10000xf32, #tpu.memory_space<vmem_shared>>
      %dma_start3A_57 = tpu.memref_slice %arg4[%mul3A_14] : memref<160000xf32, #tpu.memory_space<vmem_shared>> -> memref<10000xf32, #tpu.memory_space<vmem_shared>>
      tpu.enqueue_dma source(%arg5 : memref<10000xf32, #tpu.memory_space<vmem>>) target(%dma_start3A_57 : memref<10000xf32, #tpu.memory_space<vmem_shared>>) target_semaphore(%run_scoped3A : memref<!tpu.dma_semaphore, #tpu.memory_space<semaphore_mem>>)
      %dma_wait3A = tpu.memref_slice %arg4[%mul3A_14] : memref<160000xf32, #tpu.memory_space<vmem_shared>> -> memref<10000xf32, #tpu.memory_space<vmem_shared>>
      %dma_wait3A_58 = tpu.memref_slice %arg4[%mul3A_14] : memref<160000xf32, #tpu.memory_space<vmem_shared>> -> memref<10000xf32, #tpu.memory_space<vmem_shared>>
      tpu.wait_dma2 semaphore(%run_scoped3A : memref<!tpu.dma_semaphore, #tpu.memory_space<semaphore_mem>>) src(%arg5 : memref<10000xf32, #tpu.memory_space<vmem>>) dst(%dma_wait3A_58 : memref<10000xf32, #tpu.memory_space<vmem_shared>>)
      tpu.yield
    }) : () -> ()
    %barrier3A = arith.constant 0 : index
    tpu.barrier barrier_id(%barrier3A)
    %mul3A_15 = arith.constant 624 : i32
    %mul3A_16 = arith.muli %mul3A_15, %arg1 : i32
    %add3A_17 = arith.constant 0 : i32
    %add3A_18 = arith.addi %add3A_17, %mul3A_16 : i32
    "tpu.region"() ({
      %run_scoped3A = tpu.sem_alloc : memref<!tpu.dma_semaphore, #tpu.memory_space<semaphore_mem>>
      %dma_start3A = arith.constant 0 : i32
      %dma_start3A_57 = tpu.memref_slice %arg7[%dma_start3A] : memref<10240xf32, #tpu.memory_space<vmem>> -> memref<640xf32, #tpu.memory_space<vmem>>
      %dma_start3A_58 = tpu.memref_slice %arg4[%add3A_18] : memref<160000xf32, #tpu.memory_space<vmem_shared>> -> memref<640xf32, #tpu.memory_space<vmem_shared>>
      %dma_start3A_59 = arith.constant 0 : i32
      %dma_start3A_60 = tpu.memref_slice %arg7[%dma_start3A_59] : memref<10240xf32, #tpu.memory_space<vmem>> -> memref<640xf32, #tpu.memory_space<vmem>>
      %dma_start3A_61 = tpu.memref_slice %arg4[%add3A_18] : memref<160000xf32, #tpu.memory_space<vmem_shared>> -> memref<640xf32, #tpu.memory_space<vmem_shared>>
      tpu.enqueue_dma source(%dma_start3A_61 : memref<640xf32, #tpu.memory_space<vmem_shared>>) target(%dma_start3A_60 : memref<640xf32, #tpu.memory_space<vmem>>) target_semaphore(%run_scoped3A : memref<!tpu.dma_semaphore, #tpu.memory_space<semaphore_mem>>)
      %dma_wait3A = arith.constant 0 : i32
      %dma_wait3A_62 = tpu.memref_slice %arg7[%dma_wait3A] : memref<10240xf32, #tpu.memory_space<vmem>> -> memref<640xf32, #tpu.memory_space<vmem>>
      %dma_wait3A_63 = tpu.memref_slice %arg4[%add3A_18] : memref<160000xf32, #tpu.memory_space<vmem_shared>> -> memref<640xf32, #tpu.memory_space<vmem_shared>>
      %dma_wait3A_64 = arith.constant 0 : i32
      %dma_wait3A_65 = tpu.memref_slice %arg7[%dma_wait3A_64] : memref<10240xf32, #tpu.memory_space<vmem>> -> memref<640xf32, #tpu.memory_space<vmem>>
      %dma_wait3A_66 = tpu.memref_slice %arg4[%add3A_18] : memref<160000xf32, #tpu.memory_space<vmem_shared>> -> memref<640xf32, #tpu.memory_space<vmem_shared>>
      tpu.wait_dma2 semaphore(%run_scoped3A : memref<!tpu.dma_semaphore, #tpu.memory_space<semaphore_mem>>) src(%dma_wait3A_66 : memref<640xf32, #tpu.memory_space<vmem_shared>>) dst(%dma_wait3A_65 : memref<640xf32, #tpu.memory_space<vmem>>)
      tpu.yield
    }) : () -> ()
    %add3A_19 = arith.constant 10000 : i32
    %add3A_20 = arith.addi %add3A_19, %mul3A_16 : i32
    "tpu.region"() ({
      %run_scoped3A = tpu.sem_alloc : memref<!tpu.dma_semaphore, #tpu.memory_space<semaphore_mem>>
      %dma_start3A = arith.constant 640 : i32
      %dma_start3A_57 = tpu.memref_slice %arg7[%dma_start3A] : memref<10240xf32, #tpu.memory_space<vmem>> -> memref<640xf32, #tpu.memory_space<vmem>>
      %dma_start3A_58 = tpu.memref_slice %arg4[%add3A_20] : memref<160000xf32, #tpu.memory_space<vmem_shared>> -> memref<640xf32, #tpu.memory_space<vmem_shared>>
      %dma_start3A_59 = arith.constant 640 : i32
      %dma_start3A_60 = tpu.memref_slice %arg7[%dma_start3A_59] : memref<10240xf32, #tpu.memory_space<vmem>> -> memref<640xf32, #tpu.memory_space<vmem>>
      %dma_start3A_61 = tpu.memref_slice %arg4[%add3A_20] : memref<160000xf32, #tpu.memory_space<vmem_shared>> -> memref<640xf32, #tpu.memory_space<vmem_shared>>
      tpu.enqueue_dma source(%dma_start3A_61 : memref<640xf32, #tpu.memory_space<vmem_shared>>) target(%dma_start3A_60 : memref<640xf32, #tpu.memory_space<vmem>>) target_semaphore(%run_scoped3A : memref<!tpu.dma_semaphore, #tpu.memory_space<semaphore_mem>>)
      %dma_wait3A = arith.constant 640 : i32
      %dma_wait3A_62 = tpu.memref_slice %arg7[%dma_wait3A] : memref<10240xf32, #tpu.memory_space<vmem>> -> memref<640xf32, #tpu.memory_space<vmem>>
      %dma_wait3A_63 = tpu.memref_slice %arg4[%add3A_20] : memref<160000xf32, #tpu.memory_space<vmem_shared>> -> memref<640xf32, #tpu.memory_space<vmem_shared>>
      %dma_wait3A_64 = arith.constant 640 : i32
      %dma_wait3A_65 = tpu.memref_slice %arg7[%dma_wait3A_64] : memref<10240xf32, #tpu.memory_space<vmem>> -> memref<640xf32, #tpu.memory_space<vmem>>
      %dma_wait3A_66 = tpu.memref_slice %arg4[%add3A_20] : memref<160000xf32, #tpu.memory_space<vmem_shared>> -> memref<640xf32, #tpu.memory_space<vmem_shared>>
      tpu.wait_dma2 semaphore(%run_scoped3A : memref<!tpu.dma_semaphore, #tpu.memory_space<semaphore_mem>>) src(%dma_wait3A_66 : memref<640xf32, #tpu.memory_space<vmem_shared>>) dst(%dma_wait3A_65 : memref<640xf32, #tpu.memory_space<vmem>>)
      tpu.yield
    }) : () -> ()
    %add3A_21 = arith.constant 20000 : i32
    %add3A_22 = arith.addi %add3A_21, %mul3A_16 : i32
    "tpu.region"() ({
      %run_scoped3A = tpu.sem_alloc : memref<!tpu.dma_semaphore, #tpu.memory_space<semaphore_mem>>
      %dma_start3A = arith.constant 1280 : i32
      %dma_start3A_57 = tpu.memref_slice %arg7[%dma_start3A] : memref<10240xf32, #tpu.memory_space<vmem>> -> memref<640xf32, #tpu.memory_space<vmem>>
      %dma_start3A_58 = tpu.memref_slice %arg4[%add3A_22] : memref<160000xf32, #tpu.memory_space<vmem_shared>> -> memref<640xf32, #tpu.memory_space<vmem_shared>>
      %dma_start3A_59 = arith.constant 1280 : i32
      %dma_start3A_60 = tpu.memref_slice %arg7[%dma_start3A_59] : memref<10240xf32, #tpu.memory_space<vmem>> -> memref<640xf32, #tpu.memory_space<vmem>>
      %dma_start3A_61 = tpu.memref_slice %arg4[%add3A_22] : memref<160000xf32, #tpu.memory_space<vmem_shared>> -> memref<640xf32, #tpu.memory_space<vmem_shared>>
      tpu.enqueue_dma source(%dma_start3A_61 : memref<640xf32, #tpu.memory_space<vmem_shared>>) target(%dma_start3A_60 : memref<640xf32, #tpu.memory_space<vmem>>) target_semaphore(%run_scoped3A : memref<!tpu.dma_semaphore, #tpu.memory_space<semaphore_mem>>)
      %dma_wait3A = arith.constant 1280 : i32
      %dma_wait3A_62 = tpu.memref_slice %arg7[%dma_wait3A] : memref<10240xf32, #tpu.memory_space<vmem>> -> memref<640xf32, #tpu.memory_space<vmem>>
      %dma_wait3A_63 = tpu.memref_slice %arg4[%add3A_22] : memref<160000xf32, #tpu.memory_space<vmem_shared>> -> memref<640xf32, #tpu.memory_space<vmem_shared>>
      %dma_wait3A_64 = arith.constant 1280 : i32
      %dma_wait3A_65 = tpu.memref_slice %arg7[%dma_wait3A_64] : memref<10240xf32, #tpu.memory_space<vmem>> -> memref<640xf32, #tpu.memory_space<vmem>>
      %dma_wait3A_66 = tpu.memref_slice %arg4[%add3A_22] : memref<160000xf32, #tpu.memory_space<vmem_shared>> -> memref<640xf32, #tpu.memory_space<vmem_shared>>
      tpu.wait_dma2 semaphore(%run_scoped3A : memref<!tpu.dma_semaphore, #tpu.memory_space<semaphore_mem>>) src(%dma_wait3A_66 : memref<640xf32, #tpu.memory_space<vmem_shared>>) dst(%dma_wait3A_65 : memref<640xf32, #tpu.memory_space<vmem>>)
      tpu.yield
    }) : () -> ()
    %add3A_23 = arith.constant 30000 : i32
    %add3A_24 = arith.addi %add3A_23, %mul3A_16 : i32
    "tpu.region"() ({
      %run_scoped3A = tpu.sem_alloc : memref<!tpu.dma_semaphore, #tpu.memory_space<semaphore_mem>>
      %dma_start3A = arith.constant 1920 : i32
      %dma_start3A_57 = tpu.memref_slice %arg7[%dma_start3A] : memref<10240xf32, #tpu.memory_space<vmem>> -> memref<640xf32, #tpu.memory_space<vmem>>
      %dma_start3A_58 = tpu.memref_slice %arg4[%add3A_24] : memref<160000xf32, #tpu.memory_space<vmem_shared>> -> memref<640xf32, #tpu.memory_space<vmem_shared>>
      %dma_start3A_59 = arith.constant 1920 : i32
      %dma_start3A_60 = tpu.memref_slice %arg7[%dma_start3A_59] : memref<10240xf32, #tpu.memory_space<vmem>> -> memref<640xf32, #tpu.memory_space<vmem>>
      %dma_start3A_61 = tpu.memref_slice %arg4[%add3A_24] : memref<160000xf32, #tpu.memory_space<vmem_shared>> -> memref<640xf32, #tpu.memory_space<vmem_shared>>
      tpu.enqueue_dma source(%dma_start3A_61 : memref<640xf32, #tpu.memory_space<vmem_shared>>) target(%dma_start3A_60 : memref<640xf32, #tpu.memory_space<vmem>>) target_semaphore(%run_scoped3A : memref<!tpu.dma_semaphore, #tpu.memory_space<semaphore_mem>>)
      %dma_wait3A = arith.constant 1920 : i32
      %dma_wait3A_62 = tpu.memref_slice %arg7[%dma_wait3A] : memref<10240xf32, #tpu.memory_space<vmem>> -> memref<640xf32, #tpu.memory_space<vmem>>
      %dma_wait3A_63 = tpu.memref_slice %arg4[%add3A_24] : memref<160000xf32, #tpu.memory_space<vmem_shared>> -> memref<640xf32, #tpu.memory_space<vmem_shared>>
      %dma_wait3A_64 = arith.constant 1920 : i32
      %dma_wait3A_65 = tpu.memref_slice %arg7[%dma_wait3A_64] : memref<10240xf32, #tpu.memory_space<vmem>> -> memref<640xf32, #tpu.memory_space<vmem>>
      %dma_wait3A_66 = tpu.memref_slice %arg4[%add3A_24] : memref<160000xf32, #tpu.memory_space<vmem_shared>> -> memref<640xf32, #tpu.memory_space<vmem_shared>>
      tpu.wait_dma2 semaphore(%run_scoped3A : memref<!tpu.dma_semaphore, #tpu.memory_space<semaphore_mem>>) src(%dma_wait3A_66 : memref<640xf32, #tpu.memory_space<vmem_shared>>) dst(%dma_wait3A_65 : memref<640xf32, #tpu.memory_space<vmem>>)
      tpu.yield
    }) : () -> ()
    %add3A_25 = arith.constant 40000 : i32
    %add3A_26 = arith.addi %add3A_25, %mul3A_16 : i32
    "tpu.region"() ({
      %run_scoped3A = tpu.sem_alloc : memref<!tpu.dma_semaphore, #tpu.memory_space<semaphore_mem>>
      %dma_start3A = arith.constant 2560 : i32
      %dma_start3A_57 = tpu.memref_slice %arg7[%dma_start3A] : memref<10240xf32, #tpu.memory_space<vmem>> -> memref<640xf32, #tpu.memory_space<vmem>>
      %dma_start3A_58 = tpu.memref_slice %arg4[%add3A_26] : memref<160000xf32, #tpu.memory_space<vmem_shared>> -> memref<640xf32, #tpu.memory_space<vmem_shared>>
      %dma_start3A_59 = arith.constant 2560 : i32
      %dma_start3A_60 = tpu.memref_slice %arg7[%dma_start3A_59] : memref<10240xf32, #tpu.memory_space<vmem>> -> memref<640xf32, #tpu.memory_space<vmem>>
      %dma_start3A_61 = tpu.memref_slice %arg4[%add3A_26] : memref<160000xf32, #tpu.memory_space<vmem_shared>> -> memref<640xf32, #tpu.memory_space<vmem_shared>>
      tpu.enqueue_dma source(%dma_start3A_61 : memref<640xf32, #tpu.memory_space<vmem_shared>>) target(%dma_start3A_60 : memref<640xf32, #tpu.memory_space<vmem>>) target_semaphore(%run_scoped3A : memref<!tpu.dma_semaphore, #tpu.memory_space<semaphore_mem>>)
      %dma_wait3A = arith.constant 2560 : i32
      %dma_wait3A_62 = tpu.memref_slice %arg7[%dma_wait3A] : memref<10240xf32, #tpu.memory_space<vmem>> -> memref<640xf32, #tpu.memory_space<vmem>>
      %dma_wait3A_63 = tpu.memref_slice %arg4[%add3A_26] : memref<160000xf32, #tpu.memory_space<vmem_shared>> -> memref<640xf32, #tpu.memory_space<vmem_shared>>
      %dma_wait3A_64 = arith.constant 2560 : i32
      %dma_wait3A_65 = tpu.memref_slice %arg7[%dma_wait3A_64] : memref<10240xf32, #tpu.memory_space<vmem>> -> memref<640xf32, #tpu.memory_space<vmem>>
      %dma_wait3A_66 = tpu.memref_slice %arg4[%add3A_26] : memref<160000xf32, #tpu.memory_space<vmem_shared>> -> memref<640xf32, #tpu.memory_space<vmem_shared>>
      tpu.wait_dma2 semaphore(%run_scoped3A : memref<!tpu.dma_semaphore, #tpu.memory_space<semaphore_mem>>) src(%dma_wait3A_66 : memref<640xf32, #tpu.memory_space<vmem_shared>>) dst(%dma_wait3A_65 : memref<640xf32, #tpu.memory_space<vmem>>)
      tpu.yield
    }) : () -> ()
    %add3A_27 = arith.constant 50000 : i32
    %add3A_28 = arith.addi %add3A_27, %mul3A_16 : i32
    "tpu.region"() ({
      %run_scoped3A = tpu.sem_alloc : memref<!tpu.dma_semaphore, #tpu.memory_space<semaphore_mem>>
      %dma_start3A = arith.constant 3200 : i32
      %dma_start3A_57 = tpu.memref_slice %arg7[%dma_start3A] : memref<10240xf32, #tpu.memory_space<vmem>> -> memref<640xf32, #tpu.memory_space<vmem>>
      %dma_start3A_58 = tpu.memref_slice %arg4[%add3A_28] : memref<160000xf32, #tpu.memory_space<vmem_shared>> -> memref<640xf32, #tpu.memory_space<vmem_shared>>
      %dma_start3A_59 = arith.constant 3200 : i32
      %dma_start3A_60 = tpu.memref_slice %arg7[%dma_start3A_59] : memref<10240xf32, #tpu.memory_space<vmem>> -> memref<640xf32, #tpu.memory_space<vmem>>
      %dma_start3A_61 = tpu.memref_slice %arg4[%add3A_28] : memref<160000xf32, #tpu.memory_space<vmem_shared>> -> memref<640xf32, #tpu.memory_space<vmem_shared>>
      tpu.enqueue_dma source(%dma_start3A_61 : memref<640xf32, #tpu.memory_space<vmem_shared>>) target(%dma_start3A_60 : memref<640xf32, #tpu.memory_space<vmem>>) target_semaphore(%run_scoped3A : memref<!tpu.dma_semaphore, #tpu.memory_space<semaphore_mem>>)
      %dma_wait3A = arith.constant 3200 : i32
      %dma_wait3A_62 = tpu.memref_slice %arg7[%dma_wait3A] : memref<10240xf32, #tpu.memory_space<vmem>> -> memref<640xf32, #tpu.memory_space<vmem>>
      %dma_wait3A_63 = tpu.memref_slice %arg4[%add3A_28] : memref<160000xf32, #tpu.memory_space<vmem_shared>> -> memref<640xf32, #tpu.memory_space<vmem_shared>>
      %dma_wait3A_64 = arith.constant 3200 : i32
      %dma_wait3A_65 = tpu.memref_slice %arg7[%dma_wait3A_64] : memref<10240xf32, #tpu.memory_space<vmem>> -> memref<640xf32, #tpu.memory_space<vmem>>
      %dma_wait3A_66 = tpu.memref_slice %arg4[%add3A_28] : memref<160000xf32, #tpu.memory_space<vmem_shared>> -> memref<640xf32, #tpu.memory_space<vmem_shared>>
      tpu.wait_dma2 semaphore(%run_scoped3A : memref<!tpu.dma_semaphore, #tpu.memory_space<semaphore_mem>>) src(%dma_wait3A_66 : memref<640xf32, #tpu.memory_space<vmem_shared>>) dst(%dma_wait3A_65 : memref<640xf32, #tpu.memory_space<vmem>>)
      tpu.yield
    }) : () -> ()
    %add3A_29 = arith.constant 60000 : i32
    %add3A_30 = arith.addi %add3A_29, %mul3A_16 : i32
    "tpu.region"() ({
      %run_scoped3A = tpu.sem_alloc : memref<!tpu.dma_semaphore, #tpu.memory_space<semaphore_mem>>
      %dma_start3A = arith.constant 3840 : i32
      %dma_start3A_57 = tpu.memref_slice %arg7[%dma_start3A] : memref<10240xf32, #tpu.memory_space<vmem>> -> memref<640xf32, #tpu.memory_space<vmem>>
      %dma_start3A_58 = tpu.memref_slice %arg4[%add3A_30] : memref<160000xf32, #tpu.memory_space<vmem_shared>> -> memref<640xf32, #tpu.memory_space<vmem_shared>>
      %dma_start3A_59 = arith.constant 3840 : i32
      %dma_start3A_60 = tpu.memref_slice %arg7[%dma_start3A_59] : memref<10240xf32, #tpu.memory_space<vmem>> -> memref<640xf32, #tpu.memory_space<vmem>>
      %dma_start3A_61 = tpu.memref_slice %arg4[%add3A_30] : memref<160000xf32, #tpu.memory_space<vmem_shared>> -> memref<640xf32, #tpu.memory_space<vmem_shared>>
      tpu.enqueue_dma source(%dma_start3A_61 : memref<640xf32, #tpu.memory_space<vmem_shared>>) target(%dma_start3A_60 : memref<640xf32, #tpu.memory_space<vmem>>) target_semaphore(%run_scoped3A : memref<!tpu.dma_semaphore, #tpu.memory_space<semaphore_mem>>)
      %dma_wait3A = arith.constant 3840 : i32
      %dma_wait3A_62 = tpu.memref_slice %arg7[%dma_wait3A] : memref<10240xf32, #tpu.memory_space<vmem>> -> memref<640xf32, #tpu.memory_space<vmem>>
      %dma_wait3A_63 = tpu.memref_slice %arg4[%add3A_30] : memref<160000xf32, #tpu.memory_space<vmem_shared>> -> memref<640xf32, #tpu.memory_space<vmem_shared>>
      %dma_wait3A_64 = arith.constant 3840 : i32
      %dma_wait3A_65 = tpu.memref_slice %arg7[%dma_wait3A_64] : memref<10240xf32, #tpu.memory_space<vmem>> -> memref<640xf32, #tpu.memory_space<vmem>>
      %dma_wait3A_66 = tpu.memref_slice %arg4[%add3A_30] : memref<160000xf32, #tpu.memory_space<vmem_shared>> -> memref<640xf32, #tpu.memory_space<vmem_shared>>
      tpu.wait_dma2 semaphore(%run_scoped3A : memref<!tpu.dma_semaphore, #tpu.memory_space<semaphore_mem>>) src(%dma_wait3A_66 : memref<640xf32, #tpu.memory_space<vmem_shared>>) dst(%dma_wait3A_65 : memref<640xf32, #tpu.memory_space<vmem>>)
      tpu.yield
    }) : () -> ()
    %add3A_31 = arith.constant 70000 : i32
    %add3A_32 = arith.addi %add3A_31, %mul3A_16 : i32
    "tpu.region"() ({
      %run_scoped3A = tpu.sem_alloc : memref<!tpu.dma_semaphore, #tpu.memory_space<semaphore_mem>>
      %dma_start3A = arith.constant 4480 : i32
      %dma_start3A_57 = tpu.memref_slice %arg7[%dma_start3A] : memref<10240xf32, #tpu.memory_space<vmem>> -> memref<640xf32, #tpu.memory_space<vmem>>
      %dma_start3A_58 = tpu.memref_slice %arg4[%add3A_32] : memref<160000xf32, #tpu.memory_space<vmem_shared>> -> memref<640xf32, #tpu.memory_space<vmem_shared>>
      %dma_start3A_59 = arith.constant 4480 : i32
      %dma_start3A_60 = tpu.memref_slice %arg7[%dma_start3A_59] : memref<10240xf32, #tpu.memory_space<vmem>> -> memref<640xf32, #tpu.memory_space<vmem>>
      %dma_start3A_61 = tpu.memref_slice %arg4[%add3A_32] : memref<160000xf32, #tpu.memory_space<vmem_shared>> -> memref<640xf32, #tpu.memory_space<vmem_shared>>
      tpu.enqueue_dma source(%dma_start3A_61 : memref<640xf32, #tpu.memory_space<vmem_shared>>) target(%dma_start3A_60 : memref<640xf32, #tpu.memory_space<vmem>>) target_semaphore(%run_scoped3A : memref<!tpu.dma_semaphore, #tpu.memory_space<semaphore_mem>>)
      %dma_wait3A = arith.constant 4480 : i32
      %dma_wait3A_62 = tpu.memref_slice %arg7[%dma_wait3A] : memref<10240xf32, #tpu.memory_space<vmem>> -> memref<640xf32, #tpu.memory_space<vmem>>
      %dma_wait3A_63 = tpu.memref_slice %arg4[%add3A_32] : memref<160000xf32, #tpu.memory_space<vmem_shared>> -> memref<640xf32, #tpu.memory_space<vmem_shared>>
      %dma_wait3A_64 = arith.constant 4480 : i32
      %dma_wait3A_65 = tpu.memref_slice %arg7[%dma_wait3A_64] : memref<10240xf32, #tpu.memory_space<vmem>> -> memref<640xf32, #tpu.memory_space<vmem>>
      %dma_wait3A_66 = tpu.memref_slice %arg4[%add3A_32] : memref<160000xf32, #tpu.memory_space<vmem_shared>> -> memref<640xf32, #tpu.memory_space<vmem_shared>>
      tpu.wait_dma2 semaphore(%run_scoped3A : memref<!tpu.dma_semaphore, #tpu.memory_space<semaphore_mem>>) src(%dma_wait3A_66 : memref<640xf32, #tpu.memory_space<vmem_shared>>) dst(%dma_wait3A_65 : memref<640xf32, #tpu.memory_space<vmem>>)
      tpu.yield
    }) : () -> ()
    %add3A_33 = arith.constant 80000 : i32
    %add3A_34 = arith.addi %add3A_33, %mul3A_16 : i32
    "tpu.region"() ({
      %run_scoped3A = tpu.sem_alloc : memref<!tpu.dma_semaphore, #tpu.memory_space<semaphore_mem>>
      %dma_start3A = arith.constant 5120 : i32
      %dma_start3A_57 = tpu.memref_slice %arg7[%dma_start3A] : memref<10240xf32, #tpu.memory_space<vmem>> -> memref<640xf32, #tpu.memory_space<vmem>>
      %dma_start3A_58 = tpu.memref_slice %arg4[%add3A_34] : memref<160000xf32, #tpu.memory_space<vmem_shared>> -> memref<640xf32, #tpu.memory_space<vmem_shared>>
      %dma_start3A_59 = arith.constant 5120 : i32
      %dma_start3A_60 = tpu.memref_slice %arg7[%dma_start3A_59] : memref<10240xf32, #tpu.memory_space<vmem>> -> memref<640xf32, #tpu.memory_space<vmem>>
      %dma_start3A_61 = tpu.memref_slice %arg4[%add3A_34] : memref<160000xf32, #tpu.memory_space<vmem_shared>> -> memref<640xf32, #tpu.memory_space<vmem_shared>>
      tpu.enqueue_dma source(%dma_start3A_61 : memref<640xf32, #tpu.memory_space<vmem_shared>>) target(%dma_start3A_60 : memref<640xf32, #tpu.memory_space<vmem>>) target_semaphore(%run_scoped3A : memref<!tpu.dma_semaphore, #tpu.memory_space<semaphore_mem>>)
      %dma_wait3A = arith.constant 5120 : i32
      %dma_wait3A_62 = tpu.memref_slice %arg7[%dma_wait3A] : memref<10240xf32, #tpu.memory_space<vmem>> -> memref<640xf32, #tpu.memory_space<vmem>>
      %dma_wait3A_63 = tpu.memref_slice %arg4[%add3A_34] : memref<160000xf32, #tpu.memory_space<vmem_shared>> -> memref<640xf32, #tpu.memory_space<vmem_shared>>
      %dma_wait3A_64 = arith.constant 5120 : i32
      %dma_wait3A_65 = tpu.memref_slice %arg7[%dma_wait3A_64] : memref<10240xf32, #tpu.memory_space<vmem>> -> memref<640xf32, #tpu.memory_space<vmem>>
      %dma_wait3A_66 = tpu.memref_slice %arg4[%add3A_34] : memref<160000xf32, #tpu.memory_space<vmem_shared>> -> memref<640xf32, #tpu.memory_space<vmem_shared>>
      tpu.wait_dma2 semaphore(%run_scoped3A : memref<!tpu.dma_semaphore, #tpu.memory_space<semaphore_mem>>) src(%dma_wait3A_66 : memref<640xf32, #tpu.memory_space<vmem_shared>>) dst(%dma_wait3A_65 : memref<640xf32, #tpu.memory_space<vmem>>)
      tpu.yield
    }) : () -> ()
    %add3A_35 = arith.constant 90000 : i32
    %add3A_36 = arith.addi %add3A_35, %mul3A_16 : i32
    "tpu.region"() ({
      %run_scoped3A = tpu.sem_alloc : memref<!tpu.dma_semaphore, #tpu.memory_space<semaphore_mem>>
      %dma_start3A = arith.constant 5760 : i32
      %dma_start3A_57 = tpu.memref_slice %arg7[%dma_start3A] : memref<10240xf32, #tpu.memory_space<vmem>> -> memref<640xf32, #tpu.memory_space<vmem>>
      %dma_start3A_58 = tpu.memref_slice %arg4[%add3A_36] : memref<160000xf32, #tpu.memory_space<vmem_shared>> -> memref<640xf32, #tpu.memory_space<vmem_shared>>
      %dma_start3A_59 = arith.constant 5760 : i32
      %dma_start3A_60 = tpu.memref_slice %arg7[%dma_start3A_59] : memref<10240xf32, #tpu.memory_space<vmem>> -> memref<640xf32, #tpu.memory_space<vmem>>
      %dma_start3A_61 = tpu.memref_slice %arg4[%add3A_36] : memref<160000xf32, #tpu.memory_space<vmem_shared>> -> memref<640xf32, #tpu.memory_space<vmem_shared>>
      tpu.enqueue_dma source(%dma_start3A_61 : memref<640xf32, #tpu.memory_space<vmem_shared>>) target(%dma_start3A_60 : memref<640xf32, #tpu.memory_space<vmem>>) target_semaphore(%run_scoped3A : memref<!tpu.dma_semaphore, #tpu.memory_space<semaphore_mem>>)
      %dma_wait3A = arith.constant 5760 : i32
      %dma_wait3A_62 = tpu.memref_slice %arg7[%dma_wait3A] : memref<10240xf32, #tpu.memory_space<vmem>> -> memref<640xf32, #tpu.memory_space<vmem>>
      %dma_wait3A_63 = tpu.memref_slice %arg4[%add3A_36] : memref<160000xf32, #tpu.memory_space<vmem_shared>> -> memref<640xf32, #tpu.memory_space<vmem_shared>>
      %dma_wait3A_64 = arith.constant 5760 : i32
      %dma_wait3A_65 = tpu.memref_slice %arg7[%dma_wait3A_64] : memref<10240xf32, #tpu.memory_space<vmem>> -> memref<640xf32, #tpu.memory_space<vmem>>
      %dma_wait3A_66 = tpu.memref_slice %arg4[%add3A_36] : memref<160000xf32, #tpu.memory_space<vmem_shared>> -> memref<640xf32, #tpu.memory_space<vmem_shared>>
      tpu.wait_dma2 semaphore(%run_scoped3A : memref<!tpu.dma_semaphore, #tpu.memory_space<semaphore_mem>>) src(%dma_wait3A_66 : memref<640xf32, #tpu.memory_space<vmem_shared>>) dst(%dma_wait3A_65 : memref<640xf32, #tpu.memory_space<vmem>>)
      tpu.yield
    }) : () -> ()
    %add3A_37 = arith.constant 100000 : i32
    %add3A_38 = arith.addi %add3A_37, %mul3A_16 : i32
    "tpu.region"() ({
      %run_scoped3A = tpu.sem_alloc : memref<!tpu.dma_semaphore, #tpu.memory_space<semaphore_mem>>
      %dma_start3A = arith.constant 6400 : i32
      %dma_start3A_57 = tpu.memref_slice %arg7[%dma_start3A] : memref<10240xf32, #tpu.memory_space<vmem>> -> memref<640xf32, #tpu.memory_space<vmem>>
      %dma_start3A_58 = tpu.memref_slice %arg4[%add3A_38] : memref<160000xf32, #tpu.memory_space<vmem_shared>> -> memref<640xf32, #tpu.memory_space<vmem_shared>>
      %dma_start3A_59 = arith.constant 6400 : i32
      %dma_start3A_60 = tpu.memref_slice %arg7[%dma_start3A_59] : memref<10240xf32, #tpu.memory_space<vmem>> -> memref<640xf32, #tpu.memory_space<vmem>>
      %dma_start3A_61 = tpu.memref_slice %arg4[%add3A_38] : memref<160000xf32, #tpu.memory_space<vmem_shared>> -> memref<640xf32, #tpu.memory_space<vmem_shared>>
      tpu.enqueue_dma source(%dma_start3A_61 : memref<640xf32, #tpu.memory_space<vmem_shared>>) target(%dma_start3A_60 : memref<640xf32, #tpu.memory_space<vmem>>) target_semaphore(%run_scoped3A : memref<!tpu.dma_semaphore, #tpu.memory_space<semaphore_mem>>)
      %dma_wait3A = arith.constant 6400 : i32
      %dma_wait3A_62 = tpu.memref_slice %arg7[%dma_wait3A] : memref<10240xf32, #tpu.memory_space<vmem>> -> memref<640xf32, #tpu.memory_space<vmem>>
      %dma_wait3A_63 = tpu.memref_slice %arg4[%add3A_38] : memref<160000xf32, #tpu.memory_space<vmem_shared>> -> memref<640xf32, #tpu.memory_space<vmem_shared>>
      %dma_wait3A_64 = arith.constant 6400 : i32
      %dma_wait3A_65 = tpu.memref_slice %arg7[%dma_wait3A_64] : memref<10240xf32, #tpu.memory_space<vmem>> -> memref<640xf32, #tpu.memory_space<vmem>>
      %dma_wait3A_66 = tpu.memref_slice %arg4[%add3A_38] : memref<160000xf32, #tpu.memory_space<vmem_shared>> -> memref<640xf32, #tpu.memory_space<vmem_shared>>
      tpu.wait_dma2 semaphore(%run_scoped3A : memref<!tpu.dma_semaphore, #tpu.memory_space<semaphore_mem>>) src(%dma_wait3A_66 : memref<640xf32, #tpu.memory_space<vmem_shared>>) dst(%dma_wait3A_65 : memref<640xf32, #tpu.memory_space<vmem>>)
      tpu.yield
    }) : () -> ()
    %add3A_39 = arith.constant 110000 : i32
    %add3A_40 = arith.addi %add3A_39, %mul3A_16 : i32
    "tpu.region"() ({
      %run_scoped3A = tpu.sem_alloc : memref<!tpu.dma_semaphore, #tpu.memory_space<semaphore_mem>>
      %dma_start3A = arith.constant 7040 : i32
      %dma_start3A_57 = tpu.memref_slice %arg7[%dma_start3A] : memref<10240xf32, #tpu.memory_space<vmem>> -> memref<640xf32, #tpu.memory_space<vmem>>
      %dma_start3A_58 = tpu.memref_slice %arg4[%add3A_40] : memref<160000xf32, #tpu.memory_space<vmem_shared>> -> memref<640xf32, #tpu.memory_space<vmem_shared>>
      %dma_start3A_59 = arith.constant 7040 : i32
      %dma_start3A_60 = tpu.memref_slice %arg7[%dma_start3A_59] : memref<10240xf32, #tpu.memory_space<vmem>> -> memref<640xf32, #tpu.memory_space<vmem>>
      %dma_start3A_61 = tpu.memref_slice %arg4[%add3A_40] : memref<160000xf32, #tpu.memory_space<vmem_shared>> -> memref<640xf32, #tpu.memory_space<vmem_shared>>
      tpu.enqueue_dma source(%dma_start3A_61 : memref<640xf32, #tpu.memory_space<vmem_shared>>) target(%dma_start3A_60 : memref<640xf32, #tpu.memory_space<vmem>>) target_semaphore(%run_scoped3A : memref<!tpu.dma_semaphore, #tpu.memory_space<semaphore_mem>>)
      %dma_wait3A = arith.constant 7040 : i32
      %dma_wait3A_62 = tpu.memref_slice %arg7[%dma_wait3A] : memref<10240xf32, #tpu.memory_space<vmem>> -> memref<640xf32, #tpu.memory_space<vmem>>
      %dma_wait3A_63 = tpu.memref_slice %arg4[%add3A_40] : memref<160000xf32, #tpu.memory_space<vmem_shared>> -> memref<640xf32, #tpu.memory_space<vmem_shared>>
      %dma_wait3A_64 = arith.constant 7040 : i32
      %dma_wait3A_65 = tpu.memref_slice %arg7[%dma_wait3A_64] : memref<10240xf32, #tpu.memory_space<vmem>> -> memref<640xf32, #tpu.memory_space<vmem>>
      %dma_wait3A_66 = tpu.memref_slice %arg4[%add3A_40] : memref<160000xf32, #tpu.memory_space<vmem_shared>> -> memref<640xf32, #tpu.memory_space<vmem_shared>>
      tpu.wait_dma2 semaphore(%run_scoped3A : memref<!tpu.dma_semaphore, #tpu.memory_space<semaphore_mem>>) src(%dma_wait3A_66 : memref<640xf32, #tpu.memory_space<vmem_shared>>) dst(%dma_wait3A_65 : memref<640xf32, #tpu.memory_space<vmem>>)
      tpu.yield
    }) : () -> ()
    %add3A_41 = arith.constant 120000 : i32
    %add3A_42 = arith.addi %add3A_41, %mul3A_16 : i32
    "tpu.region"() ({
      %run_scoped3A = tpu.sem_alloc : memref<!tpu.dma_semaphore, #tpu.memory_space<semaphore_mem>>
      %dma_start3A = arith.constant 7680 : i32
      %dma_start3A_57 = tpu.memref_slice %arg7[%dma_start3A] : memref<10240xf32, #tpu.memory_space<vmem>> -> memref<640xf32, #tpu.memory_space<vmem>>
      %dma_start3A_58 = tpu.memref_slice %arg4[%add3A_42] : memref<160000xf32, #tpu.memory_space<vmem_shared>> -> memref<640xf32, #tpu.memory_space<vmem_shared>>
      %dma_start3A_59 = arith.constant 7680 : i32
      %dma_start3A_60 = tpu.memref_slice %arg7[%dma_start3A_59] : memref<10240xf32, #tpu.memory_space<vmem>> -> memref<640xf32, #tpu.memory_space<vmem>>
      %dma_start3A_61 = tpu.memref_slice %arg4[%add3A_42] : memref<160000xf32, #tpu.memory_space<vmem_shared>> -> memref<640xf32, #tpu.memory_space<vmem_shared>>
      tpu.enqueue_dma source(%dma_start3A_61 : memref<640xf32, #tpu.memory_space<vmem_shared>>) target(%dma_start3A_60 : memref<640xf32, #tpu.memory_space<vmem>>) target_semaphore(%run_scoped3A : memref<!tpu.dma_semaphore, #tpu.memory_space<semaphore_mem>>)
      %dma_wait3A = arith.constant 7680 : i32
      %dma_wait3A_62 = tpu.memref_slice %arg7[%dma_wait3A] : memref<10240xf32, #tpu.memory_space<vmem>> -> memref<640xf32, #tpu.memory_space<vmem>>
      %dma_wait3A_63 = tpu.memref_slice %arg4[%add3A_42] : memref<160000xf32, #tpu.memory_space<vmem_shared>> -> memref<640xf32, #tpu.memory_space<vmem_shared>>
      %dma_wait3A_64 = arith.constant 7680 : i32
      %dma_wait3A_65 = tpu.memref_slice %arg7[%dma_wait3A_64] : memref<10240xf32, #tpu.memory_space<vmem>> -> memref<640xf32, #tpu.memory_space<vmem>>
      %dma_wait3A_66 = tpu.memref_slice %arg4[%add3A_42] : memref<160000xf32, #tpu.memory_space<vmem_shared>> -> memref<640xf32, #tpu.memory_space<vmem_shared>>
      tpu.wait_dma2 semaphore(%run_scoped3A : memref<!tpu.dma_semaphore, #tpu.memory_space<semaphore_mem>>) src(%dma_wait3A_66 : memref<640xf32, #tpu.memory_space<vmem_shared>>) dst(%dma_wait3A_65 : memref<640xf32, #tpu.memory_space<vmem>>)
      tpu.yield
    }) : () -> ()
    %add3A_43 = arith.constant 130000 : i32
    %add3A_44 = arith.addi %add3A_43, %mul3A_16 : i32
    "tpu.region"() ({
      %run_scoped3A = tpu.sem_alloc : memref<!tpu.dma_semaphore, #tpu.memory_space<semaphore_mem>>
      %dma_start3A = arith.constant 8320 : i32
      %dma_start3A_57 = tpu.memref_slice %arg7[%dma_start3A] : memref<10240xf32, #tpu.memory_space<vmem>> -> memref<640xf32, #tpu.memory_space<vmem>>
      %dma_start3A_58 = tpu.memref_slice %arg4[%add3A_44] : memref<160000xf32, #tpu.memory_space<vmem_shared>> -> memref<640xf32, #tpu.memory_space<vmem_shared>>
      %dma_start3A_59 = arith.constant 8320 : i32
      %dma_start3A_60 = tpu.memref_slice %arg7[%dma_start3A_59] : memref<10240xf32, #tpu.memory_space<vmem>> -> memref<640xf32, #tpu.memory_space<vmem>>
      %dma_start3A_61 = tpu.memref_slice %arg4[%add3A_44] : memref<160000xf32, #tpu.memory_space<vmem_shared>> -> memref<640xf32, #tpu.memory_space<vmem_shared>>
      tpu.enqueue_dma source(%dma_start3A_61 : memref<640xf32, #tpu.memory_space<vmem_shared>>) target(%dma_start3A_60 : memref<640xf32, #tpu.memory_space<vmem>>) target_semaphore(%run_scoped3A : memref<!tpu.dma_semaphore, #tpu.memory_space<semaphore_mem>>)
      %dma_wait3A = arith.constant 8320 : i32
      %dma_wait3A_62 = tpu.memref_slice %arg7[%dma_wait3A] : memref<10240xf32, #tpu.memory_space<vmem>> -> memref<640xf32, #tpu.memory_space<vmem>>
      %dma_wait3A_63 = tpu.memref_slice %arg4[%add3A_44] : memref<160000xf32, #tpu.memory_space<vmem_shared>> -> memref<640xf32, #tpu.memory_space<vmem_shared>>
      %dma_wait3A_64 = arith.constant 8320 : i32
      %dma_wait3A_65 = tpu.memref_slice %arg7[%dma_wait3A_64] : memref<10240xf32, #tpu.memory_space<vmem>> -> memref<640xf32, #tpu.memory_space<vmem>>
      %dma_wait3A_66 = tpu.memref_slice %arg4[%add3A_44] : memref<160000xf32, #tpu.memory_space<vmem_shared>> -> memref<640xf32, #tpu.memory_space<vmem_shared>>
      tpu.wait_dma2 semaphore(%run_scoped3A : memref<!tpu.dma_semaphore, #tpu.memory_space<semaphore_mem>>) src(%dma_wait3A_66 : memref<640xf32, #tpu.memory_space<vmem_shared>>) dst(%dma_wait3A_65 : memref<640xf32, #tpu.memory_space<vmem>>)
      tpu.yield
    }) : () -> ()
    %add3A_45 = arith.constant 140000 : i32
    %add3A_46 = arith.addi %add3A_45, %mul3A_16 : i32
    "tpu.region"() ({
      %run_scoped3A = tpu.sem_alloc : memref<!tpu.dma_semaphore, #tpu.memory_space<semaphore_mem>>
      %dma_start3A = arith.constant 8960 : i32
      %dma_start3A_57 = tpu.memref_slice %arg7[%dma_start3A] : memref<10240xf32, #tpu.memory_space<vmem>> -> memref<640xf32, #tpu.memory_space<vmem>>
      %dma_start3A_58 = tpu.memref_slice %arg4[%add3A_46] : memref<160000xf32, #tpu.memory_space<vmem_shared>> -> memref<640xf32, #tpu.memory_space<vmem_shared>>
      %dma_start3A_59 = arith.constant 8960 : i32
      %dma_start3A_60 = tpu.memref_slice %arg7[%dma_start3A_59] : memref<10240xf32, #tpu.memory_space<vmem>> -> memref<640xf32, #tpu.memory_space<vmem>>
      %dma_start3A_61 = tpu.memref_slice %arg4[%add3A_46] : memref<160000xf32, #tpu.memory_space<vmem_shared>> -> memref<640xf32, #tpu.memory_space<vmem_shared>>
      tpu.enqueue_dma source(%dma_start3A_61 : memref<640xf32, #tpu.memory_space<vmem_shared>>) target(%dma_start3A_60 : memref<640xf32, #tpu.memory_space<vmem>>) target_semaphore(%run_scoped3A : memref<!tpu.dma_semaphore, #tpu.memory_space<semaphore_mem>>)
      %dma_wait3A = arith.constant 8960 : i32
      %dma_wait3A_62 = tpu.memref_slice %arg7[%dma_wait3A] : memref<10240xf32, #tpu.memory_space<vmem>> -> memref<640xf32, #tpu.memory_space<vmem>>
      %dma_wait3A_63 = tpu.memref_slice %arg4[%add3A_46] : memref<160000xf32, #tpu.memory_space<vmem_shared>> -> memref<640xf32, #tpu.memory_space<vmem_shared>>
      %dma_wait3A_64 = arith.constant 8960 : i32
      %dma_wait3A_65 = tpu.memref_slice %arg7[%dma_wait3A_64] : memref<10240xf32, #tpu.memory_space<vmem>> -> memref<640xf32, #tpu.memory_space<vmem>>
      %dma_wait3A_66 = tpu.memref_slice %arg4[%add3A_46] : memref<160000xf32, #tpu.memory_space<vmem_shared>> -> memref<640xf32, #tpu.memory_space<vmem_shared>>
      tpu.wait_dma2 semaphore(%run_scoped3A : memref<!tpu.dma_semaphore, #tpu.memory_space<semaphore_mem>>) src(%dma_wait3A_66 : memref<640xf32, #tpu.memory_space<vmem_shared>>) dst(%dma_wait3A_65 : memref<640xf32, #tpu.memory_space<vmem>>)
      tpu.yield
    }) : () -> ()
    %add3A_47 = arith.constant 150000 : i32
    %add3A_48 = arith.addi %add3A_47, %mul3A_16 : i32
    "tpu.region"() ({
      %run_scoped3A = tpu.sem_alloc : memref<!tpu.dma_semaphore, #tpu.memory_space<semaphore_mem>>
      %dma_start3A = arith.constant 9600 : i32
      %dma_start3A_57 = tpu.memref_slice %arg7[%dma_start3A] : memref<10240xf32, #tpu.memory_space<vmem>> -> memref<640xf32, #tpu.memory_space<vmem>>
      %dma_start3A_58 = tpu.memref_slice %arg4[%add3A_48] : memref<160000xf32, #tpu.memory_space<vmem_shared>> -> memref<640xf32, #tpu.memory_space<vmem_shared>>
      %dma_start3A_59 = arith.constant 9600 : i32
      %dma_start3A_60 = tpu.memref_slice %arg7[%dma_start3A_59] : memref<10240xf32, #tpu.memory_space<vmem>> -> memref<640xf32, #tpu.memory_space<vmem>>
      %dma_start3A_61 = tpu.memref_slice %arg4[%add3A_48] : memref<160000xf32, #tpu.memory_space<vmem_shared>> -> memref<640xf32, #tpu.memory_space<vmem_shared>>
      tpu.enqueue_dma source(%dma_start3A_61 : memref<640xf32, #tpu.memory_space<vmem_shared>>) target(%dma_start3A_60 : memref<640xf32, #tpu.memory_space<vmem>>) target_semaphore(%run_scoped3A : memref<!tpu.dma_semaphore, #tpu.memory_space<semaphore_mem>>)
      %dma_wait3A = arith.constant 9600 : i32
      %dma_wait3A_62 = tpu.memref_slice %arg7[%dma_wait3A] : memref<10240xf32, #tpu.memory_space<vmem>> -> memref<640xf32, #tpu.memory_space<vmem>>
      %dma_wait3A_63 = tpu.memref_slice %arg4[%add3A_48] : memref<160000xf32, #tpu.memory_space<vmem_shared>> -> memref<640xf32, #tpu.memory_space<vmem_shared>>
      %dma_wait3A_64 = arith.constant 9600 : i32
      %dma_wait3A_65 = tpu.memref_slice %arg7[%dma_wait3A_64] : memref<10240xf32, #tpu.memory_space<vmem>> -> memref<640xf32, #tpu.memory_space<vmem>>
      %dma_wait3A_66 = tpu.memref_slice %arg4[%add3A_48] : memref<160000xf32, #tpu.memory_space<vmem_shared>> -> memref<640xf32, #tpu.memory_space<vmem_shared>>
      tpu.wait_dma2 semaphore(%run_scoped3A : memref<!tpu.dma_semaphore, #tpu.memory_space<semaphore_mem>>) src(%dma_wait3A_66 : memref<640xf32, #tpu.memory_space<vmem_shared>>) dst(%dma_wait3A_65 : memref<640xf32, #tpu.memory_space<vmem>>)
      tpu.yield
    }) : () -> ()
    %scan3A_49 = arith.constant 0 : i32
    %scan3A_50 = arith.constant 40 : i32
    %scan3A_51 = arith.addi %scan3A_49, %scan3A_50 : i32
    %scan3A_52 = arith.constant 1 : i32
    scf.for %scan3A_57 = %scan3A_49 to %scan3A_51 step %scan3A_52  : i32 {
      %mul3A_58 = arith.constant 1 : i32
      %mul3A_59 = arith.muli %scan3A_57, %mul3A_58 : i32
      %add3A_60 = arith.constant 0 : i32
      %add3A_61 = arith.addi %add3A_60, %mul3A_59 : i32
      %mul3A_62 = arith.constant 16 : i32
      %mul3A_63 = arith.muli %add3A_61, %mul3A_62 : i32
      %get3A = arith.index_cast %mul3A_63 : i32 to index
      %get3A_64 = tpu.vector_load %arg7[%get3A] {strides = array<i32>} : memref<10240xf32, #tpu.memory_space<vmem>>, vector<16xf32>,
      %mul3A_65 = arith.constant 16 : i32
      %mul3A_66 = arith.muli %add3A_61, %mul3A_65 : i32
      %add3A_67 = arith.constant 640 : i32
      %add3A_68 = arith.addi %add3A_67, %mul3A_66 : i32
      %get3A_69 = arith.index_cast %add3A_68 : i32 to index
      %get3A_70 = tpu.vector_load %arg7[%get3A_69] {strides = array<i32>} : memref<10240xf32, #tpu.memory_space<vmem>>, vector<16xf32>,
      %add3A_71 = arith.addf %get3A_64, %get3A_70 : vector<16xf32>
      %mul3A_72 = arith.constant 16 : i32
      %mul3A_73 = arith.muli %add3A_61, %mul3A_72 : i32
      %add3A_74 = arith.constant 1280 : i32
      %add3A_75 = arith.addi %add3A_74, %mul3A_73 : i32
      %get3A_76 = arith.index_cast %add3A_75 : i32 to index
      %get3A_77 = tpu.vector_load %arg7[%get3A_76] {strides = array<i32>} : memref<10240xf32, #tpu.memory_space<vmem>>, vector<16xf32>,
      %add3A_78 = arith.addf %add3A_71, %get3A_77 : vector<16xf32>
      %mul3A_79 = arith.constant 16 : i32
      %mul3A_80 = arith.muli %add3A_61, %mul3A_79 : i32
      %add3A_81 = arith.constant 1920 : i32
      %add3A_82 = arith.addi %add3A_81, %mul3A_80 : i32
      %get3A_83 = arith.index_cast %add3A_82 : i32 to index
      %get3A_84 = tpu.vector_load %arg7[%get3A_83] {strides = array<i32>} : memref<10240xf32, #tpu.memory_space<vmem>>, vector<16xf32>,
      %add3A_85 = arith.addf %add3A_78, %get3A_84 : vector<16xf32>
      %mul3A_86 = arith.constant 16 : i32
      %mul3A_87 = arith.muli %add3A_61, %mul3A_86 : i32
      %add3A_88 = arith.constant 2560 : i32
      %add3A_89 = arith.addi %add3A_88, %mul3A_87 : i32
      %get3A_90 = arith.index_cast %add3A_89 : i32 to index
      %get3A_91 = tpu.vector_load %arg7[%get3A_90] {strides = array<i32>} : memref<10240xf32, #tpu.memory_space<vmem>>, vector<16xf32>,
      %add3A_92 = arith.addf %add3A_85, %get3A_91 : vector<16xf32>
      %mul3A_93 = arith.constant 16 : i32
      %mul3A_94 = arith.muli %add3A_61, %mul3A_93 : i32
      %add3A_95 = arith.constant 3200 : i32
      %add3A_96 = arith.addi %add3A_95, %mul3A_94 : i32
      %get3A_97 = arith.index_cast %add3A_96 : i32 to index
      %get3A_98 = tpu.vector_load %arg7[%get3A_97] {strides = array<i32>} : memref<10240xf32, #tpu.memory_space<vmem>>, vector<16xf32>,
      %add3A_99 = arith.addf %add3A_92, %get3A_98 : vector<16xf32>
      %mul3A_100 = arith.constant 16 : i32
      %mul3A_101 = arith.muli %add3A_61, %mul3A_100 : i32
      %add3A_102 = arith.constant 3840 : i32
      %add3A_103 = arith.addi %add3A_102, %mul3A_101 : i32
      %get3A_104 = arith.index_cast %add3A_103 : i32 to index
      %get3A_105 = tpu.vector_load %arg7[%get3A_104] {strides = array<i32>} : memref<10240xf32, #tpu.memory_space<vmem>>, vector<16xf32>,
      %add3A_106 = arith.addf %add3A_99, %get3A_105 : vector<16xf32>
      %mul3A_107 = arith.constant 16 : i32
      %mul3A_108 = arith.muli %add3A_61, %mul3A_107 : i32
      %add3A_109 = arith.constant 4480 : i32
      %add3A_110 = arith.addi %add3A_109, %mul3A_108 : i32
      %get3A_111 = arith.index_cast %add3A_110 : i32 to index
      %get3A_112 = tpu.vector_load %arg7[%get3A_111] {strides = array<i32>} : memref<10240xf32, #tpu.memory_space<vmem>>, vector<16xf32>,
      %add3A_113 = arith.addf %add3A_106, %get3A_112 : vector<16xf32>
      %mul3A_114 = arith.constant 16 : i32
      %mul3A_115 = arith.muli %add3A_61, %mul3A_114 : i32
      %add3A_116 = arith.constant 5120 : i32
      %add3A_117 = arith.addi %add3A_116, %mul3A_115 : i32
      %get3A_118 = arith.index_cast %add3A_117 : i32 to index
      %get3A_119 = tpu.vector_load %arg7[%get3A_118] {strides = array<i32>} : memref<10240xf32, #tpu.memory_space<vmem>>, vector<16xf32>,
      %add3A_120 = arith.addf %add3A_113, %get3A_119 : vector<16xf32>
      %mul3A_121 = arith.constant 16 : i32
      %mul3A_122 = arith.muli %add3A_61, %mul3A_121 : i32
      %add3A_123 = arith.constant 5760 : i32
      %add3A_124 = arith.addi %add3A_123, %mul3A_122 : i32
      %get3A_125 = arith.index_cast %add3A_124 : i32 to index
      %get3A_126 = tpu.vector_load %arg7[%get3A_125] {strides = array<i32>} : memref<10240xf32, #tpu.memory_space<vmem>>, vector<16xf32>,
      %add3A_127 = arith.addf %add3A_120, %get3A_126 : vector<16xf32>
      %mul3A_128 = arith.constant 16 : i32
      %mul3A_129 = arith.muli %add3A_61, %mul3A_128 : i32
      %add3A_130 = arith.constant 6400 : i32
      %add3A_131 = arith.addi %add3A_130, %mul3A_129 : i32
      %get3A_132 = arith.index_cast %add3A_131 : i32 to index
      %get3A_133 = tpu.vector_load %arg7[%get3A_132] {strides = array<i32>} : memref<10240xf32, #tpu.memory_space<vmem>>, vector<16xf32>,
      %add3A_134 = arith.addf %add3A_127, %get3A_133 : vector<16xf32>
      %mul3A_135 = arith.constant 16 : i32
      %mul3A_136 = arith.muli %add3A_61, %mul3A_135 : i32
      %add3A_137 = arith.constant 7040 : i32
      %add3A_138 = arith.addi %add3A_137, %mul3A_136 : i32
      %get3A_139 = arith.index_cast %add3A_138 : i32 to index
      %get3A_140 = tpu.vector_load %arg7[%get3A_139] {strides = array<i32>} : memref<10240xf32, #tpu.memory_space<vmem>>, vector<16xf32>,
      %add3A_141 = arith.addf %add3A_134, %get3A_140 : vector<16xf32>
      %mul3A_142 = arith.constant 16 : i32
      %mul3A_143 = arith.muli %add3A_61, %mul3A_142 : i32
      %add3A_144 = arith.constant 7680 : i32
      %add3A_145 = arith.addi %add3A_144, %mul3A_143 : i32
      %get3A_146 = arith.index_cast %add3A_145 : i32 to index
      %get3A_147 = tpu.vector_load %arg7[%get3A_146] {strides = array<i32>} : memref<10240xf32, #tpu.memory_space<vmem>>, vector<16xf32>,
      %add3A_148 = arith.addf %add3A_141, %get3A_147 : vector<16xf32>
      %mul3A_149 = arith.constant 16 : i32
      %mul3A_150 = arith.muli %add3A_61, %mul3A_149 : i32
      %add3A_151 = arith.constant 8320 : i32
      %add3A_152 = arith.addi %add3A_151, %mul3A_150 : i32
      %get3A_153 = arith.index_cast %add3A_152 : i32 to index
      %get3A_154 = tpu.vector_load %arg7[%get3A_153] {strides = array<i32>} : memref<10240xf32, #tpu.memory_space<vmem>>, vector<16xf32>,
      %add3A_155 = arith.addf %add3A_148, %get3A_154 : vector<16xf32>
      %mul3A_156 = arith.constant 16 : i32
      %mul3A_157 = arith.muli %add3A_61, %mul3A_156 : i32
      %add3A_158 = arith.constant 8960 : i32
      %add3A_159 = arith.addi %add3A_158, %mul3A_157 : i32
      %get3A_160 = arith.index_cast %add3A_159 : i32 to index
      %get3A_161 = tpu.vector_load %arg7[%get3A_160] {strides = array<i32>} : memref<10240xf32, #tpu.memory_space<vmem>>, vector<16xf32>,
      %add3A_162 = arith.addf %add3A_155, %get3A_161 : vector<16xf32>
      %mul3A_163 = arith.constant 16 : i32
      %mul3A_164 = arith.muli %add3A_61, %mul3A_163 : i32
      %add3A_165 = arith.constant 9600 : i32
      %add3A_166 = arith.addi %add3A_165, %mul3A_164 : i32
      %get3A_167 = arith.index_cast %add3A_166 : i32 to index
      %get3A_168 = tpu.vector_load %arg7[%get3A_167] {strides = array<i32>} : memref<10240xf32, #tpu.memory_space<vmem>>, vector<16xf32>,
      %add3A_169 = arith.addf %add3A_162, %get3A_168 : vector<16xf32>
      %mul3A_170 = arith.constant 16 : i32
      %mul3A_171 = arith.muli %add3A_61, %mul3A_170 : i32
      %swap3A = arith.index_cast %mul3A_171 : i32 to index
      %swap3A_172 = tpu.vector_load %arg8[%swap3A] {strides = array<i32>} : memref<640xf32, #tpu.memory_space<vmem>>, vector<16xf32>,
      tpu.vector_store %arg8[%swap3A], %add3A_169 {strides = array<i32>} : memref<640xf32, #tpu.memory_space<vmem>>, vector<16xf32>,
    }
    %scan3A_53 = arith.constant 40 : i32
    %mul3A_54 = arith.constant 10000 : i32
    %mul3A_55 = arith.muli %arg0, %mul3A_54 : i32
    %add3A_56 = arith.addi %mul3A_55, %mul3A_16 : i32
    "tpu.region"() ({
      %run_scoped3A = tpu.sem_alloc : memref<!tpu.dma_semaphore, #tpu.memory_space<semaphore_mem>>
      %dma_start3A = tpu.memref_slice %arg3[%add3A_56] : memref<20000xf32, #tpu.memory_space<hbm>> -> memref<640xf32, #tpu.memory_space<hbm>>
      %dma_start3A_57 = tpu.memref_slice %arg3[%add3A_56] : memref<20000xf32, #tpu.memory_space<hbm>> -> memref<640xf32, #tpu.memory_space<hbm>>
      tpu.enqueue_dma source(%arg8 : memref<640xf32, #tpu.memory_space<vmem>>) target(%dma_start3A_57 : memref<640xf32, #tpu.memory_space<hbm>>) target_semaphore(%run_scoped3A : memref<!tpu.dma_semaphore, #tpu.memory_space<semaphore_mem>>)
      %dma_wait3A = tpu.memref_slice %arg3[%add3A_56] : memref<20000xf32, #tpu.memory_space<hbm>> -> memref<640xf32, #tpu.memory_space<hbm>>
      %dma_wait3A_58 = tpu.memref_slice %arg3[%add3A_56] : memref<20000xf32, #tpu.memory_space<hbm>> -> memref<640xf32, #tpu.memory_space<hbm>>
      tpu.wait_dma2 semaphore(%run_scoped3A : memref<!tpu.dma_semaphore, #tpu.memory_space<semaphore_mem>>) src(%arg8 : memref<640xf32, #tpu.memory_space<vmem>>) dst(%dma_wait3A_58 : memref<640xf32, #tpu.memory_space<hbm>>)
      tpu.yield
    }) : () -> ()
    return
  }
}

#map = affine_map<(d0, d1) -> (0, 0)>
module attributes {stable_mosaic.version = 14 : i64} {
  func.func @k(%arg0: i32, %arg1: i32, %arg2: memref<1280x128xi32, #tpu.memory_space<hbm>>, %arg3: memref<1280x128xi32, #tpu.memory_space<hbm>>, %arg4: memref<10000x128xf32, #tpu.memory_space<hbm>>, %arg5: memref<10000x128xf32, #tpu.memory_space<hbm>>, %arg6: memref<400x128xf32, #tpu.memory_space<hbm>>, %arg7: memref<10000x128xf32, #tpu.memory_space<hbm>>, %arg8: memref<10000x128xf32, #tpu.memory_space<hbm>>, %arg9: memref<10000x128xf32, #tpu.memory_space<vmem_shared>>, %arg10: memref<40x128xi32, #tpu.memory_space<vmem>>, %arg11: memref<40x128xi32, #tpu.memory_space<vmem>>, %arg12: memref<128x128xf32, #tpu.memory_space<vmem>>, %arg13: memref<128x128xf32, #tpu.memory_space<vmem>>, %arg14: memref<!tpu.dma_semaphore, #tpu.memory_space<semaphore_mem>>, %arg15: memref<!tpu.dma_semaphore, #tpu.memory_space<semaphore_mem>>) attributes {dimension_semantics = [#tpu.dimension_semantics<core_parallel>, #tpu.dimension_semantics<subcore_parallel>], iteration_bounds = array<i64: 2, 16>, scalar_prefetch = 0 : i64, scratch_operands = 7 : i64, tpu.core_type = #tpu.core_type<sc_vector_subcore>, window_params = [{transform_indices = #map}, {transform_indices = #map}, {transform_indices = #map}, {transform_indices = #map}, {transform_indices = #map}, {transform_indices = #map}, {transform_indices = #map}]} {
    %eq3A = arith.constant 0 : i32
    %eq3A_0 = arith.cmpi eq, %arg0, %eq3A : i32
    %convert_element_type3A = arith.extui %eq3A_0 : i1 to i32
    %cond3A = arith.constant 0 : i32
    %cond3A_1 = arith.cmpi ne, %convert_element_type3A, %cond3A : i32
    scf.if %cond3A_1 {
      %mul3A = arith.constant 2 : i32
      %mul3A_17 = arith.muli %mul3A, %arg1 : i32
      %add3A = arith.constant 0 : i32
      %add3A_18 = arith.addi %mul3A_17, %add3A : i32
      %mul3A_19 = arith.constant 40 : i32
      %mul3A_20 = arith.muli %mul3A_19, %add3A_18 : i32
      "tpu.region"() ({
        %run_scoped3A = tpu.sem_alloc : memref<!tpu.dma_semaphore, #tpu.memory_space<semaphore_mem>>
        %dma_start3A = arith.constant 0 : i32
        %dma_start3A_86 = tpu.memref_slice %arg2[%mul3A_20, %dma_start3A] : memref<1280x128xi32, #tpu.memory_space<hbm>> -> memref<40x128xi32, #tpu.memory_space<hbm>>
        %dma_start3A_87 = arith.constant 0 : i32
        %dma_start3A_88 = tpu.memref_slice %arg2[%mul3A_20, %dma_start3A_87] : memref<1280x128xi32, #tpu.memory_space<hbm>> -> memref<40x128xi32, #tpu.memory_space<hbm>>
        tpu.enqueue_dma source(%dma_start3A_88 : memref<40x128xi32, #tpu.memory_space<hbm>>) target(%arg10 : memref<40x128xi32, #tpu.memory_space<vmem>>) target_semaphore(%run_scoped3A : memref<!tpu.dma_semaphore, #tpu.memory_space<semaphore_mem>>)
        %dma_wait3A = arith.constant 0 : i32
        %dma_wait3A_89 = tpu.memref_slice %arg2[%mul3A_20, %dma_wait3A] : memref<1280x128xi32, #tpu.memory_space<hbm>> -> memref<40x128xi32, #tpu.memory_space<hbm>>
        %dma_wait3A_90 = arith.constant 0 : i32
        %dma_wait3A_91 = tpu.memref_slice %arg2[%mul3A_20, %dma_wait3A_90] : memref<1280x128xi32, #tpu.memory_space<hbm>> -> memref<40x128xi32, #tpu.memory_space<hbm>>
        tpu.wait_dma2 semaphore(%run_scoped3A : memref<!tpu.dma_semaphore, #tpu.memory_space<semaphore_mem>>) src(%dma_wait3A_91 : memref<40x128xi32, #tpu.memory_space<hbm>>) dst(%arg10 : memref<40x128xi32, #tpu.memory_space<vmem>>)
        tpu.yield
      }) : () -> ()
      "tpu.region"() ({
        %run_scoped3A = tpu.sem_alloc : memref<!tpu.dma_semaphore, #tpu.memory_space<semaphore_mem>>
        %dma_start3A = arith.constant 0 : i32
        %dma_start3A_86 = tpu.memref_slice %arg3[%mul3A_20, %dma_start3A] : memref<1280x128xi32, #tpu.memory_space<hbm>> -> memref<40x128xi32, #tpu.memory_space<hbm>>
        %dma_start3A_87 = arith.constant 0 : i32
        %dma_start3A_88 = tpu.memref_slice %arg3[%mul3A_20, %dma_start3A_87] : memref<1280x128xi32, #tpu.memory_space<hbm>> -> memref<40x128xi32, #tpu.memory_space<hbm>>
        tpu.enqueue_dma source(%dma_start3A_88 : memref<40x128xi32, #tpu.memory_space<hbm>>) target(%arg11 : memref<40x128xi32, #tpu.memory_space<vmem>>) target_semaphore(%run_scoped3A : memref<!tpu.dma_semaphore, #tpu.memory_space<semaphore_mem>>)
        %dma_wait3A = arith.constant 0 : i32
        %dma_wait3A_89 = tpu.memref_slice %arg3[%mul3A_20, %dma_wait3A] : memref<1280x128xi32, #tpu.memory_space<hbm>> -> memref<40x128xi32, #tpu.memory_space<hbm>>
        %dma_wait3A_90 = arith.constant 0 : i32
        %dma_wait3A_91 = tpu.memref_slice %arg3[%mul3A_20, %dma_wait3A_90] : memref<1280x128xi32, #tpu.memory_space<hbm>> -> memref<40x128xi32, #tpu.memory_space<hbm>>
        tpu.wait_dma2 semaphore(%run_scoped3A : memref<!tpu.dma_semaphore, #tpu.memory_space<semaphore_mem>>) src(%dma_wait3A_91 : memref<40x128xi32, #tpu.memory_space<hbm>>) dst(%arg11 : memref<40x128xi32, #tpu.memory_space<vmem>>)
        tpu.yield
      }) : () -> ()
      %add3A_21 = arith.constant 0 : i32
      %add3A_22 = arith.addi %mul3A_20, %add3A_21 : i32
      %lt3A = arith.constant 1250 : i32
      %lt3A_23 = arith.cmpi slt, %add3A_22, %lt3A : i32
      %and3A = arith.constant true
      %and3A_24 = arith.andi %lt3A_23, %and3A : i1
      %convert_element_type3A_25 = arith.extui %and3A_24 : i1 to i32
      %cond3A_26 = arith.constant 0 : i32
      %cond3A_27 = arith.cmpi ne, %convert_element_type3A_25, %cond3A_26 : i32
      scf.if %cond3A_27 {
        %dma_start3A = arith.constant 0 : i32
        %dma_start3A_86 = arith.constant 0 : i32
        %dma_start3A_87 = tpu.memref_slice %arg10[%dma_start3A, %dma_start3A_86] : memref<40x128xi32, #tpu.memory_space<vmem>> -> memref<1x128xi32, #tpu.memory_space<vmem>>
        %dma_start3A_88 = tpu.memref_squeeze %dma_start3A_87 : memref<1x128xi32, #tpu.memory_space<vmem>> -> memref<128xi32, #tpu.memory_space<vmem>>
        %dma_start3A_89 = arith.constant 0 : i32
        %dma_start3A_90 = arith.constant 0 : i32
        %dma_start3A_91 = tpu.memref_slice %arg4[%dma_start3A_89, %dma_start3A_90] : memref<10000x128xf32, #tpu.memory_space<hbm>> -> memref<10000x128xf32, #tpu.memory_space<hbm>>
        tpu.enqueue_indirect_dma source(%dma_start3A_91 : memref<10000x128xf32, #tpu.memory_space<hbm>>) target(%arg12 : memref<128x128xf32, #tpu.memory_space<vmem>>) offsets(%dma_start3A_88 : memref<128xi32, #tpu.memory_space<vmem>>) semaphore(%arg14 : memref<!tpu.dma_semaphore, #tpu.memory_space<semaphore_mem>>)
      } else {
      }
      %add3A_28 = arith.constant 1 : i32
      %add3A_29 = arith.addi %mul3A_20, %add3A_28 : i32
      %lt3A_30 = arith.constant 1250 : i32
      %lt3A_31 = arith.cmpi slt, %add3A_29, %lt3A_30 : i32
      %and3A_32 = arith.constant true
      %and3A_33 = arith.andi %lt3A_31, %and3A_32 : i1
      %convert_element_type3A_34 = arith.extui %and3A_33 : i1 to i32
      %cond3A_35 = arith.constant 0 : i32
      %cond3A_36 = arith.cmpi ne, %convert_element_type3A_34, %cond3A_35 : i32
      scf.if %cond3A_36 {
        %dma_start3A = arith.constant 1 : i32
        %dma_start3A_86 = arith.constant 0 : i32
        %dma_start3A_87 = tpu.memref_slice %arg10[%dma_start3A, %dma_start3A_86] : memref<40x128xi32, #tpu.memory_space<vmem>> -> memref<1x128xi32, #tpu.memory_space<vmem>>
        %dma_start3A_88 = tpu.memref_squeeze %dma_start3A_87 : memref<1x128xi32, #tpu.memory_space<vmem>> -> memref<128xi32, #tpu.memory_space<vmem>>
        %dma_start3A_89 = arith.constant 0 : i32
        %dma_start3A_90 = arith.constant 0 : i32
        %dma_start3A_91 = tpu.memref_slice %arg4[%dma_start3A_89, %dma_start3A_90] : memref<10000x128xf32, #tpu.memory_space<hbm>> -> memref<10000x128xf32, #tpu.memory_space<hbm>>
        tpu.enqueue_indirect_dma source(%dma_start3A_91 : memref<10000x128xf32, #tpu.memory_space<hbm>>) target(%arg13 : memref<128x128xf32, #tpu.memory_space<vmem>>) offsets(%dma_start3A_88 : memref<128xi32, #tpu.memory_space<vmem>>) semaphore(%arg15 : memref<!tpu.dma_semaphore, #tpu.memory_space<semaphore_mem>>)
      } else {
      }
      %sub3A = arith.constant 25 : i32
      %sub3A_37 = arith.subi %sub3A, %arg1 : i32
      %sub3A_38 = arith.constant 16 : i32
      %sub3A_39 = arith.constant 1 : i32
      %sub3A_40 = arith.subi %sub3A_38, %sub3A_39 : i32
      %add3A_41 = arith.addi %sub3A_37, %sub3A_40 : i32
      %div3A = arith.constant 16 : i32
      %div3A_42 = arith.divsi %add3A_41, %div3A : i32
      %while3A = arith.constant 16 : i32
      %while3A_43 = arith.constant 0 : i32
      %while3A_44 = arith.subi %div3A_42, %while3A_43 : i32
      %while3A_45 = arith.addi %while3A_43, %while3A_44 : i32
      %while3A_46 = arith.constant 1 : i32
      %while3A_47 = arith.divsi %while3A_44, %while3A_46 : i32
      %while3A_48 = arith.muli %while3A_47, %while3A_46 : i32
      %while3A_49 = arith.addi %while3A_43, %while3A_48 : i32
      %while3A_50 = arith.constant 1 : i32
      scf.for %while3A_86 = %while3A_43 to %while3A_49 step %while3A_50  : i32 {
        %mul3A_87 = arith.muli %while3A_86, %while3A : i32
        %add3A_88 = arith.addi %arg1, %mul3A_87 : i32
        %mul3A_89 = arith.constant 400 : i32
        %mul3A_90 = arith.muli %add3A_88, %mul3A_89 : i32
        "tpu.region"() ({
          %run_scoped3A = tpu.sem_alloc : memref<!tpu.dma_semaphore, #tpu.memory_space<semaphore_mem>>
          %dma_start3A = arith.constant 0 : i32
          %dma_start3A_91 = tpu.memref_slice %arg9[%mul3A_90, %dma_start3A] : memref<10000x128xf32, #tpu.memory_space<vmem_shared>> -> memref<400x128xf32, #tpu.memory_space<vmem_shared>>
          tpu.enqueue_dma source(%arg6 : memref<400x128xf32, #tpu.memory_space<hbm>>) target(%dma_start3A_91 : memref<400x128xf32, #tpu.memory_space<vmem_shared>>) target_semaphore(%run_scoped3A : memref<!tpu.dma_semaphore, #tpu.memory_space<semaphore_mem>>)
          %dma_wait3A = arith.constant 0 : i32
          %dma_wait3A_92 = tpu.memref_slice %arg9[%mul3A_90, %dma_wait3A] : memref<10000x128xf32, #tpu.memory_space<vmem_shared>> -> memref<400x128xf32, #tpu.memory_space<vmem_shared>>
          tpu.wait_dma2 semaphore(%run_scoped3A : memref<!tpu.dma_semaphore, #tpu.memory_space<semaphore_mem>>) src(%arg6 : memref<400x128xf32, #tpu.memory_space<hbm>>) dst(%dma_wait3A_92 : memref<400x128xf32, #tpu.memory_space<vmem_shared>>)
          tpu.yield
        }) : () -> ()
      }
      %while3A_51 = arith.constant 1 : i32
      scf.for %while3A_86 = %while3A_49 to %while3A_45 step %while3A_51  : i32 {
        %mul3A_87 = arith.muli %while3A_86, %while3A : i32
        %add3A_88 = arith.addi %arg1, %mul3A_87 : i32
        %mul3A_89 = arith.constant 400 : i32
        %mul3A_90 = arith.muli %add3A_88, %mul3A_89 : i32
        "tpu.region"() ({
          %run_scoped3A = tpu.sem_alloc : memref<!tpu.dma_semaphore, #tpu.memory_space<semaphore_mem>>
          %dma_start3A = arith.constant 0 : i32
          %dma_start3A_91 = tpu.memref_slice %arg9[%mul3A_90, %dma_start3A] : memref<10000x128xf32, #tpu.memory_space<vmem_shared>> -> memref<400x128xf32, #tpu.memory_space<vmem_shared>>
          tpu.enqueue_dma source(%arg6 : memref<400x128xf32, #tpu.memory_space<hbm>>) target(%dma_start3A_91 : memref<400x128xf32, #tpu.memory_space<vmem_shared>>) target_semaphore(%run_scoped3A : memref<!tpu.dma_semaphore, #tpu.memory_space<semaphore_mem>>)
          %dma_wait3A = arith.constant 0 : i32
          %dma_wait3A_92 = tpu.memref_slice %arg9[%mul3A_90, %dma_wait3A] : memref<10000x128xf32, #tpu.memory_space<vmem_shared>> -> memref<400x128xf32, #tpu.memory_space<vmem_shared>>
          tpu.wait_dma2 semaphore(%run_scoped3A : memref<!tpu.dma_semaphore, #tpu.memory_space<semaphore_mem>>) src(%arg6 : memref<400x128xf32, #tpu.memory_space<hbm>>) dst(%dma_wait3A_92 : memref<400x128xf32, #tpu.memory_space<vmem_shared>>)
          tpu.yield
        }) : () -> ()
      }
      %barrier3A_52 = arith.constant 0 : index
      tpu.barrier barrier_id(%barrier3A_52)
      %scan3A = arith.constant 0 : i32
      %scan3A_53 = arith.constant 20 : i32
      %scan3A_54 = arith.addi %scan3A, %scan3A_53 : i32
      %scan3A_55 = arith.constant 1 : i32
      scf.for %scan3A_86 = %scan3A to %scan3A_54 step %scan3A_55  : i32 {
        %mul3A_87 = arith.constant 1 : i32
        %mul3A_88 = arith.muli %scan3A_86, %mul3A_87 : i32
        %add3A_89 = arith.constant 0 : i32
        %add3A_90 = arith.addi %add3A_89, %mul3A_88 : i32
        %mul3A_91 = arith.constant 2 : i32
        %mul3A_92 = arith.muli %mul3A_91, %add3A_90 : i32
        %add3A_93 = arith.constant 0 : i32
        %add3A_94 = arith.addi %mul3A_92, %add3A_93 : i32
        %add3A_95 = arith.addi %mul3A_20, %add3A_94 : i32
        %lt3A_96 = arith.constant 1250 : i32
        %lt3A_97 = arith.cmpi slt, %add3A_95, %lt3A_96 : i32
        %convert_element_type3A_98 = arith.extui %lt3A_97 : i1 to i32
        %cond3A_99 = arith.constant 0 : i32
        %cond3A_100 = arith.cmpi ne, %convert_element_type3A_98, %cond3A_99 : i32
        scf.if %cond3A_100 {
          %dma_wait3A = arith.constant 0 : i32
          %dma_wait3A_111 = tpu.memref_slice %arg10[%add3A_94, %dma_wait3A] : memref<40x128xi32, #tpu.memory_space<vmem>> -> memref<1x128xi32, #tpu.memory_space<vmem>>
          %dma_wait3A_112 = tpu.memref_squeeze %dma_wait3A_111 : memref<1x128xi32, #tpu.memory_space<vmem>> -> memref<128xi32, #tpu.memory_space<vmem>>
          %dma_wait3A_113 = arith.constant 0 : i32
          %dma_wait3A_114 = arith.constant 0 : i32
          %dma_wait3A_115 = tpu.memref_slice %arg4[%dma_wait3A_113, %dma_wait3A_114] : memref<10000x128xf32, #tpu.memory_space<hbm>> -> memref<10000x128xf32, #tpu.memory_space<hbm>>
          tpu.wait_indirect_dma semaphore(%arg14 : memref<!tpu.dma_semaphore, #tpu.memory_space<semaphore_mem>>) src(%dma_wait3A_115 : memref<10000x128xf32, #tpu.memory_space<hbm>>) dst(%arg12 : memref<128x128xf32, #tpu.memory_space<vmem>>)
          "tpu.region"() ({
            %run_scoped3A = tpu.sem_alloc : memref<!tpu.dma_semaphore, #tpu.memory_space<semaphore_mem>>
            %dma_start3A = arith.constant 0 : i32
            %dma_start3A_127 = tpu.memref_slice %arg11[%add3A_94, %dma_start3A] : memref<40x128xi32, #tpu.memory_space<vmem>> -> memref<1x128xi32, #tpu.memory_space<vmem>>
            %dma_start3A_128 = tpu.memref_squeeze %dma_start3A_127 : memref<1x128xi32, #tpu.memory_space<vmem>> -> memref<128xi32, #tpu.memory_space<vmem>>
            %dma_start3A_129 = arith.constant 0 : i32
            %dma_start3A_130 = arith.constant 0 : i32
            %dma_start3A_131 = tpu.memref_slice %arg9[%dma_start3A_129, %dma_start3A_130] : memref<10000x128xf32, #tpu.memory_space<vmem_shared>> -> memref<10000x128xf32, #tpu.memory_space<vmem_shared>>
            tpu.enqueue_indirect_dma source(%arg12 : memref<128x128xf32, #tpu.memory_space<vmem>>) target(%dma_start3A_131 : memref<10000x128xf32, #tpu.memory_space<vmem_shared>>) offsets(%dma_start3A_128 : memref<128xi32, #tpu.memory_space<vmem>>) semaphore(%run_scoped3A : memref<!tpu.dma_semaphore, #tpu.memory_space<semaphore_mem>>) {add = true}
            %dma_wait3A_132 = arith.constant 0 : i32
            %dma_wait3A_133 = tpu.memref_slice %arg11[%add3A_94, %dma_wait3A_132] : memref<40x128xi32, #tpu.memory_space<vmem>> -> memref<1x128xi32, #tpu.memory_space<vmem>>
            %dma_wait3A_134 = tpu.memref_squeeze %dma_wait3A_133 : memref<1x128xi32, #tpu.memory_space<vmem>> -> memref<128xi32, #tpu.memory_space<vmem>>
            %dma_wait3A_135 = arith.constant 0 : i32
            %dma_wait3A_136 = arith.constant 0 : i32
            %dma_wait3A_137 = tpu.memref_slice %arg9[%dma_wait3A_135, %dma_wait3A_136] : memref<10000x128xf32, #tpu.memory_space<vmem_shared>> -> memref<10000x128xf32, #tpu.memory_space<vmem_shared>>
            tpu.wait_indirect_dma semaphore(%run_scoped3A : memref<!tpu.dma_semaphore, #tpu.memory_space<semaphore_mem>>) src(%arg12 : memref<128x128xf32, #tpu.memory_space<vmem>>) dst(%dma_wait3A_137 : memref<10000x128xf32, #tpu.memory_space<vmem_shared>>)
            tpu.yield
          }) : () -> ()
          %add3A_116 = arith.constant 2 : i32
          %add3A_117 = arith.addi %add3A_94, %add3A_116 : i32
          %add3A_118 = arith.addi %mul3A_20, %add3A_117 : i32
          %lt3A_119 = arith.constant 1250 : i32
          %lt3A_120 = arith.cmpi slt, %add3A_118, %lt3A_119 : i32
          %lt3A_121 = arith.constant 40 : i32
          %lt3A_122 = arith.cmpi slt, %add3A_117, %lt3A_121 : i32
          %and3A_123 = arith.andi %lt3A_120, %lt3A_122 : i1
          %convert_element_type3A_124 = arith.extui %and3A_123 : i1 to i32
          %cond3A_125 = arith.constant 0 : i32
          %cond3A_126 = arith.cmpi ne, %convert_element_type3A_124, %cond3A_125 : i32
          scf.if %cond3A_126 {
            %dma_start3A = arith.constant 0 : i32
            %dma_start3A_127 = tpu.memref_slice %arg10[%add3A_117, %dma_start3A] : memref<40x128xi32, #tpu.memory_space<vmem>> -> memref<1x128xi32, #tpu.memory_space<vmem>>
            %dma_start3A_128 = tpu.memref_squeeze %dma_start3A_127 : memref<1x128xi32, #tpu.memory_space<vmem>> -> memref<128xi32, #tpu.memory_space<vmem>>
            %dma_start3A_129 = arith.constant 0 : i32
            %dma_start3A_130 = arith.constant 0 : i32
            %dma_start3A_131 = tpu.memref_slice %arg4[%dma_start3A_129, %dma_start3A_130] : memref<10000x128xf32, #tpu.memory_space<hbm>> -> memref<10000x128xf32, #tpu.memory_space<hbm>>
            tpu.enqueue_indirect_dma source(%dma_start3A_131 : memref<10000x128xf32, #tpu.memory_space<hbm>>) target(%arg12 : memref<128x128xf32, #tpu.memory_space<vmem>>) offsets(%dma_start3A_128 : memref<128xi32, #tpu.memory_space<vmem>>) semaphore(%arg14 : memref<!tpu.dma_semaphore, #tpu.memory_space<semaphore_mem>>)
          } else {
          }
        } else {
        }
        %mul3A_101 = arith.constant 2 : i32
        %mul3A_102 = arith.muli %mul3A_101, %add3A_90 : i32
        %add3A_103 = arith.constant 1 : i32
        %add3A_104 = arith.addi %mul3A_102, %add3A_103 : i32
        %add3A_105 = arith.addi %mul3A_20, %add3A_104 : i32
        %lt3A_106 = arith.constant 1250 : i32
        %lt3A_107 = arith.cmpi slt, %add3A_105, %lt3A_106 : i32
        %convert_element_type3A_108 = arith.extui %lt3A_107 : i1 to i32
        %cond3A_109 = arith.constant 0 : i32
        %cond3A_110 = arith.cmpi ne, %convert_element_type3A_108, %cond3A_109 : i32
        scf.if %cond3A_110 {
          %dma_wait3A = arith.constant 0 : i32
          %dma_wait3A_111 = tpu.memref_slice %arg10[%add3A_104, %dma_wait3A] : memref<40x128xi32, #tpu.memory_space<vmem>> -> memref<1x128xi32, #tpu.memory_space<vmem>>
          %dma_wait3A_112 = tpu.memref_squeeze %dma_wait3A_111 : memref<1x128xi32, #tpu.memory_space<vmem>> -> memref<128xi32, #tpu.memory_space<vmem>>
          %dma_wait3A_113 = arith.constant 0 : i32
          %dma_wait3A_114 = arith.constant 0 : i32
          %dma_wait3A_115 = tpu.memref_slice %arg4[%dma_wait3A_113, %dma_wait3A_114] : memref<10000x128xf32, #tpu.memory_space<hbm>> -> memref<10000x128xf32, #tpu.memory_space<hbm>>
          tpu.wait_indirect_dma semaphore(%arg15 : memref<!tpu.dma_semaphore, #tpu.memory_space<semaphore_mem>>) src(%dma_wait3A_115 : memref<10000x128xf32, #tpu.memory_space<hbm>>) dst(%arg13 : memref<128x128xf32, #tpu.memory_space<vmem>>)
          "tpu.region"() ({
            %run_scoped3A = tpu.sem_alloc : memref<!tpu.dma_semaphore, #tpu.memory_space<semaphore_mem>>
            %dma_start3A = arith.constant 0 : i32
            %dma_start3A_127 = tpu.memref_slice %arg11[%add3A_104, %dma_start3A] : memref<40x128xi32, #tpu.memory_space<vmem>> -> memref<1x128xi32, #tpu.memory_space<vmem>>
            %dma_start3A_128 = tpu.memref_squeeze %dma_start3A_127 : memref<1x128xi32, #tpu.memory_space<vmem>> -> memref<128xi32, #tpu.memory_space<vmem>>
            %dma_start3A_129 = arith.constant 0 : i32
            %dma_start3A_130 = arith.constant 0 : i32
            %dma_start3A_131 = tpu.memref_slice %arg9[%dma_start3A_129, %dma_start3A_130] : memref<10000x128xf32, #tpu.memory_space<vmem_shared>> -> memref<10000x128xf32, #tpu.memory_space<vmem_shared>>
            tpu.enqueue_indirect_dma source(%arg13 : memref<128x128xf32, #tpu.memory_space<vmem>>) target(%dma_start3A_131 : memref<10000x128xf32, #tpu.memory_space<vmem_shared>>) offsets(%dma_start3A_128 : memref<128xi32, #tpu.memory_space<vmem>>) semaphore(%run_scoped3A : memref<!tpu.dma_semaphore, #tpu.memory_space<semaphore_mem>>) {add = true}
            %dma_wait3A_132 = arith.constant 0 : i32
            %dma_wait3A_133 = tpu.memref_slice %arg11[%add3A_104, %dma_wait3A_132] : memref<40x128xi32, #tpu.memory_space<vmem>> -> memref<1x128xi32, #tpu.memory_space<vmem>>
            %dma_wait3A_134 = tpu.memref_squeeze %dma_wait3A_133 : memref<1x128xi32, #tpu.memory_space<vmem>> -> memref<128xi32, #tpu.memory_space<vmem>>
            %dma_wait3A_135 = arith.constant 0 : i32
            %dma_wait3A_136 = arith.constant 0 : i32
            %dma_wait3A_137 = tpu.memref_slice %arg9[%dma_wait3A_135, %dma_wait3A_136] : memref<10000x128xf32, #tpu.memory_space<vmem_shared>> -> memref<10000x128xf32, #tpu.memory_space<vmem_shared>>
            tpu.wait_indirect_dma semaphore(%run_scoped3A : memref<!tpu.dma_semaphore, #tpu.memory_space<semaphore_mem>>) src(%arg13 : memref<128x128xf32, #tpu.memory_space<vmem>>) dst(%dma_wait3A_137 : memref<10000x128xf32, #tpu.memory_space<vmem_shared>>)
            tpu.yield
          }) : () -> ()
          %add3A_116 = arith.constant 2 : i32
          %add3A_117 = arith.addi %add3A_104, %add3A_116 : i32
          %add3A_118 = arith.addi %mul3A_20, %add3A_117 : i32
          %lt3A_119 = arith.constant 1250 : i32
          %lt3A_120 = arith.cmpi slt, %add3A_118, %lt3A_119 : i32
          %lt3A_121 = arith.constant 40 : i32
          %lt3A_122 = arith.cmpi slt, %add3A_117, %lt3A_121 : i32
          %and3A_123 = arith.andi %lt3A_120, %lt3A_122 : i1
          %convert_element_type3A_124 = arith.extui %and3A_123 : i1 to i32
          %cond3A_125 = arith.constant 0 : i32
          %cond3A_126 = arith.cmpi ne, %convert_element_type3A_124, %cond3A_125 : i32
          scf.if %cond3A_126 {
            %dma_start3A = arith.constant 0 : i32
            %dma_start3A_127 = tpu.memref_slice %arg10[%add3A_117, %dma_start3A] : memref<40x128xi32, #tpu.memory_space<vmem>> -> memref<1x128xi32, #tpu.memory_space<vmem>>
            %dma_start3A_128 = tpu.memref_squeeze %dma_start3A_127 : memref<1x128xi32, #tpu.memory_space<vmem>> -> memref<128xi32, #tpu.memory_space<vmem>>
            %dma_start3A_129 = arith.constant 0 : i32
            %dma_start3A_130 = arith.constant 0 : i32
            %dma_start3A_131 = tpu.memref_slice %arg4[%dma_start3A_129, %dma_start3A_130] : memref<10000x128xf32, #tpu.memory_space<hbm>> -> memref<10000x128xf32, #tpu.memory_space<hbm>>
            tpu.enqueue_indirect_dma source(%dma_start3A_131 : memref<10000x128xf32, #tpu.memory_space<hbm>>) target(%arg13 : memref<128x128xf32, #tpu.memory_space<vmem>>) offsets(%dma_start3A_128 : memref<128xi32, #tpu.memory_space<vmem>>) semaphore(%arg15 : memref<!tpu.dma_semaphore, #tpu.memory_space<semaphore_mem>>)
          } else {
          }
        } else {
        }
      }
      %scan3A_56 = arith.constant 20 : i32
      %mul3A_57 = arith.constant 2 : i32
      %mul3A_58 = arith.muli %mul3A_57, %arg1 : i32
      %add3A_59 = arith.constant 1 : i32
      %add3A_60 = arith.addi %mul3A_58, %add3A_59 : i32
      %mul3A_61 = arith.constant 40 : i32
      %mul3A_62 = arith.muli %mul3A_61, %add3A_60 : i32
      "tpu.region"() ({
        %run_scoped3A = tpu.sem_alloc : memref<!tpu.dma_semaphore, #tpu.memory_space<semaphore_mem>>
        %dma_start3A = arith.constant 0 : i32
        %dma_start3A_86 = tpu.memref_slice %arg2[%mul3A_62, %dma_start3A] : memref<1280x128xi32, #tpu.memory_space<hbm>> -> memref<40x128xi32, #tpu.memory_space<hbm>>
        %dma_start3A_87 = arith.constant 0 : i32
        %dma_start3A_88 = tpu.memref_slice %arg2[%mul3A_62, %dma_start3A_87] : memref<1280x128xi32, #tpu.memory_space<hbm>> -> memref<40x128xi32, #tpu.memory_space<hbm>>
        tpu.enqueue_dma source(%dma_start3A_88 : memref<40x128xi32, #tpu.memory_space<hbm>>) target(%arg10 : memref<40x128xi32, #tpu.memory_space<vmem>>) target_semaphore(%run_scoped3A : memref<!tpu.dma_semaphore, #tpu.memory_space<semaphore_mem>>)
        %dma_wait3A = arith.constant 0 : i32
        %dma_wait3A_89 = tpu.memref_slice %arg2[%mul3A_62, %dma_wait3A] : memref<1280x128xi32, #tpu.memory_space<hbm>> -> memref<40x128xi32, #tpu.memory_space<hbm>>
        %dma_wait3A_90 = arith.constant 0 : i32
        %dma_wait3A_91 = tpu.memref_slice %arg2[%mul3A_62, %dma_wait3A_90] : memref<1280x128xi32, #tpu.memory_space<hbm>> -> memref<40x128xi32, #tpu.memory_space<hbm>>
        tpu.wait_dma2 semaphore(%run_scoped3A : memref<!tpu.dma_semaphore, #tpu.memory_space<semaphore_mem>>) src(%dma_wait3A_91 : memref<40x128xi32, #tpu.memory_space<hbm>>) dst(%arg10 : memref<40x128xi32, #tpu.memory_space<vmem>>)
        tpu.yield
      }) : () -> ()
      "tpu.region"() ({
        %run_scoped3A = tpu.sem_alloc : memref<!tpu.dma_semaphore, #tpu.memory_space<semaphore_mem>>
        %dma_start3A = arith.constant 0 : i32
        %dma_start3A_86 = tpu.memref_slice %arg3[%mul3A_62, %dma_start3A] : memref<1280x128xi32, #tpu.memory_space<hbm>> -> memref<40x128xi32, #tpu.memory_space<hbm>>
        %dma_start3A_87 = arith.constant 0 : i32
        %dma_start3A_88 = tpu.memref_slice %arg3[%mul3A_62, %dma_start3A_87] : memref<1280x128xi32, #tpu.memory_space<hbm>> -> memref<40x128xi32, #tpu.memory_space<hbm>>
        tpu.enqueue_dma source(%dma_start3A_88 : memref<40x128xi32, #tpu.memory_space<hbm>>) target(%arg11 : memref<40x128xi32, #tpu.memory_space<vmem>>) target_semaphore(%run_scoped3A : memref<!tpu.dma_semaphore, #tpu.memory_space<semaphore_mem>>)
        %dma_wait3A = arith.constant 0 : i32
        %dma_wait3A_89 = tpu.memref_slice %arg3[%mul3A_62, %dma_wait3A] : memref<1280x128xi32, #tpu.memory_space<hbm>> -> memref<40x128xi32, #tpu.memory_space<hbm>>
        %dma_wait3A_90 = arith.constant 0 : i32
        %dma_wait3A_91 = tpu.memref_slice %arg3[%mul3A_62, %dma_wait3A_90] : memref<1280x128xi32, #tpu.memory_space<hbm>> -> memref<40x128xi32, #tpu.memory_space<hbm>>
        tpu.wait_dma2 semaphore(%run_scoped3A : memref<!tpu.dma_semaphore, #tpu.memory_space<semaphore_mem>>) src(%dma_wait3A_91 : memref<40x128xi32, #tpu.memory_space<hbm>>) dst(%arg11 : memref<40x128xi32, #tpu.memory_space<vmem>>)
        tpu.yield
      }) : () -> ()
      %add3A_63 = arith.constant 0 : i32
      %add3A_64 = arith.addi %mul3A_62, %add3A_63 : i32
      %lt3A_65 = arith.constant 1250 : i32
      %lt3A_66 = arith.cmpi slt, %add3A_64, %lt3A_65 : i32
      %and3A_67 = arith.constant true
      %and3A_68 = arith.andi %lt3A_66, %and3A_67 : i1
      %convert_element_type3A_69 = arith.extui %and3A_68 : i1 to i32
      %cond3A_70 = arith.constant 0 : i32
      %cond3A_71 = arith.cmpi ne, %convert_element_type3A_69, %cond3A_70 : i32
      scf.if %cond3A_71 {
        %dma_start3A = arith.constant 0 : i32
        %dma_start3A_86 = arith.constant 0 : i32
        %dma_start3A_87 = tpu.memref_slice %arg10[%dma_start3A, %dma_start3A_86] : memref<40x128xi32, #tpu.memory_space<vmem>> -> memref<1x128xi32, #tpu.memory_space<vmem>>
        %dma_start3A_88 = tpu.memref_squeeze %dma_start3A_87 : memref<1x128xi32, #tpu.memory_space<vmem>> -> memref<128xi32, #tpu.memory_space<vmem>>
        %dma_start3A_89 = arith.constant 0 : i32
        %dma_start3A_90 = arith.constant 0 : i32
        %dma_start3A_91 = tpu.memref_slice %arg4[%dma_start3A_89, %dma_start3A_90] : memref<10000x128xf32, #tpu.memory_space<hbm>> -> memref<10000x128xf32, #tpu.memory_space<hbm>>
        tpu.enqueue_indirect_dma source(%dma_start3A_91 : memref<10000x128xf32, #tpu.memory_space<hbm>>) target(%arg12 : memref<128x128xf32, #tpu.memory_space<vmem>>) offsets(%dma_start3A_88 : memref<128xi32, #tpu.memory_space<vmem>>) semaphore(%arg14 : memref<!tpu.dma_semaphore, #tpu.memory_space<semaphore_mem>>)
      } else {
      }
      %add3A_72 = arith.constant 1 : i32
      %add3A_73 = arith.addi %mul3A_62, %add3A_72 : i32
      %lt3A_74 = arith.constant 1250 : i32
      %lt3A_75 = arith.cmpi slt, %add3A_73, %lt3A_74 : i32
      %and3A_76 = arith.constant true
      %and3A_77 = arith.andi %lt3A_75, %and3A_76 : i1
      %convert_element_type3A_78 = arith.extui %and3A_77 : i1 to i32
      %cond3A_79 = arith.constant 0 : i32
      %cond3A_80 = arith.cmpi ne, %convert_element_type3A_78, %cond3A_79 : i32
      scf.if %cond3A_80 {
        %dma_start3A = arith.constant 1 : i32
        %dma_start3A_86 = arith.constant 0 : i32
        %dma_start3A_87 = tpu.memref_slice %arg10[%dma_start3A, %dma_start3A_86] : memref<40x128xi32, #tpu.memory_space<vmem>> -> memref<1x128xi32, #tpu.memory_space<vmem>>
        %dma_start3A_88 = tpu.memref_squeeze %dma_start3A_87 : memref<1x128xi32, #tpu.memory_space<vmem>> -> memref<128xi32, #tpu.memory_space<vmem>>
        %dma_start3A_89 = arith.constant 0 : i32
        %dma_start3A_90 = arith.constant 0 : i32
        %dma_start3A_91 = tpu.memref_slice %arg4[%dma_start3A_89, %dma_start3A_90] : memref<10000x128xf32, #tpu.memory_space<hbm>> -> memref<10000x128xf32, #tpu.memory_space<hbm>>
        tpu.enqueue_indirect_dma source(%dma_start3A_91 : memref<10000x128xf32, #tpu.memory_space<hbm>>) target(%arg13 : memref<128x128xf32, #tpu.memory_space<vmem>>) offsets(%dma_start3A_88 : memref<128xi32, #tpu.memory_space<vmem>>) semaphore(%arg15 : memref<!tpu.dma_semaphore, #tpu.memory_space<semaphore_mem>>)
      } else {
      }
      %scan3A_81 = arith.constant 0 : i32
      %scan3A_82 = arith.constant 20 : i32
      %scan3A_83 = arith.addi %scan3A_81, %scan3A_82 : i32
      %scan3A_84 = arith.constant 1 : i32
      scf.for %scan3A_86 = %scan3A_81 to %scan3A_83 step %scan3A_84  : i32 {
        %mul3A_87 = arith.constant 1 : i32
        %mul3A_88 = arith.muli %scan3A_86, %mul3A_87 : i32
        %add3A_89 = arith.constant 0 : i32
        %add3A_90 = arith.addi %add3A_89, %mul3A_88 : i32
        %mul3A_91 = arith.constant 2 : i32
        %mul3A_92 = arith.muli %mul3A_91, %add3A_90 : i32
        %add3A_93 = arith.constant 0 : i32
        %add3A_94 = arith.addi %mul3A_92, %add3A_93 : i32
        %add3A_95 = arith.addi %mul3A_62, %add3A_94 : i32
        %lt3A_96 = arith.constant 1250 : i32
        %lt3A_97 = arith.cmpi slt, %add3A_95, %lt3A_96 : i32
        %convert_element_type3A_98 = arith.extui %lt3A_97 : i1 to i32
        %cond3A_99 = arith.constant 0 : i32
        %cond3A_100 = arith.cmpi ne, %convert_element_type3A_98, %cond3A_99 : i32
        scf.if %cond3A_100 {
          %dma_wait3A = arith.constant 0 : i32
          %dma_wait3A_111 = tpu.memref_slice %arg10[%add3A_94, %dma_wait3A] : memref<40x128xi32, #tpu.memory_space<vmem>> -> memref<1x128xi32, #tpu.memory_space<vmem>>
          %dma_wait3A_112 = tpu.memref_squeeze %dma_wait3A_111 : memref<1x128xi32, #tpu.memory_space<vmem>> -> memref<128xi32, #tpu.memory_space<vmem>>
          %dma_wait3A_113 = arith.constant 0 : i32
          %dma_wait3A_114 = arith.constant 0 : i32
          %dma_wait3A_115 = tpu.memref_slice %arg4[%dma_wait3A_113, %dma_wait3A_114] : memref<10000x128xf32, #tpu.memory_space<hbm>> -> memref<10000x128xf32, #tpu.memory_space<hbm>>
          tpu.wait_indirect_dma semaphore(%arg14 : memref<!tpu.dma_semaphore, #tpu.memory_space<semaphore_mem>>) src(%dma_wait3A_115 : memref<10000x128xf32, #tpu.memory_space<hbm>>) dst(%arg12 : memref<128x128xf32, #tpu.memory_space<vmem>>)
          "tpu.region"() ({
            %run_scoped3A = tpu.sem_alloc : memref<!tpu.dma_semaphore, #tpu.memory_space<semaphore_mem>>
            %dma_start3A = arith.constant 0 : i32
            %dma_start3A_127 = tpu.memref_slice %arg11[%add3A_94, %dma_start3A] : memref<40x128xi32, #tpu.memory_space<vmem>> -> memref<1x128xi32, #tpu.memory_space<vmem>>
            %dma_start3A_128 = tpu.memref_squeeze %dma_start3A_127 : memref<1x128xi32, #tpu.memory_space<vmem>> -> memref<128xi32, #tpu.memory_space<vmem>>
            %dma_start3A_129 = arith.constant 0 : i32
            %dma_start3A_130 = arith.constant 0 : i32
            %dma_start3A_131 = tpu.memref_slice %arg9[%dma_start3A_129, %dma_start3A_130] : memref<10000x128xf32, #tpu.memory_space<vmem_shared>> -> memref<10000x128xf32, #tpu.memory_space<vmem_shared>>
            tpu.enqueue_indirect_dma source(%arg12 : memref<128x128xf32, #tpu.memory_space<vmem>>) target(%dma_start3A_131 : memref<10000x128xf32, #tpu.memory_space<vmem_shared>>) offsets(%dma_start3A_128 : memref<128xi32, #tpu.memory_space<vmem>>) semaphore(%run_scoped3A : memref<!tpu.dma_semaphore, #tpu.memory_space<semaphore_mem>>) {add = true}
            %dma_wait3A_132 = arith.constant 0 : i32
            %dma_wait3A_133 = tpu.memref_slice %arg11[%add3A_94, %dma_wait3A_132] : memref<40x128xi32, #tpu.memory_space<vmem>> -> memref<1x128xi32, #tpu.memory_space<vmem>>
            %dma_wait3A_134 = tpu.memref_squeeze %dma_wait3A_133 : memref<1x128xi32, #tpu.memory_space<vmem>> -> memref<128xi32, #tpu.memory_space<vmem>>
            %dma_wait3A_135 = arith.constant 0 : i32
            %dma_wait3A_136 = arith.constant 0 : i32
            %dma_wait3A_137 = tpu.memref_slice %arg9[%dma_wait3A_135, %dma_wait3A_136] : memref<10000x128xf32, #tpu.memory_space<vmem_shared>> -> memref<10000x128xf32, #tpu.memory_space<vmem_shared>>
            tpu.wait_indirect_dma semaphore(%run_scoped3A : memref<!tpu.dma_semaphore, #tpu.memory_space<semaphore_mem>>) src(%arg12 : memref<128x128xf32, #tpu.memory_space<vmem>>) dst(%dma_wait3A_137 : memref<10000x128xf32, #tpu.memory_space<vmem_shared>>)
            tpu.yield
          }) : () -> ()
          %add3A_116 = arith.constant 2 : i32
          %add3A_117 = arith.addi %add3A_94, %add3A_116 : i32
          %add3A_118 = arith.addi %mul3A_62, %add3A_117 : i32
          %lt3A_119 = arith.constant 1250 : i32
          %lt3A_120 = arith.cmpi slt, %add3A_118, %lt3A_119 : i32
          %lt3A_121 = arith.constant 40 : i32
          %lt3A_122 = arith.cmpi slt, %add3A_117, %lt3A_121 : i32
          %and3A_123 = arith.andi %lt3A_120, %lt3A_122 : i1
          %convert_element_type3A_124 = arith.extui %and3A_123 : i1 to i32
          %cond3A_125 = arith.constant 0 : i32
          %cond3A_126 = arith.cmpi ne, %convert_element_type3A_124, %cond3A_125 : i32
          scf.if %cond3A_126 {
            %dma_start3A = arith.constant 0 : i32
            %dma_start3A_127 = tpu.memref_slice %arg10[%add3A_117, %dma_start3A] : memref<40x128xi32, #tpu.memory_space<vmem>> -> memref<1x128xi32, #tpu.memory_space<vmem>>
            %dma_start3A_128 = tpu.memref_squeeze %dma_start3A_127 : memref<1x128xi32, #tpu.memory_space<vmem>> -> memref<128xi32, #tpu.memory_space<vmem>>
            %dma_start3A_129 = arith.constant 0 : i32
            %dma_start3A_130 = arith.constant 0 : i32
            %dma_start3A_131 = tpu.memref_slice %arg4[%dma_start3A_129, %dma_start3A_130] : memref<10000x128xf32, #tpu.memory_space<hbm>> -> memref<10000x128xf32, #tpu.memory_space<hbm>>
            tpu.enqueue_indirect_dma source(%dma_start3A_131 : memref<10000x128xf32, #tpu.memory_space<hbm>>) target(%arg12 : memref<128x128xf32, #tpu.memory_space<vmem>>) offsets(%dma_start3A_128 : memref<128xi32, #tpu.memory_space<vmem>>) semaphore(%arg14 : memref<!tpu.dma_semaphore, #tpu.memory_space<semaphore_mem>>)
          } else {
          }
        } else {
        }
        %mul3A_101 = arith.constant 2 : i32
        %mul3A_102 = arith.muli %mul3A_101, %add3A_90 : i32
        %add3A_103 = arith.constant 1 : i32
        %add3A_104 = arith.addi %mul3A_102, %add3A_103 : i32
        %add3A_105 = arith.addi %mul3A_62, %add3A_104 : i32
        %lt3A_106 = arith.constant 1250 : i32
        %lt3A_107 = arith.cmpi slt, %add3A_105, %lt3A_106 : i32
        %convert_element_type3A_108 = arith.extui %lt3A_107 : i1 to i32
        %cond3A_109 = arith.constant 0 : i32
        %cond3A_110 = arith.cmpi ne, %convert_element_type3A_108, %cond3A_109 : i32
        scf.if %cond3A_110 {
          %dma_wait3A = arith.constant 0 : i32
          %dma_wait3A_111 = tpu.memref_slice %arg10[%add3A_104, %dma_wait3A] : memref<40x128xi32, #tpu.memory_space<vmem>> -> memref<1x128xi32, #tpu.memory_space<vmem>>
          %dma_wait3A_112 = tpu.memref_squeeze %dma_wait3A_111 : memref<1x128xi32, #tpu.memory_space<vmem>> -> memref<128xi32, #tpu.memory_space<vmem>>
          %dma_wait3A_113 = arith.constant 0 : i32
          %dma_wait3A_114 = arith.constant 0 : i32
          %dma_wait3A_115 = tpu.memref_slice %arg4[%dma_wait3A_113, %dma_wait3A_114] : memref<10000x128xf32, #tpu.memory_space<hbm>> -> memref<10000x128xf32, #tpu.memory_space<hbm>>
          tpu.wait_indirect_dma semaphore(%arg15 : memref<!tpu.dma_semaphore, #tpu.memory_space<semaphore_mem>>) src(%dma_wait3A_115 : memref<10000x128xf32, #tpu.memory_space<hbm>>) dst(%arg13 : memref<128x128xf32, #tpu.memory_space<vmem>>)
          "tpu.region"() ({
            %run_scoped3A = tpu.sem_alloc : memref<!tpu.dma_semaphore, #tpu.memory_space<semaphore_mem>>
            %dma_start3A = arith.constant 0 : i32
            %dma_start3A_127 = tpu.memref_slice %arg11[%add3A_104, %dma_start3A] : memref<40x128xi32, #tpu.memory_space<vmem>> -> memref<1x128xi32, #tpu.memory_space<vmem>>
            %dma_start3A_128 = tpu.memref_squeeze %dma_start3A_127 : memref<1x128xi32, #tpu.memory_space<vmem>> -> memref<128xi32, #tpu.memory_space<vmem>>
            %dma_start3A_129 = arith.constant 0 : i32
            %dma_start3A_130 = arith.constant 0 : i32
            %dma_start3A_131 = tpu.memref_slice %arg9[%dma_start3A_129, %dma_start3A_130] : memref<10000x128xf32, #tpu.memory_space<vmem_shared>> -> memref<10000x128xf32, #tpu.memory_space<vmem_shared>>
            tpu.enqueue_indirect_dma source(%arg13 : memref<128x128xf32, #tpu.memory_space<vmem>>) target(%dma_start3A_131 : memref<10000x128xf32, #tpu.memory_space<vmem_shared>>) offsets(%dma_start3A_128 : memref<128xi32, #tpu.memory_space<vmem>>) semaphore(%run_scoped3A : memref<!tpu.dma_semaphore, #tpu.memory_space<semaphore_mem>>) {add = true}
            %dma_wait3A_132 = arith.constant 0 : i32
            %dma_wait3A_133 = tpu.memref_slice %arg11[%add3A_104, %dma_wait3A_132] : memref<40x128xi32, #tpu.memory_space<vmem>> -> memref<1x128xi32, #tpu.memory_space<vmem>>
            %dma_wait3A_134 = tpu.memref_squeeze %dma_wait3A_133 : memref<1x128xi32, #tpu.memory_space<vmem>> -> memref<128xi32, #tpu.memory_space<vmem>>
            %dma_wait3A_135 = arith.constant 0 : i32
            %dma_wait3A_136 = arith.constant 0 : i32
            %dma_wait3A_137 = tpu.memref_slice %arg9[%dma_wait3A_135, %dma_wait3A_136] : memref<10000x128xf32, #tpu.memory_space<vmem_shared>> -> memref<10000x128xf32, #tpu.memory_space<vmem_shared>>
            tpu.wait_indirect_dma semaphore(%run_scoped3A : memref<!tpu.dma_semaphore, #tpu.memory_space<semaphore_mem>>) src(%arg13 : memref<128x128xf32, #tpu.memory_space<vmem>>) dst(%dma_wait3A_137 : memref<10000x128xf32, #tpu.memory_space<vmem_shared>>)
            tpu.yield
          }) : () -> ()
          %add3A_116 = arith.constant 2 : i32
          %add3A_117 = arith.addi %add3A_104, %add3A_116 : i32
          %add3A_118 = arith.addi %mul3A_62, %add3A_117 : i32
          %lt3A_119 = arith.constant 1250 : i32
          %lt3A_120 = arith.cmpi slt, %add3A_118, %lt3A_119 : i32
          %lt3A_121 = arith.constant 40 : i32
          %lt3A_122 = arith.cmpi slt, %add3A_117, %lt3A_121 : i32
          %and3A_123 = arith.andi %lt3A_120, %lt3A_122 : i1
          %convert_element_type3A_124 = arith.extui %and3A_123 : i1 to i32
          %cond3A_125 = arith.constant 0 : i32
          %cond3A_126 = arith.cmpi ne, %convert_element_type3A_124, %cond3A_125 : i32
          scf.if %cond3A_126 {
            %dma_start3A = arith.constant 0 : i32
            %dma_start3A_127 = tpu.memref_slice %arg10[%add3A_117, %dma_start3A] : memref<40x128xi32, #tpu.memory_space<vmem>> -> memref<1x128xi32, #tpu.memory_space<vmem>>
            %dma_start3A_128 = tpu.memref_squeeze %dma_start3A_127 : memref<1x128xi32, #tpu.memory_space<vmem>> -> memref<128xi32, #tpu.memory_space<vmem>>
            %dma_start3A_129 = arith.constant 0 : i32
            %dma_start3A_130 = arith.constant 0 : i32
            %dma_start3A_131 = tpu.memref_slice %arg4[%dma_start3A_129, %dma_start3A_130] : memref<10000x128xf32, #tpu.memory_space<hbm>> -> memref<10000x128xf32, #tpu.memory_space<hbm>>
            tpu.enqueue_indirect_dma source(%dma_start3A_131 : memref<10000x128xf32, #tpu.memory_space<hbm>>) target(%arg13 : memref<128x128xf32, #tpu.memory_space<vmem>>) offsets(%dma_start3A_128 : memref<128xi32, #tpu.memory_space<vmem>>) semaphore(%arg15 : memref<!tpu.dma_semaphore, #tpu.memory_space<semaphore_mem>>)
          } else {
          }
        } else {
        }
      }
      %scan3A_85 = arith.constant 20 : i32
    } else {
    }
    %eq3A_2 = arith.constant 1 : i32
    %eq3A_3 = arith.cmpi eq, %arg0, %eq3A_2 : i32
    %convert_element_type3A_4 = arith.extui %eq3A_3 : i1 to i32
    %cond3A_5 = arith.constant 0 : i32
    %cond3A_6 = arith.cmpi ne, %convert_element_type3A_4, %cond3A_5 : i32
    scf.if %cond3A_6 {
      %mul3A = arith.constant 2 : i32
      %mul3A_17 = arith.muli %mul3A, %arg1 : i32
      %add3A = arith.constant 0 : i32
      %add3A_18 = arith.addi %mul3A_17, %add3A : i32
      %mul3A_19 = arith.constant 40 : i32
      %mul3A_20 = arith.muli %mul3A_19, %add3A_18 : i32
      "tpu.region"() ({
        %run_scoped3A = tpu.sem_alloc : memref<!tpu.dma_semaphore, #tpu.memory_space<semaphore_mem>>
        %dma_start3A = arith.constant 0 : i32
        %dma_start3A_86 = tpu.memref_slice %arg2[%mul3A_20, %dma_start3A] : memref<1280x128xi32, #tpu.memory_space<hbm>> -> memref<40x128xi32, #tpu.memory_space<hbm>>
        %dma_start3A_87 = arith.constant 0 : i32
        %dma_start3A_88 = tpu.memref_slice %arg2[%mul3A_20, %dma_start3A_87] : memref<1280x128xi32, #tpu.memory_space<hbm>> -> memref<40x128xi32, #tpu.memory_space<hbm>>
        tpu.enqueue_dma source(%dma_start3A_88 : memref<40x128xi32, #tpu.memory_space<hbm>>) target(%arg10 : memref<40x128xi32, #tpu.memory_space<vmem>>) target_semaphore(%run_scoped3A : memref<!tpu.dma_semaphore, #tpu.memory_space<semaphore_mem>>)
        %dma_wait3A = arith.constant 0 : i32
        %dma_wait3A_89 = tpu.memref_slice %arg2[%mul3A_20, %dma_wait3A] : memref<1280x128xi32, #tpu.memory_space<hbm>> -> memref<40x128xi32, #tpu.memory_space<hbm>>
        %dma_wait3A_90 = arith.constant 0 : i32
        %dma_wait3A_91 = tpu.memref_slice %arg2[%mul3A_20, %dma_wait3A_90] : memref<1280x128xi32, #tpu.memory_space<hbm>> -> memref<40x128xi32, #tpu.memory_space<hbm>>
        tpu.wait_dma2 semaphore(%run_scoped3A : memref<!tpu.dma_semaphore, #tpu.memory_space<semaphore_mem>>) src(%dma_wait3A_91 : memref<40x128xi32, #tpu.memory_space<hbm>>) dst(%arg10 : memref<40x128xi32, #tpu.memory_space<vmem>>)
        tpu.yield
      }) : () -> ()
      "tpu.region"() ({
        %run_scoped3A = tpu.sem_alloc : memref<!tpu.dma_semaphore, #tpu.memory_space<semaphore_mem>>
        %dma_start3A = arith.constant 0 : i32
        %dma_start3A_86 = tpu.memref_slice %arg3[%mul3A_20, %dma_start3A] : memref<1280x128xi32, #tpu.memory_space<hbm>> -> memref<40x128xi32, #tpu.memory_space<hbm>>
        %dma_start3A_87 = arith.constant 0 : i32
        %dma_start3A_88 = tpu.memref_slice %arg3[%mul3A_20, %dma_start3A_87] : memref<1280x128xi32, #tpu.memory_space<hbm>> -> memref<40x128xi32, #tpu.memory_space<hbm>>
        tpu.enqueue_dma source(%dma_start3A_88 : memref<40x128xi32, #tpu.memory_space<hbm>>) target(%arg11 : memref<40x128xi32, #tpu.memory_space<vmem>>) target_semaphore(%run_scoped3A : memref<!tpu.dma_semaphore, #tpu.memory_space<semaphore_mem>>)
        %dma_wait3A = arith.constant 0 : i32
        %dma_wait3A_89 = tpu.memref_slice %arg3[%mul3A_20, %dma_wait3A] : memref<1280x128xi32, #tpu.memory_space<hbm>> -> memref<40x128xi32, #tpu.memory_space<hbm>>
        %dma_wait3A_90 = arith.constant 0 : i32
        %dma_wait3A_91 = tpu.memref_slice %arg3[%mul3A_20, %dma_wait3A_90] : memref<1280x128xi32, #tpu.memory_space<hbm>> -> memref<40x128xi32, #tpu.memory_space<hbm>>
        tpu.wait_dma2 semaphore(%run_scoped3A : memref<!tpu.dma_semaphore, #tpu.memory_space<semaphore_mem>>) src(%dma_wait3A_91 : memref<40x128xi32, #tpu.memory_space<hbm>>) dst(%arg11 : memref<40x128xi32, #tpu.memory_space<vmem>>)
        tpu.yield
      }) : () -> ()
      %add3A_21 = arith.constant 0 : i32
      %add3A_22 = arith.addi %mul3A_20, %add3A_21 : i32
      %lt3A = arith.constant 1250 : i32
      %lt3A_23 = arith.cmpi slt, %add3A_22, %lt3A : i32
      %and3A = arith.constant true
      %and3A_24 = arith.andi %lt3A_23, %and3A : i1
      %convert_element_type3A_25 = arith.extui %and3A_24 : i1 to i32
      %cond3A_26 = arith.constant 0 : i32
      %cond3A_27 = arith.cmpi ne, %convert_element_type3A_25, %cond3A_26 : i32
      scf.if %cond3A_27 {
        %dma_start3A = arith.constant 0 : i32
        %dma_start3A_86 = arith.constant 0 : i32
        %dma_start3A_87 = tpu.memref_slice %arg10[%dma_start3A, %dma_start3A_86] : memref<40x128xi32, #tpu.memory_space<vmem>> -> memref<1x128xi32, #tpu.memory_space<vmem>>
        %dma_start3A_88 = tpu.memref_squeeze %dma_start3A_87 : memref<1x128xi32, #tpu.memory_space<vmem>> -> memref<128xi32, #tpu.memory_space<vmem>>
        %dma_start3A_89 = arith.constant 0 : i32
        %dma_start3A_90 = arith.constant 0 : i32
        %dma_start3A_91 = tpu.memref_slice %arg5[%dma_start3A_89, %dma_start3A_90] : memref<10000x128xf32, #tpu.memory_space<hbm>> -> memref<10000x128xf32, #tpu.memory_space<hbm>>
        tpu.enqueue_indirect_dma source(%dma_start3A_91 : memref<10000x128xf32, #tpu.memory_space<hbm>>) target(%arg12 : memref<128x128xf32, #tpu.memory_space<vmem>>) offsets(%dma_start3A_88 : memref<128xi32, #tpu.memory_space<vmem>>) semaphore(%arg14 : memref<!tpu.dma_semaphore, #tpu.memory_space<semaphore_mem>>)
      } else {
      }
      %add3A_28 = arith.constant 1 : i32
      %add3A_29 = arith.addi %mul3A_20, %add3A_28 : i32
      %lt3A_30 = arith.constant 1250 : i32
      %lt3A_31 = arith.cmpi slt, %add3A_29, %lt3A_30 : i32
      %and3A_32 = arith.constant true
      %and3A_33 = arith.andi %lt3A_31, %and3A_32 : i1
      %convert_element_type3A_34 = arith.extui %and3A_33 : i1 to i32
      %cond3A_35 = arith.constant 0 : i32
      %cond3A_36 = arith.cmpi ne, %convert_element_type3A_34, %cond3A_35 : i32
      scf.if %cond3A_36 {
        %dma_start3A = arith.constant 1 : i32
        %dma_start3A_86 = arith.constant 0 : i32
        %dma_start3A_87 = tpu.memref_slice %arg10[%dma_start3A, %dma_start3A_86] : memref<40x128xi32, #tpu.memory_space<vmem>> -> memref<1x128xi32, #tpu.memory_space<vmem>>
        %dma_start3A_88 = tpu.memref_squeeze %dma_start3A_87 : memref<1x128xi32, #tpu.memory_space<vmem>> -> memref<128xi32, #tpu.memory_space<vmem>>
        %dma_start3A_89 = arith.constant 0 : i32
        %dma_start3A_90 = arith.constant 0 : i32
        %dma_start3A_91 = tpu.memref_slice %arg5[%dma_start3A_89, %dma_start3A_90] : memref<10000x128xf32, #tpu.memory_space<hbm>> -> memref<10000x128xf32, #tpu.memory_space<hbm>>
        tpu.enqueue_indirect_dma source(%dma_start3A_91 : memref<10000x128xf32, #tpu.memory_space<hbm>>) target(%arg13 : memref<128x128xf32, #tpu.memory_space<vmem>>) offsets(%dma_start3A_88 : memref<128xi32, #tpu.memory_space<vmem>>) semaphore(%arg15 : memref<!tpu.dma_semaphore, #tpu.memory_space<semaphore_mem>>)
      } else {
      }
      %sub3A = arith.constant 25 : i32
      %sub3A_37 = arith.subi %sub3A, %arg1 : i32
      %sub3A_38 = arith.constant 16 : i32
      %sub3A_39 = arith.constant 1 : i32
      %sub3A_40 = arith.subi %sub3A_38, %sub3A_39 : i32
      %add3A_41 = arith.addi %sub3A_37, %sub3A_40 : i32
      %div3A = arith.constant 16 : i32
      %div3A_42 = arith.divsi %add3A_41, %div3A : i32
      %while3A = arith.constant 16 : i32
      %while3A_43 = arith.constant 0 : i32
      %while3A_44 = arith.subi %div3A_42, %while3A_43 : i32
      %while3A_45 = arith.addi %while3A_43, %while3A_44 : i32
      %while3A_46 = arith.constant 1 : i32
      %while3A_47 = arith.divsi %while3A_44, %while3A_46 : i32
      %while3A_48 = arith.muli %while3A_47, %while3A_46 : i32
      %while3A_49 = arith.addi %while3A_43, %while3A_48 : i32
      %while3A_50 = arith.constant 1 : i32
      scf.for %while3A_86 = %while3A_43 to %while3A_49 step %while3A_50  : i32 {
        %mul3A_87 = arith.muli %while3A_86, %while3A : i32
        %add3A_88 = arith.addi %arg1, %mul3A_87 : i32
        %mul3A_89 = arith.constant 400 : i32
        %mul3A_90 = arith.muli %add3A_88, %mul3A_89 : i32
        "tpu.region"() ({
          %run_scoped3A = tpu.sem_alloc : memref<!tpu.dma_semaphore, #tpu.memory_space<semaphore_mem>>
          %dma_start3A = arith.constant 0 : i32
          %dma_start3A_91 = tpu.memref_slice %arg9[%mul3A_90, %dma_start3A] : memref<10000x128xf32, #tpu.memory_space<vmem_shared>> -> memref<400x128xf32, #tpu.memory_space<vmem_shared>>
          tpu.enqueue_dma source(%arg6 : memref<400x128xf32, #tpu.memory_space<hbm>>) target(%dma_start3A_91 : memref<400x128xf32, #tpu.memory_space<vmem_shared>>) target_semaphore(%run_scoped3A : memref<!tpu.dma_semaphore, #tpu.memory_space<semaphore_mem>>)
          %dma_wait3A = arith.constant 0 : i32
          %dma_wait3A_92 = tpu.memref_slice %arg9[%mul3A_90, %dma_wait3A] : memref<10000x128xf32, #tpu.memory_space<vmem_shared>> -> memref<400x128xf32, #tpu.memory_space<vmem_shared>>
          tpu.wait_dma2 semaphore(%run_scoped3A : memref<!tpu.dma_semaphore, #tpu.memory_space<semaphore_mem>>) src(%arg6 : memref<400x128xf32, #tpu.memory_space<hbm>>) dst(%dma_wait3A_92 : memref<400x128xf32, #tpu.memory_space<vmem_shared>>)
          tpu.yield
        }) : () -> ()
      }
      %while3A_51 = arith.constant 1 : i32
      scf.for %while3A_86 = %while3A_49 to %while3A_45 step %while3A_51  : i32 {
        %mul3A_87 = arith.muli %while3A_86, %while3A : i32
        %add3A_88 = arith.addi %arg1, %mul3A_87 : i32
        %mul3A_89 = arith.constant 400 : i32
        %mul3A_90 = arith.muli %add3A_88, %mul3A_89 : i32
        "tpu.region"() ({
          %run_scoped3A = tpu.sem_alloc : memref<!tpu.dma_semaphore, #tpu.memory_space<semaphore_mem>>
          %dma_start3A = arith.constant 0 : i32
          %dma_start3A_91 = tpu.memref_slice %arg9[%mul3A_90, %dma_start3A] : memref<10000x128xf32, #tpu.memory_space<vmem_shared>> -> memref<400x128xf32, #tpu.memory_space<vmem_shared>>
          tpu.enqueue_dma source(%arg6 : memref<400x128xf32, #tpu.memory_space<hbm>>) target(%dma_start3A_91 : memref<400x128xf32, #tpu.memory_space<vmem_shared>>) target_semaphore(%run_scoped3A : memref<!tpu.dma_semaphore, #tpu.memory_space<semaphore_mem>>)
          %dma_wait3A = arith.constant 0 : i32
          %dma_wait3A_92 = tpu.memref_slice %arg9[%mul3A_90, %dma_wait3A] : memref<10000x128xf32, #tpu.memory_space<vmem_shared>> -> memref<400x128xf32, #tpu.memory_space<vmem_shared>>
          tpu.wait_dma2 semaphore(%run_scoped3A : memref<!tpu.dma_semaphore, #tpu.memory_space<semaphore_mem>>) src(%arg6 : memref<400x128xf32, #tpu.memory_space<hbm>>) dst(%dma_wait3A_92 : memref<400x128xf32, #tpu.memory_space<vmem_shared>>)
          tpu.yield
        }) : () -> ()
      }
      %barrier3A_52 = arith.constant 0 : index
      tpu.barrier barrier_id(%barrier3A_52)
      %scan3A = arith.constant 0 : i32
      %scan3A_53 = arith.constant 20 : i32
      %scan3A_54 = arith.addi %scan3A, %scan3A_53 : i32
      %scan3A_55 = arith.constant 1 : i32
      scf.for %scan3A_86 = %scan3A to %scan3A_54 step %scan3A_55  : i32 {
        %mul3A_87 = arith.constant 1 : i32
        %mul3A_88 = arith.muli %scan3A_86, %mul3A_87 : i32
        %add3A_89 = arith.constant 0 : i32
        %add3A_90 = arith.addi %add3A_89, %mul3A_88 : i32
        %mul3A_91 = arith.constant 2 : i32
        %mul3A_92 = arith.muli %mul3A_91, %add3A_90 : i32
        %add3A_93 = arith.constant 0 : i32
        %add3A_94 = arith.addi %mul3A_92, %add3A_93 : i32
        %add3A_95 = arith.addi %mul3A_20, %add3A_94 : i32
        %lt3A_96 = arith.constant 1250 : i32
        %lt3A_97 = arith.cmpi slt, %add3A_95, %lt3A_96 : i32
        %convert_element_type3A_98 = arith.extui %lt3A_97 : i1 to i32
        %cond3A_99 = arith.constant 0 : i32
        %cond3A_100 = arith.cmpi ne, %convert_element_type3A_98, %cond3A_99 : i32
        scf.if %cond3A_100 {
          %dma_wait3A = arith.constant 0 : i32
          %dma_wait3A_111 = tpu.memref_slice %arg10[%add3A_94, %dma_wait3A] : memref<40x128xi32, #tpu.memory_space<vmem>> -> memref<1x128xi32, #tpu.memory_space<vmem>>
          %dma_wait3A_112 = tpu.memref_squeeze %dma_wait3A_111 : memref<1x128xi32, #tpu.memory_space<vmem>> -> memref<128xi32, #tpu.memory_space<vmem>>
          %dma_wait3A_113 = arith.constant 0 : i32
          %dma_wait3A_114 = arith.constant 0 : i32
          %dma_wait3A_115 = tpu.memref_slice %arg5[%dma_wait3A_113, %dma_wait3A_114] : memref<10000x128xf32, #tpu.memory_space<hbm>> -> memref<10000x128xf32, #tpu.memory_space<hbm>>
          tpu.wait_indirect_dma semaphore(%arg14 : memref<!tpu.dma_semaphore, #tpu.memory_space<semaphore_mem>>) src(%dma_wait3A_115 : memref<10000x128xf32, #tpu.memory_space<hbm>>) dst(%arg12 : memref<128x128xf32, #tpu.memory_space<vmem>>)
          "tpu.region"() ({
            %run_scoped3A = tpu.sem_alloc : memref<!tpu.dma_semaphore, #tpu.memory_space<semaphore_mem>>
            %dma_start3A = arith.constant 0 : i32
            %dma_start3A_127 = tpu.memref_slice %arg11[%add3A_94, %dma_start3A] : memref<40x128xi32, #tpu.memory_space<vmem>> -> memref<1x128xi32, #tpu.memory_space<vmem>>
            %dma_start3A_128 = tpu.memref_squeeze %dma_start3A_127 : memref<1x128xi32, #tpu.memory_space<vmem>> -> memref<128xi32, #tpu.memory_space<vmem>>
            %dma_start3A_129 = arith.constant 0 : i32
            %dma_start3A_130 = arith.constant 0 : i32
            %dma_start3A_131 = tpu.memref_slice %arg9[%dma_start3A_129, %dma_start3A_130] : memref<10000x128xf32, #tpu.memory_space<vmem_shared>> -> memref<10000x128xf32, #tpu.memory_space<vmem_shared>>
            tpu.enqueue_indirect_dma source(%arg12 : memref<128x128xf32, #tpu.memory_space<vmem>>) target(%dma_start3A_131 : memref<10000x128xf32, #tpu.memory_space<vmem_shared>>) offsets(%dma_start3A_128 : memref<128xi32, #tpu.memory_space<vmem>>) semaphore(%run_scoped3A : memref<!tpu.dma_semaphore, #tpu.memory_space<semaphore_mem>>) {add = true}
            %dma_wait3A_132 = arith.constant 0 : i32
            %dma_wait3A_133 = tpu.memref_slice %arg11[%add3A_94, %dma_wait3A_132] : memref<40x128xi32, #tpu.memory_space<vmem>> -> memref<1x128xi32, #tpu.memory_space<vmem>>
            %dma_wait3A_134 = tpu.memref_squeeze %dma_wait3A_133 : memref<1x128xi32, #tpu.memory_space<vmem>> -> memref<128xi32, #tpu.memory_space<vmem>>
            %dma_wait3A_135 = arith.constant 0 : i32
            %dma_wait3A_136 = arith.constant 0 : i32
            %dma_wait3A_137 = tpu.memref_slice %arg9[%dma_wait3A_135, %dma_wait3A_136] : memref<10000x128xf32, #tpu.memory_space<vmem_shared>> -> memref<10000x128xf32, #tpu.memory_space<vmem_shared>>
            tpu.wait_indirect_dma semaphore(%run_scoped3A : memref<!tpu.dma_semaphore, #tpu.memory_space<semaphore_mem>>) src(%arg12 : memref<128x128xf32, #tpu.memory_space<vmem>>) dst(%dma_wait3A_137 : memref<10000x128xf32, #tpu.memory_space<vmem_shared>>)
            tpu.yield
          }) : () -> ()
          %add3A_116 = arith.constant 2 : i32
          %add3A_117 = arith.addi %add3A_94, %add3A_116 : i32
          %add3A_118 = arith.addi %mul3A_20, %add3A_117 : i32
          %lt3A_119 = arith.constant 1250 : i32
          %lt3A_120 = arith.cmpi slt, %add3A_118, %lt3A_119 : i32
          %lt3A_121 = arith.constant 40 : i32
          %lt3A_122 = arith.cmpi slt, %add3A_117, %lt3A_121 : i32
          %and3A_123 = arith.andi %lt3A_120, %lt3A_122 : i1
          %convert_element_type3A_124 = arith.extui %and3A_123 : i1 to i32
          %cond3A_125 = arith.constant 0 : i32
          %cond3A_126 = arith.cmpi ne, %convert_element_type3A_124, %cond3A_125 : i32
          scf.if %cond3A_126 {
            %dma_start3A = arith.constant 0 : i32
            %dma_start3A_127 = tpu.memref_slice %arg10[%add3A_117, %dma_start3A] : memref<40x128xi32, #tpu.memory_space<vmem>> -> memref<1x128xi32, #tpu.memory_space<vmem>>
            %dma_start3A_128 = tpu.memref_squeeze %dma_start3A_127 : memref<1x128xi32, #tpu.memory_space<vmem>> -> memref<128xi32, #tpu.memory_space<vmem>>
            %dma_start3A_129 = arith.constant 0 : i32
            %dma_start3A_130 = arith.constant 0 : i32
            %dma_start3A_131 = tpu.memref_slice %arg5[%dma_start3A_129, %dma_start3A_130] : memref<10000x128xf32, #tpu.memory_space<hbm>> -> memref<10000x128xf32, #tpu.memory_space<hbm>>
            tpu.enqueue_indirect_dma source(%dma_start3A_131 : memref<10000x128xf32, #tpu.memory_space<hbm>>) target(%arg12 : memref<128x128xf32, #tpu.memory_space<vmem>>) offsets(%dma_start3A_128 : memref<128xi32, #tpu.memory_space<vmem>>) semaphore(%arg14 : memref<!tpu.dma_semaphore, #tpu.memory_space<semaphore_mem>>)
          } else {
          }
        } else {
        }
        %mul3A_101 = arith.constant 2 : i32
        %mul3A_102 = arith.muli %mul3A_101, %add3A_90 : i32
        %add3A_103 = arith.constant 1 : i32
        %add3A_104 = arith.addi %mul3A_102, %add3A_103 : i32
        %add3A_105 = arith.addi %mul3A_20, %add3A_104 : i32
        %lt3A_106 = arith.constant 1250 : i32
        %lt3A_107 = arith.cmpi slt, %add3A_105, %lt3A_106 : i32
        %convert_element_type3A_108 = arith.extui %lt3A_107 : i1 to i32
        %cond3A_109 = arith.constant 0 : i32
        %cond3A_110 = arith.cmpi ne, %convert_element_type3A_108, %cond3A_109 : i32
        scf.if %cond3A_110 {
          %dma_wait3A = arith.constant 0 : i32
          %dma_wait3A_111 = tpu.memref_slice %arg10[%add3A_104, %dma_wait3A] : memref<40x128xi32, #tpu.memory_space<vmem>> -> memref<1x128xi32, #tpu.memory_space<vmem>>
          %dma_wait3A_112 = tpu.memref_squeeze %dma_wait3A_111 : memref<1x128xi32, #tpu.memory_space<vmem>> -> memref<128xi32, #tpu.memory_space<vmem>>
          %dma_wait3A_113 = arith.constant 0 : i32
          %dma_wait3A_114 = arith.constant 0 : i32
          %dma_wait3A_115 = tpu.memref_slice %arg5[%dma_wait3A_113, %dma_wait3A_114] : memref<10000x128xf32, #tpu.memory_space<hbm>> -> memref<10000x128xf32, #tpu.memory_space<hbm>>
          tpu.wait_indirect_dma semaphore(%arg15 : memref<!tpu.dma_semaphore, #tpu.memory_space<semaphore_mem>>) src(%dma_wait3A_115 : memref<10000x128xf32, #tpu.memory_space<hbm>>) dst(%arg13 : memref<128x128xf32, #tpu.memory_space<vmem>>)
          "tpu.region"() ({
            %run_scoped3A = tpu.sem_alloc : memref<!tpu.dma_semaphore, #tpu.memory_space<semaphore_mem>>
            %dma_start3A = arith.constant 0 : i32
            %dma_start3A_127 = tpu.memref_slice %arg11[%add3A_104, %dma_start3A] : memref<40x128xi32, #tpu.memory_space<vmem>> -> memref<1x128xi32, #tpu.memory_space<vmem>>
            %dma_start3A_128 = tpu.memref_squeeze %dma_start3A_127 : memref<1x128xi32, #tpu.memory_space<vmem>> -> memref<128xi32, #tpu.memory_space<vmem>>
            %dma_start3A_129 = arith.constant 0 : i32
            %dma_start3A_130 = arith.constant 0 : i32
            %dma_start3A_131 = tpu.memref_slice %arg9[%dma_start3A_129, %dma_start3A_130] : memref<10000x128xf32, #tpu.memory_space<vmem_shared>> -> memref<10000x128xf32, #tpu.memory_space<vmem_shared>>
            tpu.enqueue_indirect_dma source(%arg13 : memref<128x128xf32, #tpu.memory_space<vmem>>) target(%dma_start3A_131 : memref<10000x128xf32, #tpu.memory_space<vmem_shared>>) offsets(%dma_start3A_128 : memref<128xi32, #tpu.memory_space<vmem>>) semaphore(%run_scoped3A : memref<!tpu.dma_semaphore, #tpu.memory_space<semaphore_mem>>) {add = true}
            %dma_wait3A_132 = arith.constant 0 : i32
            %dma_wait3A_133 = tpu.memref_slice %arg11[%add3A_104, %dma_wait3A_132] : memref<40x128xi32, #tpu.memory_space<vmem>> -> memref<1x128xi32, #tpu.memory_space<vmem>>
            %dma_wait3A_134 = tpu.memref_squeeze %dma_wait3A_133 : memref<1x128xi32, #tpu.memory_space<vmem>> -> memref<128xi32, #tpu.memory_space<vmem>>
            %dma_wait3A_135 = arith.constant 0 : i32
            %dma_wait3A_136 = arith.constant 0 : i32
            %dma_wait3A_137 = tpu.memref_slice %arg9[%dma_wait3A_135, %dma_wait3A_136] : memref<10000x128xf32, #tpu.memory_space<vmem_shared>> -> memref<10000x128xf32, #tpu.memory_space<vmem_shared>>
            tpu.wait_indirect_dma semaphore(%run_scoped3A : memref<!tpu.dma_semaphore, #tpu.memory_space<semaphore_mem>>) src(%arg13 : memref<128x128xf32, #tpu.memory_space<vmem>>) dst(%dma_wait3A_137 : memref<10000x128xf32, #tpu.memory_space<vmem_shared>>)
            tpu.yield
          }) : () -> ()
          %add3A_116 = arith.constant 2 : i32
          %add3A_117 = arith.addi %add3A_104, %add3A_116 : i32
          %add3A_118 = arith.addi %mul3A_20, %add3A_117 : i32
          %lt3A_119 = arith.constant 1250 : i32
          %lt3A_120 = arith.cmpi slt, %add3A_118, %lt3A_119 : i32
          %lt3A_121 = arith.constant 40 : i32
          %lt3A_122 = arith.cmpi slt, %add3A_117, %lt3A_121 : i32
          %and3A_123 = arith.andi %lt3A_120, %lt3A_122 : i1
          %convert_element_type3A_124 = arith.extui %and3A_123 : i1 to i32
          %cond3A_125 = arith.constant 0 : i32
          %cond3A_126 = arith.cmpi ne, %convert_element_type3A_124, %cond3A_125 : i32
          scf.if %cond3A_126 {
            %dma_start3A = arith.constant 0 : i32
            %dma_start3A_127 = tpu.memref_slice %arg10[%add3A_117, %dma_start3A] : memref<40x128xi32, #tpu.memory_space<vmem>> -> memref<1x128xi32, #tpu.memory_space<vmem>>
            %dma_start3A_128 = tpu.memref_squeeze %dma_start3A_127 : memref<1x128xi32, #tpu.memory_space<vmem>> -> memref<128xi32, #tpu.memory_space<vmem>>
            %dma_start3A_129 = arith.constant 0 : i32
            %dma_start3A_130 = arith.constant 0 : i32
            %dma_start3A_131 = tpu.memref_slice %arg5[%dma_start3A_129, %dma_start3A_130] : memref<10000x128xf32, #tpu.memory_space<hbm>> -> memref<10000x128xf32, #tpu.memory_space<hbm>>
            tpu.enqueue_indirect_dma source(%dma_start3A_131 : memref<10000x128xf32, #tpu.memory_space<hbm>>) target(%arg13 : memref<128x128xf32, #tpu.memory_space<vmem>>) offsets(%dma_start3A_128 : memref<128xi32, #tpu.memory_space<vmem>>) semaphore(%arg15 : memref<!tpu.dma_semaphore, #tpu.memory_space<semaphore_mem>>)
          } else {
          }
        } else {
        }
      }
      %scan3A_56 = arith.constant 20 : i32
      %mul3A_57 = arith.constant 2 : i32
      %mul3A_58 = arith.muli %mul3A_57, %arg1 : i32
      %add3A_59 = arith.constant 1 : i32
      %add3A_60 = arith.addi %mul3A_58, %add3A_59 : i32
      %mul3A_61 = arith.constant 40 : i32
      %mul3A_62 = arith.muli %mul3A_61, %add3A_60 : i32
      "tpu.region"() ({
        %run_scoped3A = tpu.sem_alloc : memref<!tpu.dma_semaphore, #tpu.memory_space<semaphore_mem>>
        %dma_start3A = arith.constant 0 : i32
        %dma_start3A_86 = tpu.memref_slice %arg2[%mul3A_62, %dma_start3A] : memref<1280x128xi32, #tpu.memory_space<hbm>> -> memref<40x128xi32, #tpu.memory_space<hbm>>
        %dma_start3A_87 = arith.constant 0 : i32
        %dma_start3A_88 = tpu.memref_slice %arg2[%mul3A_62, %dma_start3A_87] : memref<1280x128xi32, #tpu.memory_space<hbm>> -> memref<40x128xi32, #tpu.memory_space<hbm>>
        tpu.enqueue_dma source(%dma_start3A_88 : memref<40x128xi32, #tpu.memory_space<hbm>>) target(%arg10 : memref<40x128xi32, #tpu.memory_space<vmem>>) target_semaphore(%run_scoped3A : memref<!tpu.dma_semaphore, #tpu.memory_space<semaphore_mem>>)
        %dma_wait3A = arith.constant 0 : i32
        %dma_wait3A_89 = tpu.memref_slice %arg2[%mul3A_62, %dma_wait3A] : memref<1280x128xi32, #tpu.memory_space<hbm>> -> memref<40x128xi32, #tpu.memory_space<hbm>>
        %dma_wait3A_90 = arith.constant 0 : i32
        %dma_wait3A_91 = tpu.memref_slice %arg2[%mul3A_62, %dma_wait3A_90] : memref<1280x128xi32, #tpu.memory_space<hbm>> -> memref<40x128xi32, #tpu.memory_space<hbm>>
        tpu.wait_dma2 semaphore(%run_scoped3A : memref<!tpu.dma_semaphore, #tpu.memory_space<semaphore_mem>>) src(%dma_wait3A_91 : memref<40x128xi32, #tpu.memory_space<hbm>>) dst(%arg10 : memref<40x128xi32, #tpu.memory_space<vmem>>)
        tpu.yield
      }) : () -> ()
      "tpu.region"() ({
        %run_scoped3A = tpu.sem_alloc : memref<!tpu.dma_semaphore, #tpu.memory_space<semaphore_mem>>
        %dma_start3A = arith.constant 0 : i32
        %dma_start3A_86 = tpu.memref_slice %arg3[%mul3A_62, %dma_start3A] : memref<1280x128xi32, #tpu.memory_space<hbm>> -> memref<40x128xi32, #tpu.memory_space<hbm>>
        %dma_start3A_87 = arith.constant 0 : i32
        %dma_start3A_88 = tpu.memref_slice %arg3[%mul3A_62, %dma_start3A_87] : memref<1280x128xi32, #tpu.memory_space<hbm>> -> memref<40x128xi32, #tpu.memory_space<hbm>>
        tpu.enqueue_dma source(%dma_start3A_88 : memref<40x128xi32, #tpu.memory_space<hbm>>) target(%arg11 : memref<40x128xi32, #tpu.memory_space<vmem>>) target_semaphore(%run_scoped3A : memref<!tpu.dma_semaphore, #tpu.memory_space<semaphore_mem>>)
        %dma_wait3A = arith.constant 0 : i32
        %dma_wait3A_89 = tpu.memref_slice %arg3[%mul3A_62, %dma_wait3A] : memref<1280x128xi32, #tpu.memory_space<hbm>> -> memref<40x128xi32, #tpu.memory_space<hbm>>
        %dma_wait3A_90 = arith.constant 0 : i32
        %dma_wait3A_91 = tpu.memref_slice %arg3[%mul3A_62, %dma_wait3A_90] : memref<1280x128xi32, #tpu.memory_space<hbm>> -> memref<40x128xi32, #tpu.memory_space<hbm>>
        tpu.wait_dma2 semaphore(%run_scoped3A : memref<!tpu.dma_semaphore, #tpu.memory_space<semaphore_mem>>) src(%dma_wait3A_91 : memref<40x128xi32, #tpu.memory_space<hbm>>) dst(%arg11 : memref<40x128xi32, #tpu.memory_space<vmem>>)
        tpu.yield
      }) : () -> ()
      %add3A_63 = arith.constant 0 : i32
      %add3A_64 = arith.addi %mul3A_62, %add3A_63 : i32
      %lt3A_65 = arith.constant 1250 : i32
      %lt3A_66 = arith.cmpi slt, %add3A_64, %lt3A_65 : i32
      %and3A_67 = arith.constant true
      %and3A_68 = arith.andi %lt3A_66, %and3A_67 : i1
      %convert_element_type3A_69 = arith.extui %and3A_68 : i1 to i32
      %cond3A_70 = arith.constant 0 : i32
      %cond3A_71 = arith.cmpi ne, %convert_element_type3A_69, %cond3A_70 : i32
      scf.if %cond3A_71 {
        %dma_start3A = arith.constant 0 : i32
        %dma_start3A_86 = arith.constant 0 : i32
        %dma_start3A_87 = tpu.memref_slice %arg10[%dma_start3A, %dma_start3A_86] : memref<40x128xi32, #tpu.memory_space<vmem>> -> memref<1x128xi32, #tpu.memory_space<vmem>>
        %dma_start3A_88 = tpu.memref_squeeze %dma_start3A_87 : memref<1x128xi32, #tpu.memory_space<vmem>> -> memref<128xi32, #tpu.memory_space<vmem>>
        %dma_start3A_89 = arith.constant 0 : i32
        %dma_start3A_90 = arith.constant 0 : i32
        %dma_start3A_91 = tpu.memref_slice %arg5[%dma_start3A_89, %dma_start3A_90] : memref<10000x128xf32, #tpu.memory_space<hbm>> -> memref<10000x128xf32, #tpu.memory_space<hbm>>
        tpu.enqueue_indirect_dma source(%dma_start3A_91 : memref<10000x128xf32, #tpu.memory_space<hbm>>) target(%arg12 : memref<128x128xf32, #tpu.memory_space<vmem>>) offsets(%dma_start3A_88 : memref<128xi32, #tpu.memory_space<vmem>>) semaphore(%arg14 : memref<!tpu.dma_semaphore, #tpu.memory_space<semaphore_mem>>)
      } else {
      }
      %add3A_72 = arith.constant 1 : i32
      %add3A_73 = arith.addi %mul3A_62, %add3A_72 : i32
      %lt3A_74 = arith.constant 1250 : i32
      %lt3A_75 = arith.cmpi slt, %add3A_73, %lt3A_74 : i32
      %and3A_76 = arith.constant true
      %and3A_77 = arith.andi %lt3A_75, %and3A_76 : i1
      %convert_element_type3A_78 = arith.extui %and3A_77 : i1 to i32
      %cond3A_79 = arith.constant 0 : i32
      %cond3A_80 = arith.cmpi ne, %convert_element_type3A_78, %cond3A_79 : i32
      scf.if %cond3A_80 {
        %dma_start3A = arith.constant 1 : i32
        %dma_start3A_86 = arith.constant 0 : i32
        %dma_start3A_87 = tpu.memref_slice %arg10[%dma_start3A, %dma_start3A_86] : memref<40x128xi32, #tpu.memory_space<vmem>> -> memref<1x128xi32, #tpu.memory_space<vmem>>
        %dma_start3A_88 = tpu.memref_squeeze %dma_start3A_87 : memref<1x128xi32, #tpu.memory_space<vmem>> -> memref<128xi32, #tpu.memory_space<vmem>>
        %dma_start3A_89 = arith.constant 0 : i32
        %dma_start3A_90 = arith.constant 0 : i32
        %dma_start3A_91 = tpu.memref_slice %arg5[%dma_start3A_89, %dma_start3A_90] : memref<10000x128xf32, #tpu.memory_space<hbm>> -> memref<10000x128xf32, #tpu.memory_space<hbm>>
        tpu.enqueue_indirect_dma source(%dma_start3A_91 : memref<10000x128xf32, #tpu.memory_space<hbm>>) target(%arg13 : memref<128x128xf32, #tpu.memory_space<vmem>>) offsets(%dma_start3A_88 : memref<128xi32, #tpu.memory_space<vmem>>) semaphore(%arg15 : memref<!tpu.dma_semaphore, #tpu.memory_space<semaphore_mem>>)
      } else {
      }
      %scan3A_81 = arith.constant 0 : i32
      %scan3A_82 = arith.constant 20 : i32
      %scan3A_83 = arith.addi %scan3A_81, %scan3A_82 : i32
      %scan3A_84 = arith.constant 1 : i32
      scf.for %scan3A_86 = %scan3A_81 to %scan3A_83 step %scan3A_84  : i32 {
        %mul3A_87 = arith.constant 1 : i32
        %mul3A_88 = arith.muli %scan3A_86, %mul3A_87 : i32
        %add3A_89 = arith.constant 0 : i32
        %add3A_90 = arith.addi %add3A_89, %mul3A_88 : i32
        %mul3A_91 = arith.constant 2 : i32
        %mul3A_92 = arith.muli %mul3A_91, %add3A_90 : i32
        %add3A_93 = arith.constant 0 : i32
        %add3A_94 = arith.addi %mul3A_92, %add3A_93 : i32
        %add3A_95 = arith.addi %mul3A_62, %add3A_94 : i32
        %lt3A_96 = arith.constant 1250 : i32
        %lt3A_97 = arith.cmpi slt, %add3A_95, %lt3A_96 : i32
        %convert_element_type3A_98 = arith.extui %lt3A_97 : i1 to i32
        %cond3A_99 = arith.constant 0 : i32
        %cond3A_100 = arith.cmpi ne, %convert_element_type3A_98, %cond3A_99 : i32
        scf.if %cond3A_100 {
          %dma_wait3A = arith.constant 0 : i32
          %dma_wait3A_111 = tpu.memref_slice %arg10[%add3A_94, %dma_wait3A] : memref<40x128xi32, #tpu.memory_space<vmem>> -> memref<1x128xi32, #tpu.memory_space<vmem>>
          %dma_wait3A_112 = tpu.memref_squeeze %dma_wait3A_111 : memref<1x128xi32, #tpu.memory_space<vmem>> -> memref<128xi32, #tpu.memory_space<vmem>>
          %dma_wait3A_113 = arith.constant 0 : i32
          %dma_wait3A_114 = arith.constant 0 : i32
          %dma_wait3A_115 = tpu.memref_slice %arg5[%dma_wait3A_113, %dma_wait3A_114] : memref<10000x128xf32, #tpu.memory_space<hbm>> -> memref<10000x128xf32, #tpu.memory_space<hbm>>
          tpu.wait_indirect_dma semaphore(%arg14 : memref<!tpu.dma_semaphore, #tpu.memory_space<semaphore_mem>>) src(%dma_wait3A_115 : memref<10000x128xf32, #tpu.memory_space<hbm>>) dst(%arg12 : memref<128x128xf32, #tpu.memory_space<vmem>>)
          "tpu.region"() ({
            %run_scoped3A = tpu.sem_alloc : memref<!tpu.dma_semaphore, #tpu.memory_space<semaphore_mem>>
            %dma_start3A = arith.constant 0 : i32
            %dma_start3A_127 = tpu.memref_slice %arg11[%add3A_94, %dma_start3A] : memref<40x128xi32, #tpu.memory_space<vmem>> -> memref<1x128xi32, #tpu.memory_space<vmem>>
            %dma_start3A_128 = tpu.memref_squeeze %dma_start3A_127 : memref<1x128xi32, #tpu.memory_space<vmem>> -> memref<128xi32, #tpu.memory_space<vmem>>
            %dma_start3A_129 = arith.constant 0 : i32
            %dma_start3A_130 = arith.constant 0 : i32
            %dma_start3A_131 = tpu.memref_slice %arg9[%dma_start3A_129, %dma_start3A_130] : memref<10000x128xf32, #tpu.memory_space<vmem_shared>> -> memref<10000x128xf32, #tpu.memory_space<vmem_shared>>
            tpu.enqueue_indirect_dma source(%arg12 : memref<128x128xf32, #tpu.memory_space<vmem>>) target(%dma_start3A_131 : memref<10000x128xf32, #tpu.memory_space<vmem_shared>>) offsets(%dma_start3A_128 : memref<128xi32, #tpu.memory_space<vmem>>) semaphore(%run_scoped3A : memref<!tpu.dma_semaphore, #tpu.memory_space<semaphore_mem>>) {add = true}
            %dma_wait3A_132 = arith.constant 0 : i32
            %dma_wait3A_133 = tpu.memref_slice %arg11[%add3A_94, %dma_wait3A_132] : memref<40x128xi32, #tpu.memory_space<vmem>> -> memref<1x128xi32, #tpu.memory_space<vmem>>
            %dma_wait3A_134 = tpu.memref_squeeze %dma_wait3A_133 : memref<1x128xi32, #tpu.memory_space<vmem>> -> memref<128xi32, #tpu.memory_space<vmem>>
            %dma_wait3A_135 = arith.constant 0 : i32
            %dma_wait3A_136 = arith.constant 0 : i32
            %dma_wait3A_137 = tpu.memref_slice %arg9[%dma_wait3A_135, %dma_wait3A_136] : memref<10000x128xf32, #tpu.memory_space<vmem_shared>> -> memref<10000x128xf32, #tpu.memory_space<vmem_shared>>
            tpu.wait_indirect_dma semaphore(%run_scoped3A : memref<!tpu.dma_semaphore, #tpu.memory_space<semaphore_mem>>) src(%arg12 : memref<128x128xf32, #tpu.memory_space<vmem>>) dst(%dma_wait3A_137 : memref<10000x128xf32, #tpu.memory_space<vmem_shared>>)
            tpu.yield
          }) : () -> ()
          %add3A_116 = arith.constant 2 : i32
          %add3A_117 = arith.addi %add3A_94, %add3A_116 : i32
          %add3A_118 = arith.addi %mul3A_62, %add3A_117 : i32
          %lt3A_119 = arith.constant 1250 : i32
          %lt3A_120 = arith.cmpi slt, %add3A_118, %lt3A_119 : i32
          %lt3A_121 = arith.constant 40 : i32
          %lt3A_122 = arith.cmpi slt, %add3A_117, %lt3A_121 : i32
          %and3A_123 = arith.andi %lt3A_120, %lt3A_122 : i1
          %convert_element_type3A_124 = arith.extui %and3A_123 : i1 to i32
          %cond3A_125 = arith.constant 0 : i32
          %cond3A_126 = arith.cmpi ne, %convert_element_type3A_124, %cond3A_125 : i32
          scf.if %cond3A_126 {
            %dma_start3A = arith.constant 0 : i32
            %dma_start3A_127 = tpu.memref_slice %arg10[%add3A_117, %dma_start3A] : memref<40x128xi32, #tpu.memory_space<vmem>> -> memref<1x128xi32, #tpu.memory_space<vmem>>
            %dma_start3A_128 = tpu.memref_squeeze %dma_start3A_127 : memref<1x128xi32, #tpu.memory_space<vmem>> -> memref<128xi32, #tpu.memory_space<vmem>>
            %dma_start3A_129 = arith.constant 0 : i32
            %dma_start3A_130 = arith.constant 0 : i32
            %dma_start3A_131 = tpu.memref_slice %arg5[%dma_start3A_129, %dma_start3A_130] : memref<10000x128xf32, #tpu.memory_space<hbm>> -> memref<10000x128xf32, #tpu.memory_space<hbm>>
            tpu.enqueue_indirect_dma source(%dma_start3A_131 : memref<10000x128xf32, #tpu.memory_space<hbm>>) target(%arg12 : memref<128x128xf32, #tpu.memory_space<vmem>>) offsets(%dma_start3A_128 : memref<128xi32, #tpu.memory_space<vmem>>) semaphore(%arg14 : memref<!tpu.dma_semaphore, #tpu.memory_space<semaphore_mem>>)
          } else {
          }
        } else {
        }
        %mul3A_101 = arith.constant 2 : i32
        %mul3A_102 = arith.muli %mul3A_101, %add3A_90 : i32
        %add3A_103 = arith.constant 1 : i32
        %add3A_104 = arith.addi %mul3A_102, %add3A_103 : i32
        %add3A_105 = arith.addi %mul3A_62, %add3A_104 : i32
        %lt3A_106 = arith.constant 1250 : i32
        %lt3A_107 = arith.cmpi slt, %add3A_105, %lt3A_106 : i32
        %convert_element_type3A_108 = arith.extui %lt3A_107 : i1 to i32
        %cond3A_109 = arith.constant 0 : i32
        %cond3A_110 = arith.cmpi ne, %convert_element_type3A_108, %cond3A_109 : i32
        scf.if %cond3A_110 {
          %dma_wait3A = arith.constant 0 : i32
          %dma_wait3A_111 = tpu.memref_slice %arg10[%add3A_104, %dma_wait3A] : memref<40x128xi32, #tpu.memory_space<vmem>> -> memref<1x128xi32, #tpu.memory_space<vmem>>
          %dma_wait3A_112 = tpu.memref_squeeze %dma_wait3A_111 : memref<1x128xi32, #tpu.memory_space<vmem>> -> memref<128xi32, #tpu.memory_space<vmem>>
          %dma_wait3A_113 = arith.constant 0 : i32
          %dma_wait3A_114 = arith.constant 0 : i32
          %dma_wait3A_115 = tpu.memref_slice %arg5[%dma_wait3A_113, %dma_wait3A_114] : memref<10000x128xf32, #tpu.memory_space<hbm>> -> memref<10000x128xf32, #tpu.memory_space<hbm>>
          tpu.wait_indirect_dma semaphore(%arg15 : memref<!tpu.dma_semaphore, #tpu.memory_space<semaphore_mem>>) src(%dma_wait3A_115 : memref<10000x128xf32, #tpu.memory_space<hbm>>) dst(%arg13 : memref<128x128xf32, #tpu.memory_space<vmem>>)
          "tpu.region"() ({
            %run_scoped3A = tpu.sem_alloc : memref<!tpu.dma_semaphore, #tpu.memory_space<semaphore_mem>>
            %dma_start3A = arith.constant 0 : i32
            %dma_start3A_127 = tpu.memref_slice %arg11[%add3A_104, %dma_start3A] : memref<40x128xi32, #tpu.memory_space<vmem>> -> memref<1x128xi32, #tpu.memory_space<vmem>>
            %dma_start3A_128 = tpu.memref_squeeze %dma_start3A_127 : memref<1x128xi32, #tpu.memory_space<vmem>> -> memref<128xi32, #tpu.memory_space<vmem>>
            %dma_start3A_129 = arith.constant 0 : i32
            %dma_start3A_130 = arith.constant 0 : i32
            %dma_start3A_131 = tpu.memref_slice %arg9[%dma_start3A_129, %dma_start3A_130] : memref<10000x128xf32, #tpu.memory_space<vmem_shared>> -> memref<10000x128xf32, #tpu.memory_space<vmem_shared>>
            tpu.enqueue_indirect_dma source(%arg13 : memref<128x128xf32, #tpu.memory_space<vmem>>) target(%dma_start3A_131 : memref<10000x128xf32, #tpu.memory_space<vmem_shared>>) offsets(%dma_start3A_128 : memref<128xi32, #tpu.memory_space<vmem>>) semaphore(%run_scoped3A : memref<!tpu.dma_semaphore, #tpu.memory_space<semaphore_mem>>) {add = true}
            %dma_wait3A_132 = arith.constant 0 : i32
            %dma_wait3A_133 = tpu.memref_slice %arg11[%add3A_104, %dma_wait3A_132] : memref<40x128xi32, #tpu.memory_space<vmem>> -> memref<1x128xi32, #tpu.memory_space<vmem>>
            %dma_wait3A_134 = tpu.memref_squeeze %dma_wait3A_133 : memref<1x128xi32, #tpu.memory_space<vmem>> -> memref<128xi32, #tpu.memory_space<vmem>>
            %dma_wait3A_135 = arith.constant 0 : i32
            %dma_wait3A_136 = arith.constant 0 : i32
            %dma_wait3A_137 = tpu.memref_slice %arg9[%dma_wait3A_135, %dma_wait3A_136] : memref<10000x128xf32, #tpu.memory_space<vmem_shared>> -> memref<10000x128xf32, #tpu.memory_space<vmem_shared>>
            tpu.wait_indirect_dma semaphore(%run_scoped3A : memref<!tpu.dma_semaphore, #tpu.memory_space<semaphore_mem>>) src(%arg13 : memref<128x128xf32, #tpu.memory_space<vmem>>) dst(%dma_wait3A_137 : memref<10000x128xf32, #tpu.memory_space<vmem_shared>>)
            tpu.yield
          }) : () -> ()
          %add3A_116 = arith.constant 2 : i32
          %add3A_117 = arith.addi %add3A_104, %add3A_116 : i32
          %add3A_118 = arith.addi %mul3A_62, %add3A_117 : i32
          %lt3A_119 = arith.constant 1250 : i32
          %lt3A_120 = arith.cmpi slt, %add3A_118, %lt3A_119 : i32
          %lt3A_121 = arith.constant 40 : i32
          %lt3A_122 = arith.cmpi slt, %add3A_117, %lt3A_121 : i32
          %and3A_123 = arith.andi %lt3A_120, %lt3A_122 : i1
          %convert_element_type3A_124 = arith.extui %and3A_123 : i1 to i32
          %cond3A_125 = arith.constant 0 : i32
          %cond3A_126 = arith.cmpi ne, %convert_element_type3A_124, %cond3A_125 : i32
          scf.if %cond3A_126 {
            %dma_start3A = arith.constant 0 : i32
            %dma_start3A_127 = tpu.memref_slice %arg10[%add3A_117, %dma_start3A] : memref<40x128xi32, #tpu.memory_space<vmem>> -> memref<1x128xi32, #tpu.memory_space<vmem>>
            %dma_start3A_128 = tpu.memref_squeeze %dma_start3A_127 : memref<1x128xi32, #tpu.memory_space<vmem>> -> memref<128xi32, #tpu.memory_space<vmem>>
            %dma_start3A_129 = arith.constant 0 : i32
            %dma_start3A_130 = arith.constant 0 : i32
            %dma_start3A_131 = tpu.memref_slice %arg5[%dma_start3A_129, %dma_start3A_130] : memref<10000x128xf32, #tpu.memory_space<hbm>> -> memref<10000x128xf32, #tpu.memory_space<hbm>>
            tpu.enqueue_indirect_dma source(%dma_start3A_131 : memref<10000x128xf32, #tpu.memory_space<hbm>>) target(%arg13 : memref<128x128xf32, #tpu.memory_space<vmem>>) offsets(%dma_start3A_128 : memref<128xi32, #tpu.memory_space<vmem>>) semaphore(%arg15 : memref<!tpu.dma_semaphore, #tpu.memory_space<semaphore_mem>>)
          } else {
          }
        } else {
        }
      }
      %scan3A_85 = arith.constant 20 : i32
    } else {
    }
    %barrier3A = arith.constant 0 : index
    tpu.barrier barrier_id(%barrier3A)
    %eq3A_7 = arith.constant 0 : i32
    %eq3A_8 = arith.cmpi eq, %arg0, %eq3A_7 : i32
    %convert_element_type3A_9 = arith.extui %eq3A_8 : i1 to i32
    %cond3A_10 = arith.constant 0 : i32
    %cond3A_11 = arith.cmpi ne, %convert_element_type3A_9, %cond3A_10 : i32
    scf.if %cond3A_11 {
      %sub3A = arith.constant 25 : i32
      %sub3A_17 = arith.subi %sub3A, %arg1 : i32
      %sub3A_18 = arith.constant 16 : i32
      %sub3A_19 = arith.constant 1 : i32
      %sub3A_20 = arith.subi %sub3A_18, %sub3A_19 : i32
      %add3A = arith.addi %sub3A_17, %sub3A_20 : i32
      %div3A = arith.constant 16 : i32
      %div3A_21 = arith.divsi %add3A, %div3A : i32
      %while3A = arith.constant 16 : i32
      %while3A_22 = arith.constant 0 : i32
      %while3A_23 = arith.subi %div3A_21, %while3A_22 : i32
      %while3A_24 = arith.addi %while3A_22, %while3A_23 : i32
      %while3A_25 = arith.constant 1 : i32
      %while3A_26 = arith.divsi %while3A_23, %while3A_25 : i32
      %while3A_27 = arith.muli %while3A_26, %while3A_25 : i32
      %while3A_28 = arith.addi %while3A_22, %while3A_27 : i32
      %while3A_29 = arith.constant 1 : i32
      scf.for %while3A_31 = %while3A_22 to %while3A_28 step %while3A_29  : i32 {
        %mul3A = arith.muli %while3A_31, %while3A : i32
        %add3A_32 = arith.addi %arg1, %mul3A : i32
        %mul3A_33 = arith.constant 400 : i32
        %mul3A_34 = arith.muli %add3A_32, %mul3A_33 : i32
        "tpu.region"() ({
          %run_scoped3A = tpu.sem_alloc : memref<!tpu.dma_semaphore, #tpu.memory_space<semaphore_mem>>
          %dma_start3A = arith.constant 0 : i32
          %dma_start3A_35 = tpu.memref_slice %arg7[%mul3A_34, %dma_start3A] : memref<10000x128xf32, #tpu.memory_space<hbm>> -> memref<400x128xf32, #tpu.memory_space<hbm>>
          %dma_start3A_36 = arith.constant 0 : i32
          %dma_start3A_37 = tpu.memref_slice %arg9[%mul3A_34, %dma_start3A_36] : memref<10000x128xf32, #tpu.memory_space<vmem_shared>> -> memref<400x128xf32, #tpu.memory_space<vmem_shared>>
          tpu.enqueue_dma source(%dma_start3A_37 : memref<400x128xf32, #tpu.memory_space<vmem_shared>>) target(%dma_start3A_35 : memref<400x128xf32, #tpu.memory_space<hbm>>) target_semaphore(%run_scoped3A : memref<!tpu.dma_semaphore, #tpu.memory_space<semaphore_mem>>)
          %dma_wait3A = arith.constant 0 : i32
          %dma_wait3A_38 = tpu.memref_slice %arg7[%mul3A_34, %dma_wait3A] : memref<10000x128xf32, #tpu.memory_space<hbm>> -> memref<400x128xf32, #tpu.memory_space<hbm>>
          %dma_wait3A_39 = arith.constant 0 : i32
          %dma_wait3A_40 = tpu.memref_slice %arg9[%mul3A_34, %dma_wait3A_39] : memref<10000x128xf32, #tpu.memory_space<vmem_shared>> -> memref<400x128xf32, #tpu.memory_space<vmem_shared>>
          tpu.wait_dma2 semaphore(%run_scoped3A : memref<!tpu.dma_semaphore, #tpu.memory_space<semaphore_mem>>) src(%dma_wait3A_40 : memref<400x128xf32, #tpu.memory_space<vmem_shared>>) dst(%dma_wait3A_38 : memref<400x128xf32, #tpu.memory_space<hbm>>)
          tpu.yield
        }) : () -> ()
      }
      %while3A_30 = arith.constant 1 : i32
      scf.for %while3A_31 = %while3A_28 to %while3A_24 step %while3A_30  : i32 {
        %mul3A = arith.muli %while3A_31, %while3A : i32
        %add3A_32 = arith.addi %arg1, %mul3A : i32
        %mul3A_33 = arith.constant 400 : i32
        %mul3A_34 = arith.muli %add3A_32, %mul3A_33 : i32
        "tpu.region"() ({
          %run_scoped3A = tpu.sem_alloc : memref<!tpu.dma_semaphore, #tpu.memory_space<semaphore_mem>>
          %dma_start3A = arith.constant 0 : i32
          %dma_start3A_35 = tpu.memref_slice %arg7[%mul3A_34, %dma_start3A] : memref<10000x128xf32, #tpu.memory_space<hbm>> -> memref<400x128xf32, #tpu.memory_space<hbm>>
          %dma_start3A_36 = arith.constant 0 : i32
          %dma_start3A_37 = tpu.memref_slice %arg9[%mul3A_34, %dma_start3A_36] : memref<10000x128xf32, #tpu.memory_space<vmem_shared>> -> memref<400x128xf32, #tpu.memory_space<vmem_shared>>
          tpu.enqueue_dma source(%dma_start3A_37 : memref<400x128xf32, #tpu.memory_space<vmem_shared>>) target(%dma_start3A_35 : memref<400x128xf32, #tpu.memory_space<hbm>>) target_semaphore(%run_scoped3A : memref<!tpu.dma_semaphore, #tpu.memory_space<semaphore_mem>>)
          %dma_wait3A = arith.constant 0 : i32
          %dma_wait3A_38 = tpu.memref_slice %arg7[%mul3A_34, %dma_wait3A] : memref<10000x128xf32, #tpu.memory_space<hbm>> -> memref<400x128xf32, #tpu.memory_space<hbm>>
          %dma_wait3A_39 = arith.constant 0 : i32
          %dma_wait3A_40 = tpu.memref_slice %arg9[%mul3A_34, %dma_wait3A_39] : memref<10000x128xf32, #tpu.memory_space<vmem_shared>> -> memref<400x128xf32, #tpu.memory_space<vmem_shared>>
          tpu.wait_dma2 semaphore(%run_scoped3A : memref<!tpu.dma_semaphore, #tpu.memory_space<semaphore_mem>>) src(%dma_wait3A_40 : memref<400x128xf32, #tpu.memory_space<vmem_shared>>) dst(%dma_wait3A_38 : memref<400x128xf32, #tpu.memory_space<hbm>>)
          tpu.yield
        }) : () -> ()
      }
    } else {
    }
    %eq3A_12 = arith.constant 1 : i32
    %eq3A_13 = arith.cmpi eq, %arg0, %eq3A_12 : i32
    %convert_element_type3A_14 = arith.extui %eq3A_13 : i1 to i32
    %cond3A_15 = arith.constant 0 : i32
    %cond3A_16 = arith.cmpi ne, %convert_element_type3A_14, %cond3A_15 : i32
    scf.if %cond3A_16 {
      %sub3A = arith.constant 25 : i32
      %sub3A_17 = arith.subi %sub3A, %arg1 : i32
      %sub3A_18 = arith.constant 16 : i32
      %sub3A_19 = arith.constant 1 : i32
      %sub3A_20 = arith.subi %sub3A_18, %sub3A_19 : i32
      %add3A = arith.addi %sub3A_17, %sub3A_20 : i32
      %div3A = arith.constant 16 : i32
      %div3A_21 = arith.divsi %add3A, %div3A : i32
      %while3A = arith.constant 16 : i32
      %while3A_22 = arith.constant 0 : i32
      %while3A_23 = arith.subi %div3A_21, %while3A_22 : i32
      %while3A_24 = arith.addi %while3A_22, %while3A_23 : i32
      %while3A_25 = arith.constant 1 : i32
      %while3A_26 = arith.divsi %while3A_23, %while3A_25 : i32
      %while3A_27 = arith.muli %while3A_26, %while3A_25 : i32
      %while3A_28 = arith.addi %while3A_22, %while3A_27 : i32
      %while3A_29 = arith.constant 1 : i32
      scf.for %while3A_31 = %while3A_22 to %while3A_28 step %while3A_29  : i32 {
        %mul3A = arith.muli %while3A_31, %while3A : i32
        %add3A_32 = arith.addi %arg1, %mul3A : i32
        %mul3A_33 = arith.constant 400 : i32
        %mul3A_34 = arith.muli %add3A_32, %mul3A_33 : i32
        "tpu.region"() ({
          %run_scoped3A = tpu.sem_alloc : memref<!tpu.dma_semaphore, #tpu.memory_space<semaphore_mem>>
          %dma_start3A = arith.constant 0 : i32
          %dma_start3A_35 = tpu.memref_slice %arg8[%mul3A_34, %dma_start3A] : memref<10000x128xf32, #tpu.memory_space<hbm>> -> memref<400x128xf32, #tpu.memory_space<hbm>>
          %dma_start3A_36 = arith.constant 0 : i32
          %dma_start3A_37 = tpu.memref_slice %arg9[%mul3A_34, %dma_start3A_36] : memref<10000x128xf32, #tpu.memory_space<vmem_shared>> -> memref<400x128xf32, #tpu.memory_space<vmem_shared>>
          tpu.enqueue_dma source(%dma_start3A_37 : memref<400x128xf32, #tpu.memory_space<vmem_shared>>) target(%dma_start3A_35 : memref<400x128xf32, #tpu.memory_space<hbm>>) target_semaphore(%run_scoped3A : memref<!tpu.dma_semaphore, #tpu.memory_space<semaphore_mem>>)
          %dma_wait3A = arith.constant 0 : i32
          %dma_wait3A_38 = tpu.memref_slice %arg8[%mul3A_34, %dma_wait3A] : memref<10000x128xf32, #tpu.memory_space<hbm>> -> memref<400x128xf32, #tpu.memory_space<hbm>>
          %dma_wait3A_39 = arith.constant 0 : i32
          %dma_wait3A_40 = tpu.memref_slice %arg9[%mul3A_34, %dma_wait3A_39] : memref<10000x128xf32, #tpu.memory_space<vmem_shared>> -> memref<400x128xf32, #tpu.memory_space<vmem_shared>>
          tpu.wait_dma2 semaphore(%run_scoped3A : memref<!tpu.dma_semaphore, #tpu.memory_space<semaphore_mem>>) src(%dma_wait3A_40 : memref<400x128xf32, #tpu.memory_space<vmem_shared>>) dst(%dma_wait3A_38 : memref<400x128xf32, #tpu.memory_space<hbm>>)
          tpu.yield
        }) : () -> ()
      }
      %while3A_30 = arith.constant 1 : i32
      scf.for %while3A_31 = %while3A_28 to %while3A_24 step %while3A_30  : i32 {
        %mul3A = arith.muli %while3A_31, %while3A : i32
        %add3A_32 = arith.addi %arg1, %mul3A : i32
        %mul3A_33 = arith.constant 400 : i32
        %mul3A_34 = arith.muli %add3A_32, %mul3A_33 : i32
        "tpu.region"() ({
          %run_scoped3A = tpu.sem_alloc : memref<!tpu.dma_semaphore, #tpu.memory_space<semaphore_mem>>
          %dma_start3A = arith.constant 0 : i32
          %dma_start3A_35 = tpu.memref_slice %arg8[%mul3A_34, %dma_start3A] : memref<10000x128xf32, #tpu.memory_space<hbm>> -> memref<400x128xf32, #tpu.memory_space<hbm>>
          %dma_start3A_36 = arith.constant 0 : i32
          %dma_start3A_37 = tpu.memref_slice %arg9[%mul3A_34, %dma_start3A_36] : memref<10000x128xf32, #tpu.memory_space<vmem_shared>> -> memref<400x128xf32, #tpu.memory_space<vmem_shared>>
          tpu.enqueue_dma source(%dma_start3A_37 : memref<400x128xf32, #tpu.memory_space<vmem_shared>>) target(%dma_start3A_35 : memref<400x128xf32, #tpu.memory_space<hbm>>) target_semaphore(%run_scoped3A : memref<!tpu.dma_semaphore, #tpu.memory_space<semaphore_mem>>)
          %dma_wait3A = arith.constant 0 : i32
          %dma_wait3A_38 = tpu.memref_slice %arg8[%mul3A_34, %dma_wait3A] : memref<10000x128xf32, #tpu.memory_space<hbm>> -> memref<400x128xf32, #tpu.memory_space<hbm>>
          %dma_wait3A_39 = arith.constant 0 : i32
          %dma_wait3A_40 = tpu.memref_slice %arg9[%mul3A_34, %dma_wait3A_39] : memref<10000x128xf32, #tpu.memory_space<vmem_shared>> -> memref<400x128xf32, #tpu.memory_space<vmem_shared>>
          tpu.wait_dma2 semaphore(%run_scoped3A : memref<!tpu.dma_semaphore, #tpu.memory_space<semaphore_mem>>) src(%dma_wait3A_40 : memref<400x128xf32, #tpu.memory_space<vmem_shared>>) dst(%dma_wait3A_38 : memref<400x128xf32, #tpu.memory_space<hbm>>)
          tpu.yield
        }) : () -> ()
      }
    } else {
    }
    return
  }
}

module attributes {stable_mosaic.version = 14 : i64} {
  func.func @body(%arg0: i32, %arg1: memref<1000x256xf32, #tpu.memory_space<vmem>>, %arg2: memref<1000x1xf32, #tpu.memory_space<vmem>>, %arg3: memref<1000x1xf32, #tpu.memory_space<vmem>>, %arg4: memref<1000x128xf32, #tpu.memory_space<vmem>>, %arg5: memref<1000x128xf32, #tpu.memory_space<vmem>>) attributes {dimension_semantics = [#tpu.dimension_semantics<arbitrary>], iteration_bounds = array<i64: 10>, scalar_prefetch = 0 : i64, scratch_operands = 0 : i64, tpu.core_type = #tpu.core_type<tc>, window_params = [{transform_indices = @transform_0, window_bounds = array<i64: 1000, 256>}, {transform_indices = @transform_1, window_bounds = array<i64: 1000, 1>}, {transform_indices = @transform_2, window_bounds = array<i64: 1000, 1>}, {transform_indices = @transform_3, window_bounds = array<i64: 1000, 128>}, {transform_indices = @transform_4, window_bounds = array<i64: 1000, 128>}]} {
    %get3A = arith.constant 0 : index
    %get3A_0 = arith.constant 0 : index
    %get3A_1 = vector.load %arg2[%get3A, %get3A_0] : memref<1000x1xf32, #tpu.memory_space<vmem>>, vector<1000x1xf32>
    %get3A_2 = arith.constant 0 : index
    %get3A_3 = arith.constant 0 : index
    %get3A_4 = vector.load %arg3[%get3A_2, %get3A_3] : memref<1000x1xf32, #tpu.memory_space<vmem>>, vector<1000x1xf32>
    %add3A = arith.addf %get3A_1, %get3A_4 : vector<1000x1xf32>
    %add3A_5 = arith.constant 1.000000e+00 : f32
    %add3A_6 = vector.broadcast %add3A_5 : f32 to vector<1000x1xf32>
    %add3A_7 = arith.addf %add3A, %add3A_6 : vector<1000x1xf32>
    %rsqrt3A = math.rsqrt %add3A_7 : vector<1000x1xf32>
    %get3A_8 = arith.constant 0 : index
    %get3A_9 = arith.constant 0 : index
    %get3A_10 = vector.load %arg1[%get3A_8, %get3A_9] : memref<1000x256xf32, #tpu.memory_space<vmem>>, vector<1000x256xf32>
    %mul3A = vector.broadcast %rsqrt3A : vector<1000x1xf32> to vector<1000x256xf32>
    %mul3A_11 = arith.mulf %get3A_10, %mul3A : vector<1000x256xf32>
    %slice3A = vector.extract_strided_slice %mul3A_11 {offsets = [0, 0], sizes = [1000, 128], strides = [1, 1]} : vector<1000x256xf32> to vector<1000x128xf32>
    %swap3A = arith.constant 0 : index
    %swap3A_12 = arith.constant 0 : index
    %swap3A_13 = vector.load %arg4[%swap3A, %swap3A_12] : memref<1000x128xf32, #tpu.memory_space<vmem>>, vector<1000x128xf32>
    tpu.vector_store %arg4[%swap3A, %swap3A_12], %slice3A {strides = array<i32>} : memref<1000x128xf32, #tpu.memory_space<vmem>>, vector<1000x128xf32>,
    %slice3A_14 = vector.extract_strided_slice %mul3A_11 {offsets = [0, 128], sizes = [1000, 128], strides = [1, 1]} : vector<1000x256xf32> to vector<1000x128xf32>
    %swap3A_15 = arith.constant 0 : index
    %swap3A_16 = arith.constant 0 : index
    %swap3A_17 = vector.load %arg5[%swap3A_15, %swap3A_16] : memref<1000x128xf32, #tpu.memory_space<vmem>>, vector<1000x128xf32>
    tpu.vector_store %arg5[%swap3A_15, %swap3A_16], %slice3A_14 {strides = array<i32>} : memref<1000x128xf32, #tpu.memory_space<vmem>>, vector<1000x128xf32>,
    return
  }
  func.func @transform_0(%arg0: i32) -> (i32, i32) {
    %c0_i32 = arith.constant 0 : i32
    %c0_i32_0 = arith.constant 0 : i32
    return %arg0, %c0_i32 : i32, i32
  }
  func.func @transform_1(%arg0: i32) -> (i32, i32) {
    %c0_i32 = arith.constant 0 : i32
    %c0_i32_0 = arith.constant 0 : i32
    return %arg0, %c0_i32 : i32, i32
  }
  func.func @transform_2(%arg0: i32) -> (i32, i32) {
    %c0_i32 = arith.constant 0 : i32
    %c0_i32_0 = arith.constant 0 : i32
    return %arg0, %c0_i32 : i32, i32
  }
  func.func @transform_3(%arg0: i32) -> (i32, i32) {
    %c0_i32 = arith.constant 0 : i32
    %c0_i32_0 = arith.constant 0 : i32
    return %arg0, %c0_i32 : i32, i32
  }
  func.func @transform_4(%arg0: i32) -> (i32, i32) {
    %c0_i32 = arith.constant 0 : i32
    %c0_i32_0 = arith.constant 0 : i32
    return %arg0, %c0_i32 : i32, i32
  }
}

module attributes {stable_mosaic.version = 14 : i64} {
  func.func @body(%arg0: i32, %arg1: memref<1000x256xf32, #tpu.memory_space<vmem>>, %arg2: memref<1000x128xf32, #tpu.memory_space<vmem>>, %arg3: memref<1000x128xf32, #tpu.memory_space<vmem>>, %arg4: memref<1000x1xf32, #tpu.memory_space<vmem>>, %arg5: memref<1000x1xf32, #tpu.memory_space<vmem>>, %arg6: memref<1000x256xf32, #tpu.memory_space<vmem>>) attributes {dimension_semantics = [#tpu.dimension_semantics<arbitrary>], iteration_bounds = array<i64: 10>, scalar_prefetch = 0 : i64, scratch_operands = 0 : i64, tpu.core_type = #tpu.core_type<tc>, window_params = [{transform_indices = @transform_0, window_bounds = array<i64: 1000, 256>}, {transform_indices = @transform_1, window_bounds = array<i64: 1000, 128>}, {transform_indices = @transform_2, window_bounds = array<i64: 1000, 128>}, {transform_indices = @transform_3, window_bounds = array<i64: 1000, 1>}, {transform_indices = @transform_4, window_bounds = array<i64: 1000, 1>}, {transform_indices = @transform_5, window_bounds = array<i64: 1000, 256>}]} {
    %get3A = arith.constant 0 : index
    %get3A_0 = arith.constant 0 : index
    %get3A_1 = vector.load %arg4[%get3A, %get3A_0] : memref<1000x1xf32, #tpu.memory_space<vmem>>, vector<1000x1xf32>
    %get3A_2 = arith.constant 0 : index
    %get3A_3 = arith.constant 0 : index
    %get3A_4 = vector.load %arg5[%get3A_2, %get3A_3] : memref<1000x1xf32, #tpu.memory_space<vmem>>, vector<1000x1xf32>
    %add3A = arith.addf %get3A_1, %get3A_4 : vector<1000x1xf32>
    %add3A_5 = arith.constant 1.000000e+00 : f32
    %add3A_6 = vector.broadcast %add3A_5 : f32 to vector<1000x1xf32>
    %add3A_7 = arith.addf %add3A, %add3A_6 : vector<1000x1xf32>
    %rsqrt3A = math.rsqrt %add3A_7 : vector<1000x1xf32>
    %get3A_8 = arith.constant 0 : index
    %get3A_9 = arith.constant 0 : index
    %get3A_10 = vector.load %arg1[%get3A_8, %get3A_9] : memref<1000x256xf32, #tpu.memory_space<vmem>>, vector<1000x256xf32>
    %mul3A = vector.broadcast %rsqrt3A : vector<1000x1xf32> to vector<1000x256xf32>
    %mul3A_11 = arith.mulf %get3A_10, %mul3A : vector<1000x256xf32>
    %get3A_12 = arith.constant 0 : index
    %get3A_13 = arith.constant 0 : index
    %get3A_14 = vector.load %arg2[%get3A_12, %get3A_13] : memref<1000x128xf32, #tpu.memory_space<vmem>>, vector<1000x128xf32>
    %get3A_15 = arith.constant 0 : index
    %get3A_16 = arith.constant 0 : index
    %get3A_17 = vector.load %arg3[%get3A_15, %get3A_16] : memref<1000x128xf32, #tpu.memory_space<vmem>>, vector<1000x128xf32>
    %concatenate3A = tpu.concatenate %get3A_14, %get3A_17 in 1 : vector<1000x128xf32>, vector<1000x128xf32> -> vector<1000x256xf32>
    %add3A_18 = arith.addf %concatenate3A, %mul3A_11 : vector<1000x256xf32>
    %mul3A_19 = vector.broadcast %rsqrt3A : vector<1000x1xf32> to vector<1000x256xf32>
    %mul3A_20 = arith.mulf %mul3A_19, %add3A_18 : vector<1000x256xf32>
    %mul3A_21 = arith.constant 0.899999976 : f32
    %mul3A_22 = vector.broadcast %mul3A_21 : f32 to vector<1000x256xf32>
    %mul3A_23 = arith.mulf %mul3A_22, %mul3A_20 : vector<1000x256xf32>
    %mul3A_24 = arith.constant 1.000000e-01 : f32
    %mul3A_25 = vector.broadcast %mul3A_24 : f32 to vector<1000x256xf32>
    %mul3A_26 = arith.mulf %mul3A_25, %get3A_10 : vector<1000x256xf32>
    %add3A_27 = arith.addf %mul3A_23, %mul3A_26 : vector<1000x256xf32>
    %max3A = arith.constant 0.000000e+00 : f32
    %max3A_28 = vector.broadcast %max3A : f32 to vector<1000x256xf32>
    %max3A_29 = arith.maximumf %add3A_27, %max3A_28 : vector<1000x256xf32>
    %add3A_30 = arith.addf %get3A_10, %max3A_29 : vector<1000x256xf32>
    %swap3A = arith.constant 0 : index
    %swap3A_31 = arith.constant 0 : index
    %swap3A_32 = vector.load %arg6[%swap3A, %swap3A_31] : memref<1000x256xf32, #tpu.memory_space<vmem>>, vector<1000x256xf32>
    tpu.vector_store %arg6[%swap3A, %swap3A_31], %add3A_30 {strides = array<i32>} : memref<1000x256xf32, #tpu.memory_space<vmem>>, vector<1000x256xf32>,
    return
  }
  func.func @transform_0(%arg0: i32) -> (i32, i32) {
    %c0_i32 = arith.constant 0 : i32
    %c0_i32_0 = arith.constant 0 : i32
    return %arg0, %c0_i32 : i32, i32
  }
  func.func @transform_1(%arg0: i32) -> (i32, i32) {
    %c0_i32 = arith.constant 0 : i32
    %c0_i32_0 = arith.constant 0 : i32
    return %arg0, %c0_i32 : i32, i32
  }
  func.func @transform_2(%arg0: i32) -> (i32, i32) {
    %c0_i32 = arith.constant 0 : i32
    %c0_i32_0 = arith.constant 0 : i32
    return %arg0, %c0_i32 : i32, i32
  }
  func.func @transform_3(%arg0: i32) -> (i32, i32) {
    %c0_i32 = arith.constant 0 : i32
    %c0_i32_0 = arith.constant 0 : i32
    return %arg0, %c0_i32 : i32, i32
  }
  func.func @transform_4(%arg0: i32) -> (i32, i32) {
    %c0_i32 = arith.constant 0 : i32
    %c0_i32_0 = arith.constant 0 : i32
    return %arg0, %c0_i32 : i32, i32
  }
  func.func @transform_5(%arg0: i32) -> (i32, i32) {
    %c0_i32 = arith.constant 0 : i32
    %c0_i32_0 = arith.constant 0 : i32
    return %arg0, %c0_i32 : i32, i32
  }
}

</mosaic_0001>

<sc_bundles>
// kernel: kernel.6.cloned.1.call-start
scs
__scs_entry_jumppad:
0x0: {  	(pc) =	sbr.rel $0x88, $3  }
0x1: {  	(tag) =	ssettag $0x0;
	lr =	simm.s32 $0x1  }
0x2: {  	[smem:$0x3F9F] =	sst lr;
	_ =	strace $0xD0000000  }
0x3: {  	_ = 	snop  }
0x4: {  	_ = 	snop  }
0x5: {  	_ = 	snop  }
0x6: {  	_ = 	snop  }
0x7: {  	_ = 	snop  }
__scs_overlays_trampoline_lowered:
0x8: {  	[smem:$0x3FAE] =	sst s0  }
0x9: {  	[smem:$0x3FAF] =	sst s1  }
0xa: {  	[smem:$0x3FB0] =	sst s2  }
0xb: {  	[smem:$0x3FB1] =	sst s3  }
0xc: {  	[smem:$0x3FB2] =	sst s4  }
0xd: {  	[smem:$0x3FB3] =	sst s5  }
0xe: {  	[smem:$0x3FB4] =	sst s6  }
0xf: {  	[smem:$0x3FB5] =	sst s7  }
0x10: {  	[smem:$0x3FB6] =	sst s8  }
0x11: {  	[smem:$0x3FB7] =	sst s9;
	s0 =	simm.s32 @!p0 $0x0  }
0x12: {  	s1 =	sld [smem:$0x3F9D];
	s0 =	simm.s32 @p0 $0x1  }
0x13: {  	[smem:$0x3FB8] =	sst s0;
	s0 =	simm.s32 @!p1 $0x0  }
0x14: {  	s2 =	sld [smem:$0x3F9C];
	s0 =	simm.s32 @p1 $0x1  }
0x15: {  	[smem:$0x3FB9] =	sst s0;
	s0 =	simm.s32 @!p2 $0x0  }
0x16: {  	s3 =	sld [smem:$0x3FDB];
	s0 =	simm.s32 @p2 $0x1  }
0x17: {  	s4 =	simm.s32 $0x1BF5;
	[smem:$0x3FBB] =	sst s0  }
0x18: {  	s0 =	sld [smem:$0x3F9E];
	_ =	swait.ge [sflag:s4], $0x0  }
0x19: {  	s7 =	sld [smem:$0x3F9F]  }
0x1a: {  	s8 =	sadd.s32 $0xFFFFE003, lr  }
0x1b: {  	s9 =	sadd.s32 $0xFFFFFEF7, lr;
	s5 =	simm.s32 $0xFFFFFFFF;
	p2 =	slt.u32 s8, $0xFFFFF086  }
0x1c: {  	p1 =	slt.u32 s9, $0xF7A;
	s5 =	simm.s32 @!p2 $0x0  }
0x1d: {  	s5 =	simm.s32 @p1 $0x1;
	p0 =	seq.s32 s7, s2  }
0x1e: {  	s7 =	smul.u32 @!p0 $0xF7A, s2;
	p2 =	seq.s32 @!p0 s5, $0x0  }
0x1f: {  	s9 =	smul.u32 $0xF7A, s1;
	s8 =	simm.s32 @!p0 $0x1BF5;
	p2 =	por !p2, p0  }
0x20: {  	[sflag:s8] =	ssyncset.s32 @!p0 $0xFFFFF086;
	s6 =	sadd.s32 @!p0 s3, s7;
	s7 =	simm.s32 @!p0 $0x108  }
0x21: {  	s3 =	sadd.s32 s3, s9;
	s6 =	sadd.s32 @!p0 $0x88, s6;
	s7 =	simm.s32 @p2 $0x1082  }
0x22: {  	[simem:s7], [sflag:s8] =	dma.local @!p0 [hbm:s6], $0xF7A  }
0x23: {  	s9 =	sor.u32 $0xD0000000, s2;
	s6 =	simm.s32 $0x108;
	_ =	swait.ge @!p0 [sflag:s8], $0x0  }
0x24: {  	s3 =	sadd.s32 $0x88, s3;
	s6 =	simm.s32 @!p1 $0x1082;
	[sflag:s4] =	ssyncset.s32 $0xFFFFF086  }
0x25: {  	[simem:s6], [sflag:s4] =	dma.local [hbm:s3], $0xF7A  }
0x26: {  	[smem:$0x3F9F] =	sst s1;
	(tag) =	ssettag s2;
	_ =	strace s9  }
0x27: {  	s1 =	sld [smem:$0x3FAF]  }
0x28: {  	s2 =	sld [smem:$0x3FB0]  }
0x29: {  	s4 =	sld [smem:$0x3FB2]  }
0x2a: {  	p0 =	seq.s32 s5, $0x0;
	s5 =	sld [smem:$0x3FB3]  }
0x2b: {  	s6 =	sld [smem:$0x3FB4]  }
0x2c: {  	s7 =	sld [smem:$0x3FB5]  }
0x2d: {  	s3 =	simm.s32 $0x108;
	s8 =	sld [smem:$0x3FB6]  }
0x2e: {  	s3 =	simm.s32 @!p0 $0x1082;
	s9 =	sld [smem:$0x3FB7]  }
0x2f: {  	lr =	sadd.s32 s0, s3;
	s0 =	sld [smem:$0x3FAE]  }
0x30: {  	s3 =	sld [smem:$0x3FB1]  }
0x31: {  	[smem:$0x3FBA] =	sst s10  }
0x32: {  	s10 =	sld [smem:$0x3FB8];
	_ =	sdelay $0x3  }
0x33: {  	p0 =	seq.s32 s10, $0x1;
	s10 =	sld [smem:$0x3FBA];
	_ =	sdelay $0x3  }
0x34: {  	[smem:$0x3FBA] =	sst s10  }
0x35: {  	s10 =	sld [smem:$0x3FB9];
	_ =	sdelay $0x3  }
0x36: {  	p1 =	seq.s32 s10, $0x1;
	s10 =	sld [smem:$0x3FBA];
	_ =	sdelay $0x3  }
0x37: {  	[smem:$0x3FBA] =	sst s10  }
0x38: {  	s10 =	sld [smem:$0x3FBB]  }
0x39: {  	_ = 	snop;
	(pc) =	sbr.ind lr, $3  }
0x3a: {  	_ = 	snop  }
0x3b: {  	_ = 	snop  }
0x3c: {  	p2 =	seq.s32 s10, $0x1;
	s10 =	sld [smem:$0x3FBA]  }
0x3d: {  	_ =	shalt  }
0x3e: {  	_ =	shalt  }
0x3f: {  	_ =	shalt  }
0x40: {  	_ =	shalt  }
0x41: {  	_ =	shalt  }
0x42: {  	_ =	shalt  }
0x43: {  	_ =	shalt  }
0x44: {  	_ =	shalt  }
0x45: {  	_ =	shalt  }
0x46: {  	_ =	shalt  }
0x47: {  	_ =	shalt  }
0x48: {  	_ =	shalt  }
0x49: {  	_ =	shalt  }
0x4a: {  	_ =	shalt  }
0x4b: {  	_ =	shalt  }
0x4c: {  	_ =	shalt  }
0x4d: {  	_ =	shalt  }
0x4e: {  	_ =	shalt  }
0x4f: {  	_ =	shalt  }
0x50: {  	_ =	shalt  }
0x51: {  	_ =	shalt  }
0x52: {  	_ =	shalt  }
0x53: {  	_ =	shalt  }
0x54: {  	_ =	shalt  }
0x55: {  	_ =	shalt  }
0x56: {  	_ =	shalt  }
0x57: {  	_ =	shalt  }
0x58: {  	_ =	shalt  }
0x59: {  	_ =	shalt  }
0x5a: {  	_ =	shalt  }
0x5b: {  	_ =	shalt  }
0x5c: {  	_ =	shalt  }
0x5d: {  	_ =	shalt  }
0x5e: {  	_ =	shalt  }
0x5f: {  	_ =	shalt  }
0x60: {  	_ =	shalt  }
0x61: {  	_ =	shalt  }
0x62: {  	_ =	shalt  }
0x63: {  	_ =	shalt  }
0x64: {  	_ =	shalt  }
0x65: {  	_ =	shalt  }
0x66: {  	_ =	shalt  }
0x67: {  	_ =	shalt  }
0x68: {  	_ =	shalt  }
0x69: {  	_ =	shalt  }
0x6a: {  	_ =	shalt  }
0x6b: {  	_ =	shalt  }
0x6c: {  	_ =	shalt  }
0x6d: {  	_ =	shalt  }
0x6e: {  	_ =	shalt  }
0x6f: {  	_ =	shalt  }
0x70: {  	_ =	shalt  }
0x71: {  	_ =	shalt  }
0x72: {  	_ =	shalt  }
0x73: {  	_ =	shalt  }
0x74: {  	_ =	shalt  }
0x75: {  	_ =	shalt  }
0x76: {  	_ =	shalt  }
0x77: {  	_ =	shalt  }
0x78: {  	_ =	shalt  }
0x79: {  	_ =	shalt  }
0x7a: {  	_ =	shalt  }
0x7b: {  	_ =	shalt  }
0x7c: {  	_ =	shalt  }
0x7d: {  	_ =	shalt  }
0x7e: {  	_ =	shalt  }
0x7f: {  	_ =	shalt  }
0x80: {  	_ =	shalt  }
0x81: {  	_ =	shalt  }
0x82: {  	_ =	shalt  }
0x83: {  	_ =	shalt  }
0x84: {  	_ =	shalt  }
0x85: {  	_ =	shalt  }
0x86: {  	_ =	shalt  }
0x87: {  	_ =	shalt  }
.Lfunc_end0:
.L_simem_size_0:
called_computation_lowered:
.L_overlay_start_0:
0x88: {  	s2 =	sld [smem:$0x3FD9]  }
0x89: {  	s3 =	sld [smem:$0x3FFE];
	_ =	sdelay $0x1  }
0x8a: {  	s1 =	srdreg.scid  }
0x8b: {  	s0 =	sand.u32 $0x1, s1  }
0x8c: {  	s17 =	sshll.u32 s0, $0xA;
	s2 =	sadd.s32 s3, s2  }
0x8d: {  	s2 =	sadd.s32 s2, s17  }
0x8e: {  	[smem:$0x3FC6] =	sst s2  }
0x8f: {  	_ = 	snop  }
0x90: {  	s2 =	sld [smem:$0x3FD0];
	(tm) =	ssettm $0x1  }
0x91: {  	s18 =	sld [smem:$0x3FFB];
	_ =	sdelay $0x3  }
0x92: {  	_ =	strace s18  }
0x93: {  	s3 =	sld [smem:$0x3FFC];
	_ =	sdelay $0x3  }
0x94: {  	_ =	strace s3  }
0x95: {  	s3 =	sld [smem:$0x3FFD];
	_ =	sdelay $0x3  }
0x96: {  	_ =	strace s3  }
0x97: {  	_ =	strace $0x8FFFFFFF  }
0x98: {  	s19 =	sld [smem:$0x3FDB];
	_ =	sdelay $0x1  }
0x99: {  	s4 =	simm.s32 $_scs_section_size  }
0x9a: {  	s5 =	simm.s32 $_size__tile_overlayer_lowered;
	s6 =	simm.s32 $_tile_overlayer_lowered  }
0x9b: {  	s22 =	simm.s32 $0x1BFF;
	s21 =	sshll.u32 s6, $0x1;
	s3 =	sadd.s32 s4, s19  }
0x9c: {  	s7 =	simm.s32 $0x0;
	s20 =	sshll.u32 s5, $0x1;
	s5 =	sadd.s32 s21, s3  }
0x9d: {  	[timem:s7], [sflag:s22] =	dma.local [hbm:s5], s20  }
0x9e: {  	_ =	swait.ge [sflag:s22], s20  }
0x9f: {  	s4 =	ssub.s32 $0x0, s20;
	[sflag:s22] =	ssyncset.done $0x0  }
0xa0: {  	[sflag:s22] =	ssyncadd.s32 s4;
	_ =	sdelay $0x1  }
0xa1: {  	s23 =	simm.s32 $0x1B8B  }
0xa2: {  	_ =	swait.ge [sflag:s23], $0x1  }
0xa3: {  	[sflag:s23] =	ssyncset.done $0x0  }
0xa4: {  	s25 =	simm.s32 $0x1B8E;
	s24 =	sld [smem:$0x3FFE];
	[sflag:s23] =	ssyncadd.s32 $0xFFFFFFFF  }
0xa5: {  	s26 =	simm.s32 $execute0_lowered;
	[smem:$0x3FD2] =	sst s25  }
0xa6: {  	s5 =	sshll.u32 s26, $0x1;
	_ =	strace $0x80000046;
	[dreg:$0x1] =	wrdreg $0xFFFFFFFF  }
0xa7: {  	s28 =	simm.s32 $_size_execute0_lowered;
	s3 =	sadd.s32 s3, s5;
	[dreg:$0x0] =	wrdreg $0x0  }
0xa8: {  	s5 =	sshll.u32 s28, $0x1;
	[dreg:$0x2] =	wrdreg s3  }
0xa9: {  	[dreg:$0x3] =	wrdreg s5  }
0xaa: {  	[dreg:$0x4] =	wrdreg $0xC0  }
0xab: {  	_ =	task [dreg:s7], $0x5FFFF  }
0xac: {  	[dreg:$0x1] =	wrdreg $0xFFFFFFFF  }
0xad: {  	[dreg:$0x0] =	wrdreg $0x60  }
0xae: {  	[dreg:$0x2] =	wrdreg s24  }
0xaf: {  	[dreg:$0x3] =	wrdreg s2  }
0xb0: {  	[dreg:$0x4] =	wrdreg $0x0  }
0xb1: {  	[dreg:$0x5] =	wrdreg $0x9  }
0xb2: {  	_ =	task.clear_ibuf [dreg:s7], $0x6FFFF;
	_ =	strace $0x90000046  }
0xb3: {  	s29 =	simm.s32 $0x9;
	_ =	strace $0x80000048  }
0xb4: {  	_ =	swait.ge [sflag:s29], $0x1  }
0xb5: {  	[sflag:s29] =	ssyncadd.s32 $0xFFFFFFFF  }
0xb6: {  	_ =	strace $0x90000048  }
0xb7: {  	_ =	sfence  }
0xb8: {  	s30 =	sld [smem:$0x0];
	_ =	sdelay $0x2  }
0xb9: {  	s31 =	sshll.u32 s1, $0xD;
	s1 =	sshrl.u32 s1, $0x2  }
0xba: {  	s3 =	sand.u32 $0x4000, s31;
	s1 =	sadd.s32 s1, s30  }
0xbb: {  	s0 =	sor.u32 s3, s0;
	s1 =	sshll.u32 s1, $0x11  }
0xbc: {  	s0 =	sor.u32 s1, s0  }
0xbd: {  	s0 =	sadd.s32 $0x8F2B, s0  }
0xbe: {  	[sflag:s0] =	ssyncadd.remote.s32 $0x1  }
0xbf: {  	_ =	sfence.sel $0xFFFF  }
0xc0: {  	[dreg:$0x0] =	wrdreg $0xFFFFFFFF;
	(pc) =	sbr.abs _section_cstart, $3  }
0xc1: {  	[dreg:$0x1] =	wrdreg $0xFFFFFFFF  }
0xc2: {  	_ =	task.clear_ibuf [dreg:s7], $0x2FFFF;
	_ =	strace $0x9FFFFFFF  }
0xc3: {  	(tm) =	ssettm $0x7FFFFFFF  }
tec
execute0_lowered:
.L_overlay_start_1:
0x0: {  	(tag) =	ssettag $0x1  }
0x1: {  	s0 =	srdreg.scid;
	s1 =	rddreg [dreg:$0x0]  }
0x2: {  	s20 =	stileid.u32;
	s21 =	rddreg [dreg:$0x1]  }
0x3: {  	s5 =	rddreg [dreg:$0x2];
	s3 =	smul.u32 $0x9C40, s20  }
0x4: {  	s4 =	simm.s32 $0x0;
	s25 =	simm.s32 $0x1;
	s19 =	smul.u32 $0x270, s20  }
0x5: {  	s31 =	simm.s32 $0x8310;
	s0 =	sand.u32 $0x1, s0;
	s23 =	smul.u32 $0x50, s20  }
0x6: {  	s2 =	sshll.u32 s20, $0x1;
	[smem:$0x7FF] =	sst s4;
	s30 =	smul.u32 $0x2710, s0  }
0x7: {  	s2 =	sor.u32 s0, s2;
	s28 =	ssub.s32 $0x2, s0;
	s0 =	smul.u32 $0x28, s0  }
0x8: {  	s24 =	simm.s32 $0x0;
	_ =	strace $0x80000047;
	s2 =	smul.u32 $0x280, s2  }
0x9: {  	s29 =	sshrl.u32 s28, $0x1;
	s6 =	sshrl.u32 s3, $0x2;
	s3 =	sadd.s32 s19, s5  }
0xa: {  	s5 =	sadd.s32 s6, s5;
	s6 =	sadd.s32 $0x2710, s3;
	s7 =	sadd.s32 $0x4E20, s3  }
0xb: {  	s8 =	sadd.s32 $0x7530, s3;
	s9 =	sadd.s32 $0x9C40, s3;
	s10 =	sadd.s32 $0xC350, s3  }
0xc: {  	s11 =	sadd.s32 $0xEA60, s3;
	s12 =	sadd.s32 $0x11170, s3;
	s13 =	sadd.s32 $0x13880, s3  }
0xd: {  	s14 =	sadd.s32 $0x15F90, s3;
	s15 =	sadd.s32 $0x186A0, s3;
	s16 =	sadd.s32 $0x1ADB0, s3  }
0xe: {  	s17 =	sadd.s32 $0x1D4C0, s3;
	s18 =	sadd.s32 $0x1FBD0, s3;
	s20 =	sadd.s32 $0x249F0, s3  }
0xf: {  	s23 =	sadd.s32 s0, s23;
	s0 =	simm.s32 $0x8810;
	s1 =	sadd.s32 s2, s1  }
0x10: {  	s2 =	ssub.s32 s28, s29;
	s4 =	sadd.s32 $0x1A00, s1;
	s1 =	sadd.s32 s19, s30  }
0x11: {  	s19 =	sadd.s32 $0x222E0, s3;
	s22 =	smax.u32 s2, $0x1;
	s1 =	sshrl.u32 s1, $0x3  }
0x12: {  	v0 =	vimm.f32 $0.0e+00;
	s2 =	simm.s32 $0x8A90;
	s21 =	sadd.s32 s21, s1;
	s1 =	simm.s32 $0x8590  }
.LBB2_1:
0x13: {  	s26 =	simm.s32 $0x40;
	s28 =	simm.s32 $0x0  }
.LBB2_2:
0x14: {  	p0 =	sne.s32 s26, $0x9C00;
	[tilespmem:s28+$0x2710] =	vst v0;
	s28 =	smov.u32 s26;
	s26 =	sadd.s32 $0x40, s26  }
.Ltmp0:
0x15: {  	(pc) =	sbr.rel @p0 .LBB2_2-.Ltmp0, $2  }
0x16: {  	_ =	sdelay $0x2  }
0x17: {  	s28 =	sshra.s32 s28, $0x2  }
0x18: {  	[tilespmem:s28+$0x2710] =	vst v0;
	s26 =	simm.s32 $0x0;
	s28 =	simm.s32 $0x4E90  }
0x19: {  	[tilespmem:s28], [sflag:$0x1] =	stream.linear.gather [hbm4b:s4+s26], $0x1400, $0x38;
	[tilespmem:$0x8D10] =	vst v63  }
0x1a: {  	_ =	swait.ge [sflag:s25], $0x1400  }
0x1b: {  	[sflag:s25] =	ssyncset.done $0x0  }
0x1c: {  	s28 =	simm.s32 $0x4ED0;
	[sflag:s25] =	ssyncadd.s32 $0xFFFFEC00  }
.LBB2_4:
0x1d: {  	s29 =	sadd.s32 s26, s23  }
0x1e: {  	p0 =	sgt.u32 s29, $0x4E1  }
0x1f: {  	v1 =	vld @!p0 [tilespmem:s28+$0xFFFFFFC0];
	_ =	sdelay $0x6  }
0x20: {  	v2 =	vimm.f32 @!p0 $1.000000000e+00;
	s29 =	simm.s32 @!p0 $0x2710  }
0x21: {  	[tilespmem:v1+s29+$0x0] =	vst.idx.add.f32.msk @!p0 $0xffff, v2  }
0x22: {  	v1 =	vld @!p0 [tilespmem:s28+$0xFFFFFFD0];
	_ =	sdelay $0x7  }
0x23: {  	[tilespmem:v1+s29+$0x0] =	vst.idx.add.f32.msk @!p0 $0xffff, v2  }
0x24: {  	v1 =	vld @!p0 [tilespmem:s28+$0xFFFFFFE0];
	_ =	sdelay $0x7  }
0x25: {  	[tilespmem:v1+s29+$0x0] =	vst.idx.add.f32.msk @!p0 $0xffff, v2  }
0x26: {  	v1 =	vld @!p0 [tilespmem:s28+$0xFFFFFFF0];
	_ =	sdelay $0x7  }
0x27: {  	[tilespmem:v1+s29+$0x0] =	vst.idx.add.f32.msk @!p0 $0xffff, v2  }
0x28: {  	v1 =	vld @!p0 [tilespmem:s28+$0x0];
	_ =	sdelay $0x7  }
0x29: {  	[tilespmem:v1+s29+$0x0] =	vst.idx.add.f32.msk @!p0 $0xffff, v2  }
0x2a: {  	v1 =	vld @!p0 [tilespmem:s28+$0x10];
	_ =	sdelay $0x7  }
0x2b: {  	[tilespmem:v1+s29+$0x0] =	vst.idx.add.f32.msk @!p0 $0xffff, v2  }
0x2c: {  	v1 =	vld @!p0 [tilespmem:s28+$0x20];
	_ =	sdelay $0x7  }
0x2d: {  	[tilespmem:v1+s29+$0x0] =	vst.idx.add.f32.msk @!p0 $0xffff, v2  }
0x2e: {  	v1 =	vld @!p0 [tilespmem:s28+$0x30];
	_ =	sdelay $0x1  }
0x2f: {  	s26 =	sadd.s32 $0x1, s26  }
0x30: {  	p1 =	sne.s32 s26, $0x28  }
.Ltmp1:
0x31: {  	_ = 	snop;
	(pc) =	sbr.rel @p1 .LBB2_4-.Ltmp1, $2  }
0x32: {  	_ =	sdelay $0x2  }
0x33: {  	s28 =	sadd.s32 $0x80, s28;
	[tilespmem:v1+s29+$0x0] =	vst.idx.add.f32.msk @!p0 $0xffff, v2  }
0x34: {  	s26 =	simm.s32 $0x2710  }
0x35: {  	[spmem:s5] =	stream.linear.scatter [tilespmem:s26], [sflag:$0x1], $0x2710, $0x38;
	[tilespmem:$0x8D10] =	vst v63  }
0x36: {  	_ =	swait.ge [sflag:s25], $0x2710  }
0x37: {  	[sflag:s25] =	ssyncset.done $0x0  }
0x38: {  	[sflag:s25] =	ssyncadd.s32 $0xFFFFD8F0  }
0x39: {  	s26 =	simm.s32 $0x6290;
	[bflag:$0x0] =	sbarrier.arrive $0xFFFF  }
0x3a: {  	[tilespmem:s26], [sflag:$0x1] =	stream.linear.gather [spmem:s3], $0x280, $0x38;
	[tilespmem:$0x8D10] =	vst v63  }
0x3b: {  	_ =	swait.ge [sflag:s25], $0x280  }
0x3c: {  	[sflag:s25] =	ssyncset.done $0x0  }
0x3d: {  	s28 =	simm.s32 $0x6510;
	[sflag:s25] =	ssyncadd.s32 $0xFFFFFD80  }
0x3e: {  	[tilespmem:s28], [sflag:$0x1] =	stream.linear.gather [spmem:s6], $0x280, $0x38;
	[tilespmem:$0x8D10] =	vst v63  }
0x3f: {  	_ =	swait.ge [sflag:s25], $0x280  }
0x40: {  	[sflag:s25] =	ssyncset.done $0x0  }
0x41: {  	s28 =	simm.s32 $0x6790;
	[sflag:s25] =	ssyncadd.s32 $0xFFFFFD80  }
0x42: {  	[tilespmem:s28], [sflag:$0x1] =	stream.linear.gather [spmem:s7], $0x280, $0x38;
	[tilespmem:$0x8D10] =	vst v63  }
0x43: {  	_ =	swait.ge [sflag:s25], $0x280  }
0x44: {  	[sflag:s25] =	ssyncset.done $0x0  }
0x45: {  	s28 =	simm.s32 $0x6A10;
	[sflag:s25] =	ssyncadd.s32 $0xFFFFFD80  }
0x46: {  	[tilespmem:s28], [sflag:$0x1] =	stream.linear.gather [spmem:s8], $0x280, $0x38;
	[tilespmem:$0x8D10] =	vst v63  }
0x47: {  	_ =	swait.ge [sflag:s25], $0x280  }
0x48: {  	[sflag:s25] =	ssyncset.done $0x0  }
0x49: {  	s28 =	simm.s32 $0x6C90;
	[sflag:s25] =	ssyncadd.s32 $0xFFFFFD80  }
0x4a: {  	[tilespmem:s28], [sflag:$0x1] =	stream.linear.gather [spmem:s9], $0x280, $0x38;
	[tilespmem:$0x8D10] =	vst v63  }
0x4b: {  	_ =	swait.ge [sflag:s25], $0x280  }
0x4c: {  	[sflag:s25] =	ssyncset.done $0x0  }
0x4d: {  	s28 =	simm.s32 $0x6F10;
	[sflag:s25] =	ssyncadd.s32 $0xFFFFFD80  }
0x4e: {  	[tilespmem:s28], [sflag:$0x1] =	stream.linear.gather [spmem:s10], $0x280, $0x38;
	[tilespmem:$0x8D10] =	vst v63  }
0x4f: {  	_ =	swait.ge [sflag:s25], $0x280  }
0x50: {  	[sflag:s25] =	ssyncset.done $0x0  }
0x51: {  	s28 =	simm.s32 $0x7190;
	[sflag:s25] =	ssyncadd.s32 $0xFFFFFD80  }
0x52: {  	[tilespmem:s28], [sflag:$0x1] =	stream.linear.gather [spmem:s11], $0x280, $0x38;
	[tilespmem:$0x8D10] =	vst v63  }
0x53: {  	_ =	swait.ge [sflag:s25], $0x280  }
0x54: {  	[sflag:s25] =	ssyncset.done $0x0  }
0x55: {  	s28 =	simm.s32 $0x7410;
	[sflag:s25] =	ssyncadd.s32 $0xFFFFFD80  }
0x56: {  	[tilespmem:s28], [sflag:$0x1] =	stream.linear.gather [spmem:s12], $0x280, $0x38;
	[tilespmem:$0x8D10] =	vst v63  }
0x57: {  	_ =	swait.ge [sflag:s25], $0x280  }
0x58: {  	[sflag:s25] =	ssyncset.done $0x0  }
0x59: {  	s28 =	simm.s32 $0x7690;
	[sflag:s25] =	ssyncadd.s32 $0xFFFFFD80  }
0x5a: {  	[tilespmem:s28], [sflag:$0x1] =	stream.linear.gather [spmem:s13], $0x280, $0x38;
	[tilespmem:$0x8D10] =	vst v63  }
0x5b: {  	_ =	swait.ge [sflag:s25], $0x280  }
0x5c: {  	[sflag:s25] =	ssyncset.done $0x0  }
0x5d: {  	s28 =	simm.s32 $0x7910;
	[sflag:s25] =	ssyncadd.s32 $0xFFFFFD80  }
0x5e: {  	[tilespmem:s28], [sflag:$0x1] =	stream.linear.gather [spmem:s14], $0x280, $0x38;
	[tilespmem:$0x8D10] =	vst v63  }
0x5f: {  	_ =	swait.ge [sflag:s25], $0x280  }
0x60: {  	[sflag:s25] =	ssyncset.done $0x0  }
0x61: {  	s28 =	simm.s32 $0x7B90;
	[sflag:s25] =	ssyncadd.s32 $0xFFFFFD80  }
0x62: {  	[tilespmem:s28], [sflag:$0x1] =	stream.linear.gather [spmem:s15], $0x280, $0x38;
	[tilespmem:$0x8D10] =	vst v63  }
0x63: {  	_ =	swait.ge [sflag:s25], $0x280  }
0x64: {  	[sflag:s25] =	ssyncset.done $0x0  }
0x65: {  	s28 =	simm.s32 $0x7E10;
	[sflag:s25] =	ssyncadd.s32 $0xFFFFFD80  }
0x66: {  	[tilespmem:s28], [sflag:$0x1] =	stream.linear.gather [spmem:s16], $0x280, $0x38;
	[tilespmem:$0x8D10] =	vst v63  }
0x67: {  	_ =	swait.ge [sflag:s25], $0x280  }
0x68: {  	[sflag:s25] =	ssyncset.done $0x0  }
0x69: {  	s28 =	simm.s32 $0x8090;
	[sflag:s25] =	ssyncadd.s32 $0xFFFFFD80  }
0x6a: {  	[tilespmem:s28], [sflag:$0x1] =	stream.linear.gather [spmem:s17], $0x280, $0x38;
	[tilespmem:$0x8D10] =	vst v63  }
0x6b: {  	_ =	swait.ge [sflag:s25], $0x280  }
0x6c: {  	[sflag:s25] =	ssyncset.done $0x0  }
0x6d: {  	[sflag:s25] =	ssyncadd.s32 $0xFFFFFD80  }
0x6e: {  	[tilespmem:s31], [sflag:$0x1] =	stream.linear.gather [spmem:s18], $0x280, $0x38;
	[tilespmem:$0x8D10] =	vst v63  }
0x6f: {  	_ =	swait.ge [sflag:s25], $0x280  }
0x70: {  	[sflag:s25] =	ssyncset.done $0x0  }
0x71: {  	[sflag:s25] =	ssyncadd.s32 $0xFFFFFD80  }
0x72: {  	[tilespmem:s1], [sflag:$0x1] =	stream.linear.gather [spmem:s19], $0x280, $0x38;
	[tilespmem:$0x8D10] =	vst v63  }
0x73: {  	_ =	swait.ge [sflag:s25], $0x280  }
0x74: {  	[sflag:s25] =	ssyncset.done $0x0  }
0x75: {  	[sflag:s25] =	ssyncadd.s32 $0xFFFFFD80  }
0x76: {  	[tilespmem:s0], [sflag:$0x1] =	stream.linear.gather [spmem:s20], $0x280, $0x38;
	[tilespmem:$0x8D10] =	vst v63  }
0x77: {  	_ =	swait.ge [sflag:s25], $0x280  }
0x78: {  	s28 =	simm.s32 $0x0;
	[sflag:s25] =	ssyncset.done $0x0  }
0x79: {  	s28 =	sand.u32 $0x3F0, s28;
	[sflag:s25] =	ssyncadd.s32 $0xFFFFFD80  }
0x7a: {  	v1 =	vld [tilespmem:s28+$0x6510]  }
0x7b: {  	v2 =	vld [tilespmem:s26+$0x0];
	_ =	sdelay $0x1  }
0x7c: {  	v3 =	vld [tilespmem:s28+$0x6790];
	_ =	sdelay $0x1  }
0x7d: {  	v4 =	vld [tilespmem:s28+$0x6A10]  }
0x7e: {  	v1 =	vadd.f32 v1, v2  }
0x7f: {  	v2 =	vld [tilespmem:s28+$0x6C90]  }
0x80: {  	v1 =	vadd.f32 v3, v1  }
0x81: {  	v3 =	vld [tilespmem:s28+$0x6F10]  }
0x82: {  	v1 =	vadd.f32 v4, v1  }
0x83: {  	v60 =	vld [tilespmem:s28+$0x7190]  }
0x84: {  	v1 =	vadd.f32 v2, v1  }
0x85: {  	v2 =	vld [tilespmem:s28+$0x7410]  }
0x86: {  	v1 =	vadd.f32 v3, v1  }
0x87: {  	v3 =	vld [tilespmem:s28+$0x7690]  }
0x88: {  	v1 =	vadd.f32 v60, v1  }
0x89: {  	v61 =	vld [tilespmem:s28+$0x7910]  }
0x8a: {  	v1 =	vadd.f32 v2, v1  }
0x8b: {  	v2 =	vld [tilespmem:s28+$0x7B90]  }
0x8c: {  	v1 =	vadd.f32 v3, v1  }
0x8d: {  	v3 =	vld [tilespmem:s28+$0x7E10]  }
0x8e: {  	v1 =	vadd.f32 v61, v1  }
0x8f: {  	v62 =	vld [tilespmem:s28+$0x8090]  }
0x90: {  	v1 =	vadd.f32 v2, v1  }
0x91: {  	v2 =	vld [tilespmem:s28+$0x8310]  }
0x92: {  	v1 =	vadd.f32 v3, v1  }
0x93: {  	v3 =	vld [tilespmem:s28+$0x8590]  }
0x94: {  	v1 =	vadd.f32 v62, v1  }
0x95: {  	v63 =	vld [tilespmem:s28+$0x8810]  }
0x96: {  	v1 =	vadd.f32 v2, v1;
	_ =	sdelay $0x1  }
0x97: {  	v1 =	vadd.f32 v3, v1;
	_ =	sdelay $0x1  }
0x98: {  	v1 =	vadd.f32 v63, v1  }
0x99: {  	s26 =	simm.s32 $0x8A90;
	s28 =	simm.s32 $0x10  }
0x9a: {  	s28 =	sand.u32 $0x3F0, s28;
	[tilespmem:s26+$0x0] =	vst v1  }
0x9b: {  	s30 =	simm.s32 $0x20;
	s29 =	simm.s32 $0x62A0;
	v1 =	vld [tilespmem:s28+$0x6510]  }
.LBB2_6:
0x9c: {  	p0 =	sne.s32 s30, $0x270;
	v2 =	vld [tilespmem:s29+$0x0];
	_ =	sdelay $0x1  }
0x9d: {  	v3 =	vld [tilespmem:s28+$0x6790];
	_ =	sdelay $0x1  }
0x9e: {  	v4 =	vld [tilespmem:s28+$0x6A10]  }
0x9f: {  	v1 =	vadd.f32 v1, v2  }
0xa0: {  	v2 =	vld [tilespmem:s28+$0x6C90]  }
0xa1: {  	v1 =	vadd.f32 v3, v1  }
0xa2: {  	v3 =	vld [tilespmem:s28+$0x6F10]  }
0xa3: {  	v1 =	vadd.f32 v4, v1  }
0xa4: {  	v4 =	vld [tilespmem:s28+$0x7190]  }
0xa5: {  	v1 =	vadd.f32 v2, v1  }
0xa6: {  	v2 =	vld [tilespmem:s28+$0x7410]  }
0xa7: {  	v1 =	vadd.f32 v3, v1  }
0xa8: {  	v3 =	vld [tilespmem:s28+$0x7690]  }
0xa9: {  	v1 =	vadd.f32 v4, v1  }
0xaa: {  	v4 =	vld [tilespmem:s28+$0x7910]  }
0xab: {  	v1 =	vadd.f32 v2, v1  }
0xac: {  	v2 =	vld [tilespmem:s28+$0x7B90]  }
0xad: {  	v1 =	vadd.f32 v3, v1  }
0xae: {  	v3 =	vld [tilespmem:s28+$0x7E10]  }
0xaf: {  	v1 =	vadd.f32 v4, v1  }
0xb0: {  	v4 =	vld [tilespmem:s28+$0x8090]  }
0xb1: {  	v1 =	vadd.f32 v2, v1  }
0xb2: {  	v2 =	vld [tilespmem:s28+$0x8310]  }
0xb3: {  	v1 =	vadd.f32 v3, v1  }
0xb4: {  	v3 =	vld [tilespmem:s28+$0x8590]  }
0xb5: {  	v1 =	vadd.f32 v4, v1  }
0xb6: {  	v4 =	vld [tilespmem:s28+$0x8810]  }
0xb7: {  	v1 =	vadd.f32 v2, v1;
	_ =	sdelay $0x1  }
0xb8: {  	v1 =	vadd.f32 v3, v1  }
.Ltmp2:
0xb9: {  	(pc) =	sbr.rel @p0 .LBB2_6-.Ltmp2, $4  }
0xba: {  	v1 =	vadd.f32 v4, v1  }
0xbb: {  	s26 =	sadd.s32 $0x10, s26  }
0xbc: {  	s28 =	sand.u32 $0x3F0, s30;
	[tilespmem:s26+$0x0] =	vst v1  }
0xbd: {  	s29 =	sadd.s32 $0x10, s29;
	s30 =	sadd.s32 $0x10, s30;
	v1 =	vld [tilespmem:s28+$0x6510]  }
0xbe: {  	v2 =	vld [tilespmem:s29+$0x0];
	_ =	sdelay $0x1  }
0xbf: {  	v3 =	vld [tilespmem:s28+$0x6790];
	_ =	sdelay $0x1  }
0xc0: {  	v4 =	vld [tilespmem:s28+$0x6A10]  }
0xc1: {  	v1 =	vadd.f32 v1, v2  }
0xc2: {  	v2 =	vld [tilespmem:s28+$0x6C90]  }
0xc3: {  	v1 =	vadd.f32 v3, v1  }
0xc4: {  	v3 =	vld [tilespmem:s28+$0x6F10]  }
0xc5: {  	v1 =	vadd.f32 v4, v1  }
0xc6: {  	v60 =	vld [tilespmem:s28+$0x7190]  }
0xc7: {  	v1 =	vadd.f32 v2, v1  }
0xc8: {  	v2 =	vld [tilespmem:s28+$0x7410]  }
0xc9: {  	v1 =	vadd.f32 v3, v1  }
0xca: {  	v3 =	vld [tilespmem:s28+$0x7690]  }
0xcb: {  	v1 =	vadd.f32 v60, v1  }
0xcc: {  	v61 =	vld [tilespmem:s28+$0x7910]  }
0xcd: {  	v1 =	vadd.f32 v2, v1  }
0xce: {  	v2 =	vld [tilespmem:s28+$0x7B90]  }
0xcf: {  	v1 =	vadd.f32 v3, v1  }
0xd0: {  	v3 =	vld [tilespmem:s28+$0x7E10]  }
0xd1: {  	v1 =	vadd.f32 v61, v1  }
0xd2: {  	v62 =	vld [tilespmem:s28+$0x8090]  }
0xd3: {  	v1 =	vadd.f32 v2, v1  }
0xd4: {  	v2 =	vld [tilespmem:s28+$0x8310]  }
0xd5: {  	v1 =	vadd.f32 v3, v1  }
0xd6: {  	v3 =	vld [tilespmem:s28+$0x8590]  }
0xd7: {  	v1 =	vadd.f32 v62, v1  }
0xd8: {  	v63 =	vld [tilespmem:s28+$0x8810]  }
0xd9: {  	v1 =	vadd.f32 v2, v1;
	_ =	sdelay $0x1  }
0xda: {  	v1 =	vadd.f32 v3, v1;
	_ =	sdelay $0x1  }
0xdb: {  	s24 =	sadd.s32 $0x1, s24;
	v1 =	vadd.f32 v63, v1  }
0xdc: {  	s26 =	sadd.s32 $0x10, s26;
	p0 =	sne.s32 s24, s22  }
.Ltmp3:
0xdd: {  	s30 =	simm.s32 $0x0;
	[tilespmem:s26+$0x0] =	vst v1;
	(pc) =	sbr.rel @p0 .LBB2_1-.Ltmp3, $4  }
0xde: {  	[hbm4b:s21+s30] =	stream.linear.scatter [tilespmem:s2], [sflag:$0x1], $0x280, $0x38;
	[tilespmem:$0x8D10] =	vst v63  }
0xdf: {  	_ =	swait.ge [sflag:s25], $0x280  }
0xe0: {  	[sflag:s25] =	ssyncset.done $0x0  }
0xe1: {  	[sflag:s25] =	ssyncadd.s32 $0xFFFFFD80  }
0xe2: {  	_ =	sfence.sel $0x180000  }
0xe3: {  	[bflag:$0x0] =	sbarrier.arrive $0xFFFF  }
0xe4: {  	_ =	strace $0x90000047  }
0xe5: {  	s0 =	stileid.u32;
	[bflag:$0x2] =	sbarrier.arrive $0xFFFF  }
0xe6: {  	p0 =	sne.s32 s0, $0x0;
	s0 =	rddreg [dreg:$0x3]  }
0xe7: {  	s0 =	sadd.s32 @!p0 $0x100000, s0  }
0xe8: {  	[sflag:s0] =	ssyncadd.tile.s32 @!p0 $0x1;
	_ =	shalt  }
.Lfunc_end2:
_tile_overlayer_lowered:
.L_overlay_start_2:
0xe9: {  	(tag) =	ssettag $0x2  }
0xea: {  	s0 =	rddreg [dreg:$0x0];
	s2 =	stileid.u32  }
0xeb: {  	s1 =	rddreg [dreg:$0x1];
	p0 =	sne.s32 s2, $0x0  }
0xec: {  	s3 =	rddreg [dreg:$0x2];
	[bflag:$0x3] =	sbarrier.arrive $0xFFFF;
	s2 =	simm.s32 @!p0 $0x1C01  }
0xed: {  	[timem:s3], [sflag:s2] =	dma.local @!p0 [hbm:s0], s1  }
0xee: {  	s0 =	simm.s32 @!p0 $0x1  }
0xef: {  	_ =	swait.ge @!p0 [sflag:s0], s1  }
0xf0: {  	s1 =	ssub.s32 @!p0 $0x0, s1;
	[sflag:s0] =	ssyncset.done @!p0 $0x0  }
0xf1: {  	[sflag:s0] =	ssyncadd.s32 @!p0 s1  }
0xf2: {  	[bflag:$0x3] =	sbarrier.arrive $0xFFFF  }
0xf3: {  	_ =	shalt  }

// kernel: kernel.9.cloned.1.call-start
scs
__scs_entry_jumppad:
0x0: {  	(pc) =	sbr.rel $0x88, $3  }
0x1: {  	(tag) =	ssettag $0x0;
	lr =	simm.s32 $0x1  }
0x2: {  	[smem:$0x3F9F] =	sst lr;
	_ =	strace $0xD0000000  }
0x3: {  	_ = 	snop  }
0x4: {  	_ = 	snop  }
0x5: {  	_ = 	snop  }
0x6: {  	_ = 	snop  }
0x7: {  	_ = 	snop  }
__scs_overlays_trampoline_lowered:
0x8: {  	[smem:$0x3FAE] =	sst s0  }
0x9: {  	[smem:$0x3FAF] =	sst s1  }
0xa: {  	[smem:$0x3FB0] =	sst s2  }
0xb: {  	[smem:$0x3FB1] =	sst s3  }
0xc: {  	[smem:$0x3FB2] =	sst s4  }
0xd: {  	[smem:$0x3FB3] =	sst s5  }
0xe: {  	[smem:$0x3FB4] =	sst s6  }
0xf: {  	[smem:$0x3FB5] =	sst s7  }
0x10: {  	[smem:$0x3FB6] =	sst s8  }
0x11: {  	[smem:$0x3FB7] =	sst s9;
	s0 =	simm.s32 @!p0 $0x0  }
0x12: {  	s1 =	sld [smem:$0x3F9D];
	s0 =	simm.s32 @p0 $0x1  }
0x13: {  	[smem:$0x3FB8] =	sst s0;
	s0 =	simm.s32 @!p1 $0x0  }
0x14: {  	s2 =	sld [smem:$0x3F9C];
	s0 =	simm.s32 @p1 $0x1  }
0x15: {  	[smem:$0x3FB9] =	sst s0;
	s0 =	simm.s32 @!p2 $0x0  }
0x16: {  	s3 =	sld [smem:$0x3FDB];
	s0 =	simm.s32 @p2 $0x1  }
0x17: {  	s4 =	simm.s32 $0x1BF5;
	[smem:$0x3FBB] =	sst s0  }
0x18: {  	s0 =	sld [smem:$0x3F9E];
	_ =	swait.ge [sflag:s4], $0x0  }
0x19: {  	s7 =	sld [smem:$0x3F9F]  }
0x1a: {  	s8 =	sadd.s32 $0xFFFFE003, lr  }
0x1b: {  	s9 =	sadd.s32 $0xFFFFFEF7, lr;
	s5 =	simm.s32 $0xFFFFFFFF;
	p2 =	slt.u32 s8, $0xFFFFF086  }
0x1c: {  	p1 =	slt.u32 s9, $0xF7A;
	s5 =	simm.s32 @!p2 $0x0  }
0x1d: {  	s5 =	simm.s32 @p1 $0x1;
	p0 =	seq.s32 s7, s2  }
0x1e: {  	s7 =	smul.u32 @!p0 $0xF7A, s2;
	p2 =	seq.s32 @!p0 s5, $0x0  }
0x1f: {  	s9 =	smul.u32 $0xF7A, s1;
	s8 =	simm.s32 @!p0 $0x1BF5;
	p2 =	por !p2, p0  }
0x20: {  	[sflag:s8] =	ssyncset.s32 @!p0 $0xFFFFF086;
	s6 =	sadd.s32 @!p0 s3, s7;
	s7 =	simm.s32 @!p0 $0x108  }
0x21: {  	s3 =	sadd.s32 s3, s9;
	s6 =	sadd.s32 @!p0 $0x88, s6;
	s7 =	simm.s32 @p2 $0x1082  }
0x22: {  	[simem:s7], [sflag:s8] =	dma.local @!p0 [hbm:s6], $0xF7A  }
0x23: {  	s9 =	sor.u32 $0xD0000000, s2;
	s6 =	simm.s32 $0x108;
	_ =	swait.ge @!p0 [sflag:s8], $0x0  }
0x24: {  	s3 =	sadd.s32 $0x88, s3;
	s6 =	simm.s32 @!p1 $0x1082;
	[sflag:s4] =	ssyncset.s32 $0xFFFFF086  }
0x25: {  	[simem:s6], [sflag:s4] =	dma.local [hbm:s3], $0xF7A  }
0x26: {  	[smem:$0x3F9F] =	sst s1;
	(tag) =	ssettag s2;
	_ =	strace s9  }
0x27: {  	s1 =	sld [smem:$0x3FAF]  }
0x28: {  	s2 =	sld [smem:$0x3FB0]  }
0x29: {  	s4 =	sld [smem:$0x3FB2]  }
0x2a: {  	p0 =	seq.s32 s5, $0x0;
	s5 =	sld [smem:$0x3FB3]  }
0x2b: {  	s6 =	sld [smem:$0x3FB4]  }
0x2c: {  	s7 =	sld [smem:$0x3FB5]  }
0x2d: {  	s3 =	simm.s32 $0x108;
	s8 =	sld [smem:$0x3FB6]  }
0x2e: {  	s3 =	simm.s32 @!p0 $0x1082;
	s9 =	sld [smem:$0x3FB7]  }
0x2f: {  	lr =	sadd.s32 s0, s3;
	s0 =	sld [smem:$0x3FAE]  }
0x30: {  	s3 =	sld [smem:$0x3FB1]  }
0x31: {  	[smem:$0x3FBA] =	sst s10  }
0x32: {  	s10 =	sld [smem:$0x3FB8];
	_ =	sdelay $0x3  }
0x33: {  	p0 =	seq.s32 s10, $0x1;
	s10 =	sld [smem:$0x3FBA];
	_ =	sdelay $0x3  }
0x34: {  	[smem:$0x3FBA] =	sst s10  }
0x35: {  	s10 =	sld [smem:$0x3FB9];
	_ =	sdelay $0x3  }
0x36: {  	p1 =	seq.s32 s10, $0x1;
	s10 =	sld [smem:$0x3FBA];
	_ =	sdelay $0x3  }
0x37: {  	[smem:$0x3FBA] =	sst s10  }
0x38: {  	s10 =	sld [smem:$0x3FBB]  }
0x39: {  	_ = 	snop;
	(pc) =	sbr.ind lr, $3  }
0x3a: {  	_ = 	snop  }
0x3b: {  	_ = 	snop  }
0x3c: {  	p2 =	seq.s32 s10, $0x1;
	s10 =	sld [smem:$0x3FBA]  }
0x3d: {  	_ =	shalt  }
0x3e: {  	_ =	shalt  }
0x3f: {  	_ =	shalt  }
0x40: {  	_ =	shalt  }
0x41: {  	_ =	shalt  }
0x42: {  	_ =	shalt  }
0x43: {  	_ =	shalt  }
0x44: {  	_ =	shalt  }
0x45: {  	_ =	shalt  }
0x46: {  	_ =	shalt  }
0x47: {  	_ =	shalt  }
0x48: {  	_ =	shalt  }
0x49: {  	_ =	shalt  }
0x4a: {  	_ =	shalt  }
0x4b: {  	_ =	shalt  }
0x4c: {  	_ =	shalt  }
0x4d: {  	_ =	shalt  }
0x4e: {  	_ =	shalt  }
0x4f: {  	_ =	shalt  }
0x50: {  	_ =	shalt  }
0x51: {  	_ =	shalt  }
0x52: {  	_ =	shalt  }
0x53: {  	_ =	shalt  }
0x54: {  	_ =	shalt  }
0x55: {  	_ =	shalt  }
0x56: {  	_ =	shalt  }
0x57: {  	_ =	shalt  }
0x58: {  	_ =	shalt  }
0x59: {  	_ =	shalt  }
0x5a: {  	_ =	shalt  }
0x5b: {  	_ =	shalt  }
0x5c: {  	_ =	shalt  }
0x5d: {  	_ =	shalt  }
0x5e: {  	_ =	shalt  }
0x5f: {  	_ =	shalt  }
0x60: {  	_ =	shalt  }
0x61: {  	_ =	shalt  }
0x62: {  	_ =	shalt  }
0x63: {  	_ =	shalt  }
0x64: {  	_ =	shalt  }
0x65: {  	_ =	shalt  }
0x66: {  	_ =	shalt  }
0x67: {  	_ =	shalt  }
0x68: {  	_ =	shalt  }
0x69: {  	_ =	shalt  }
0x6a: {  	_ =	shalt  }
0x6b: {  	_ =	shalt  }
0x6c: {  	_ =	shalt  }
0x6d: {  	_ =	shalt  }
0x6e: {  	_ =	shalt  }
0x6f: {  	_ =	shalt  }
0x70: {  	_ =	shalt  }
0x71: {  	_ =	shalt  }
0x72: {  	_ =	shalt  }
0x73: {  	_ =	shalt  }
0x74: {  	_ =	shalt  }
0x75: {  	_ =	shalt  }
0x76: {  	_ =	shalt  }
0x77: {  	_ =	shalt  }
0x78: {  	_ =	shalt  }
0x79: {  	_ =	shalt  }
0x7a: {  	_ =	shalt  }
0x7b: {  	_ =	shalt  }
0x7c: {  	_ =	shalt  }
0x7d: {  	_ =	shalt  }
0x7e: {  	_ =	shalt  }
0x7f: {  	_ =	shalt  }
0x80: {  	_ =	shalt  }
0x81: {  	_ =	shalt  }
0x82: {  	_ =	shalt  }
0x83: {  	_ =	shalt  }
0x84: {  	_ =	shalt  }
0x85: {  	_ =	shalt  }
0x86: {  	_ =	shalt  }
0x87: {  	_ =	shalt  }
.Lfunc_end0:
.L_simem_size_0:
called_computation.1_lowered:
.L_overlay_start_0:
0x88: {  	s2 =	sld [smem:$0x3FD9]  }
0x89: {  	s3 =	sld [smem:$0x3FFE];
	_ =	sdelay $0x1  }
0x8a: {  	s1 =	srdreg.scid  }
0x8b: {  	s0 =	sand.u32 $0x1, s1  }
0x8c: {  	s17 =	sshll.u32 s0, $0xA;
	s2 =	sadd.s32 s3, s2  }
0x8d: {  	s2 =	sadd.s32 s2, s17  }
0x8e: {  	[smem:$0x3FC6] =	sst s2  }
0x8f: {  	_ = 	snop  }
0x90: {  	s2 =	sld [smem:$0x3FD0];
	(tm) =	ssettm $0x1  }
0x91: {  	s18 =	sld [smem:$0x3FFB];
	_ =	sdelay $0x3  }
0x92: {  	_ =	strace s18  }
0x93: {  	s3 =	sld [smem:$0x3FFC];
	_ =	sdelay $0x3  }
0x94: {  	_ =	strace s3  }
0x95: {  	s3 =	sld [smem:$0x3FFD];
	_ =	sdelay $0x3  }
0x96: {  	_ =	strace s3  }
0x97: {  	_ =	strace $0x8FFFFFFF  }
0x98: {  	s19 =	sld [smem:$0x3FDB];
	_ =	sdelay $0x1  }
0x99: {  	s4 =	simm.s32 $_scs_section_size  }
0x9a: {  	s5 =	simm.s32 $_size__tile_overlayer_lowered;
	s6 =	simm.s32 $_tile_overlayer_lowered  }
0x9b: {  	s22 =	simm.s32 $0x1BFF;
	s21 =	sshll.u32 s6, $0x1;
	s3 =	sadd.s32 s4, s19  }
0x9c: {  	s7 =	simm.s32 $0x0;
	s20 =	sshll.u32 s5, $0x1;
	s5 =	sadd.s32 s21, s3  }
0x9d: {  	[timem:s7], [sflag:s22] =	dma.local [hbm:s5], s20  }
0x9e: {  	_ =	swait.ge [sflag:s22], s20  }
0x9f: {  	s4 =	ssub.s32 $0x0, s20;
	[sflag:s22] =	ssyncset.done $0x0  }
0xa0: {  	[sflag:s22] =	ssyncadd.s32 s4;
	_ =	sdelay $0x1  }
0xa1: {  	s23 =	simm.s32 $0x1B8B  }
0xa2: {  	_ =	swait.ge [sflag:s23], $0x1  }
0xa3: {  	[sflag:s23] =	ssyncset.done $0x0  }
0xa4: {  	s25 =	simm.s32 $0x1B8E;
	s24 =	sld [smem:$0x3FFE];
	[sflag:s23] =	ssyncadd.s32 $0xFFFFFFFF  }
0xa5: {  	s26 =	simm.s32 $execute0_lowered;
	[smem:$0x3FD2] =	sst s25  }
0xa6: {  	s5 =	sshll.u32 s26, $0x1;
	_ =	strace $0x80000049;
	[dreg:$0x1] =	wrdreg $0xFFFFFFFF  }
0xa7: {  	s28 =	simm.s32 $_size_execute0_lowered;
	s3 =	sadd.s32 s3, s5;
	[dreg:$0x0] =	wrdreg $0x0  }
0xa8: {  	s5 =	sshll.u32 s28, $0x1;
	[dreg:$0x2] =	wrdreg s3  }
0xa9: {  	[dreg:$0x3] =	wrdreg s5  }
0xaa: {  	[dreg:$0x4] =	wrdreg $0xC0  }
0xab: {  	_ =	task [dreg:s7], $0x5FFFF  }
0xac: {  	[dreg:$0x1] =	wrdreg $0xFFFFFFFF  }
0xad: {  	[dreg:$0x0] =	wrdreg $0x60  }
0xae: {  	[dreg:$0x2] =	wrdreg s24  }
0xaf: {  	[dreg:$0x3] =	wrdreg s2  }
0xb0: {  	[dreg:$0x4] =	wrdreg $0x0  }
0xb1: {  	[dreg:$0x5] =	wrdreg $0x9  }
0xb2: {  	_ =	task.clear_ibuf [dreg:s7], $0x6FFFF;
	_ =	strace $0x90000049  }
0xb3: {  	s29 =	simm.s32 $0x9;
	_ =	strace $0x8000004B  }
0xb4: {  	_ =	swait.ge [sflag:s29], $0x1  }
0xb5: {  	[sflag:s29] =	ssyncadd.s32 $0xFFFFFFFF  }
0xb6: {  	_ =	strace $0x9000004B  }
0xb7: {  	_ =	sfence  }
0xb8: {  	s30 =	sld [smem:$0x0];
	_ =	sdelay $0x2  }
0xb9: {  	s31 =	sshll.u32 s1, $0xD;
	s1 =	sshrl.u32 s1, $0x2  }
0xba: {  	s3 =	sand.u32 $0x4000, s31;
	s1 =	sadd.s32 s1, s30  }
0xbb: {  	s0 =	sor.u32 s3, s0;
	s1 =	sshll.u32 s1, $0x11  }
0xbc: {  	s0 =	sor.u32 s1, s0  }
0xbd: {  	s0 =	sadd.s32 $0x8F2B, s0  }
0xbe: {  	[sflag:s0] =	ssyncadd.remote.s32 $0x1  }
0xbf: {  	_ =	sfence.sel $0xFFFF  }
0xc0: {  	[dreg:$0x0] =	wrdreg $0xFFFFFFFF;
	(pc) =	sbr.abs _section_cstart, $3  }
0xc1: {  	[dreg:$0x1] =	wrdreg $0xFFFFFFFF  }
0xc2: {  	_ =	task.clear_ibuf [dreg:s7], $0x2FFFF;
	_ =	strace $0x9FFFFFFF  }
0xc3: {  	(tm) =	ssettm $0x7FFFFFFF  }
tec
execute0_lowered:
.L_overlay_start_1:
0x0: {  	(tag) =	ssettag $0x1  }
0x1: {  	s0 =	rddreg [dreg:$0x0]  }
0x2: {  	s1 =	rddreg [dreg:$0x1]  }
0x3: {  	s2 =	rddreg [dreg:$0x2]  }
0x4: {  	s3 =	simm.s32 $0x0;
	s19 =	stileid.u32;
	s4 =	srdreg.scid  }
0x5: {  	s17 =	simm.s32 $0x13880;
	s18 =	simm.s32 $0x3;
	s20 =	simm.s32 $0x80  }
0x6: {  	s21 =	simm.s32 $0x16080;
	s22 =	simm.s32 $0x13900;
	s23 =	simm.s32 $0x1A080  }
0x7: {  	s29 =	simm.s32 $0x0;
	[smem:$0x7FF] =	sst s3;
	s7 =	smul.u32 $0x1900, s19  }
0x8: {  	s24 =	sadd.s32 $0x6A00, s0;
	s12 =	sadd.s32 $0x1A00, s0;
	s9 =	smul.u32 $0x500, s19  }
0x9: {  	s4 =	sand.u32 $0x1, s4;
	s5 =	sadd.s32 $0xBA00, s0;
	s11 =	smul.u32 $0x50, s19  }
0xa: {  	s6 =	sadd.s32 $0x32C00, s0;
	s26 =	ssub.s32 $0x28, s19;
	s14 =	smul.u32 $0x32000, s19  }
0xb: {  	p1 =	seq.s32 s19, $0xF;
	_ =	strace $0x8000004A;
	s8 =	ssub.s32 $0x2, s4  }
0xc: {  	p0 =	sne.s32 s4, $0x0;
	s10 =	sshrl.u32 s8, $0x1;
	s0 =	sadd.s32 s7, s0  }
0xd: {  	s25 =	sadd.s32 s24, s9;
	s28 =	sadd.s32 s12, s9;
	s31 =	sshrl.u32 s14, $0x2  }
0xe: {  	s7 =	simm.s32 $0x14C80;
	s13 =	ssub.s32 s8, s10;
	[dreg:$0x4] =	wrdreg s25  }
.Ltmp0:
0xf: {  	s8 =	sadd.s32 $0x28, s11;
	[dreg:$0x5] =	wrdreg s28;
	(pc) =	sbr.rel .LBB2_1-.Ltmp0, $4  }
0x10: {  	s10 =	sshrl.u32 s26, $0x4;
	s14 =	sadd.s32 s31, s2;
	s15 =	sshll.u32 s8, $0x4  }
0x11: {  	s16 =	sadd.s32 $0x34600, s0;
	s25 =	simm.s32 $0x2;
	s3 =	sadd.s32 s24, s15  }
0x12: {  	s13 =	smax.u32 s13, $0x1;
	s30 =	sadd.s32 s12, s15;
	[dreg:$0x6] =	wrdreg s3  }
0x13: {  	s15 =	sadd.s32 $0x5B800, s0;
	s24 =	simm.s32 $0x1;
	[dreg:$0x7] =	wrdreg s30  }
.LBB2_19:
0x14: {  	[sflag:s18] =	ssyncadd.s32 $0xFFFFE700  }
.LBB2_20:
0x15: {  	s29 =	sadd.s32 $0x1, s29  }
0x16: {  	p2 =	sne.s32 s29, s13  }
.Ltmp1:
0x17: {  	_ = 	snop;
	(pc) =	sbr.rel @!p2 .LBB2_21-.Ltmp1, $1  }
0x18: {  	_ =	sdelay $0x3  }
.LBB2_1:
0x19: {  	s0 =	simm.s32 $0x0;
	s3 =	rddreg [dreg:$0x4]  }
0x1a: {  	[tilespmem:s17], [sflag:$0x3] =	stream.linear.gather [hbm4b:s3+s0], $0x1400, $0x38;
	[tilespmem:$0x1E080] =	vst v63  }
0x1b: {  	_ =	swait.ge [sflag:s18], $0x1400  }
0x1c: {  	[sflag:s18] =	ssyncset.done $0x0  }
.Ltmp2:
0x1d: {  	s26 =	rddreg [dreg:$0x5];
	[sflag:s18] =	ssyncadd.s32 $0xFFFFEC00;
	(pc) =	sbr.rel @p0 .LBB2_11-.Ltmp2, $4  }
0x1e: {  	[tilespmem:s7], [sflag:$0x3] =	stream.linear.gather [hbm4b:s26+s0], $0x1400, $0x38;
	[tilespmem:$0x1E080] =	vst v63  }
0x1f: {  	s28 =	stileid.u32;
	_ =	swait.ge [sflag:s18], $0x1400  }
0x20: {  	s0 =	sshll.u32 s28, $0x6;
	[sflag:s18] =	ssyncset.done $0x0  }
0x21: {  	s31 =	sshrl.u32 s14, $0x3;
	s30 =	sor.u32 $0x1C03, s0;
	[sflag:s18] =	ssyncadd.s32 $0xFFFFEC00  }
0x22: {  	[tilespmem:s21], [sflag:$0x1] =	stream.indirect.gather [hbm4b:s1+s20], $0x80, s17, s20, $0xb8;
	[tilespmem:$0x1E080] =	vst v63  }
0x23: {  	p2 =	sne.s32 s10, $0x1  }
.Ltmp3:
0x24: {  	_ = 	snop;
	(pc) =	sbr.rel @!p2 .LBB2_4-.Ltmp3, $4  }
0x25: {  	[tilespmem:s23], [sflag:$0x2] =	stream.indirect.gather [hbm4b:s1+s20], $0x80, s22, s20, $0xb8;
	[tilespmem:$0x1E080] =	vst v63  }
0x26: {  	[spmem:s31], [sflag:s30] =	dma.local [hbm:s6], $0x1900  }
0x27: {  	_ =	swait.ge [sflag:s18], $0x1900  }
0x28: {  	s0 =	sadd.s32 $0xFFFFFFFF, s10;
	s26 =	sadd.s32 $0xC8000, s14;
	[sflag:s18] =	ssyncset.done $0x0  }
.LBB2_3:
0x29: {  	s3 =	sshrl.u32 s26, $0x3;
	[sflag:s18] =	ssyncadd.s32 $0xFFFFE700;
	p2 =	sne.s32 s0, $0x1  }
0x2a: {  	[spmem:s3], [sflag:s30] =	dma.local [hbm:s6], $0x1900  }
.Ltmp4:
0x2b: {  	_ = 	snop;
	(pc) =	sbr.rel @p2 .LBB2_3-.Ltmp4, $4  }
0x2c: {  	_ = 	snop  }
0x2d: {  	s0 =	sadd.s32 $0xFFFFFFFF, s0  }
0x2e: {  	_ =	swait.ge [sflag:s18], $0x1900  }
0x2f: {  	s26 =	sadd.s32 $0xC8000, s26;
	[sflag:s18] =	ssyncset.done $0x0  }
.LBB2_4:
0x30: {  	[sflag:s18] =	ssyncadd.s32 $0xFFFFE700  }
0x31: {  	[bflag:$0x0] =	sbarrier.arrive $0xFFFF  }
0x32: {  	_ =	swait.ge [sflag:s24], $0x4000  }
0x33: {  	[sflag:s24] =	ssyncset.done $0x0  }
0x34: {  	s0 =	simm.s32 $0x14C80;
	[sflag:s24] =	ssyncadd.s32 $0xFFFFC000  }
0x35: {  	[spmem:s2] =	stream.indirect.scatter.add.f32 [tilespmem:s21], [sflag:$0x3], $0x80, s0, s20, $0xb8;
	[tilespmem:$0x1E080] =	vst v63  }
0x36: {  	_ =	swait.ge [sflag:s18], $0x4000  }
0x37: {  	[sflag:s18] =	ssyncset.done $0x0  }
0x38: {  	s26 =	simm.s32 $0x13980;
	[sflag:s18] =	ssyncadd.s32 $0xFFFFC000  }
0x39: {  	[tilespmem:s21], [sflag:$0x1] =	stream.indirect.gather [hbm4b:s1+s20], $0x80, s26, s20, $0xb8;
	[tilespmem:$0x1E080] =	vst v63  }
0x3a: {  	_ =	swait.ge [sflag:s25], $0x4000  }
0x3b: {  	[sflag:s25] =	ssyncset.done $0x0  }
0x3c: {  	s28 =	simm.s32 $0x14D00;
	[sflag:s25] =	ssyncadd.s32 $0xFFFFC000  }
0x3d: {  	[spmem:s2] =	stream.indirect.scatter.add.f32 [tilespmem:s23], [sflag:$0x3], $0x80, s28, s20, $0xb8;
	[tilespmem:$0x1E080] =	vst v63  }
0x3e: {  	_ =	swait.ge [sflag:s18], $0x4000  }
0x3f: {  	[sflag:s18] =	ssyncset.done $0x0  }
0x40: {  	s3 =	simm.s32 $0x13A00;
	s0 =	simm.s32 $0x400;
	[sflag:s18] =	ssyncadd.s32 $0xFFFFC000  }
.LBB2_5:
0x41: {  	[tilespmem:s23], [sflag:$0x2] =	stream.indirect.gather [hbm4b:s1+s20], $0x80, s3, s20, $0xb8;
	[tilespmem:$0x1E080] =	vst v63  }
0x42: {  	s3 =	smov.u32 s0  }
0x43: {  	p2 =	sne.s32 s0, $0x4800;
	s0 =	sadd.s32 $0x400, s0;
	_ =	swait.ge [sflag:s24], $0x4000  }
0x44: {  	s3 =	sshra.s32 s3, $0x2;
	[sflag:s24] =	ssyncset.done $0x0  }
0x45: {  	s4 =	sadd.s32 $0x14C80, s3;
	[sflag:s24] =	ssyncadd.s32 $0xFFFFC000  }
0x46: {  	[spmem:s2] =	stream.indirect.scatter.add.f32 [tilespmem:s21], [sflag:$0x3], $0x80, s4, s20, $0xb8;
	[tilespmem:$0x1E080] =	vst v63  }
0x47: {  	_ =	swait.ge [sflag:s18], $0x4000  }
0x48: {  	[sflag:s18] =	ssyncset.done $0x0  }
0x49: {  	s4 =	sadd.s32 $0x13980, s3;
	[sflag:s18] =	ssyncadd.s32 $0xFFFFC000  }
0x4a: {  	[tilespmem:s21], [sflag:$0x1] =	stream.indirect.gather [hbm4b:s1+s20], $0x80, s4, s20, $0xb8;
	[tilespmem:$0x1E080] =	vst v63  }
0x4b: {  	_ =	swait.ge [sflag:s25], $0x4000  }
0x4c: {  	[sflag:s25] =	ssyncset.done $0x0  }
.Ltmp5:
0x4d: {  	s4 =	sadd.s32 $0x14D00, s3;
	[sflag:s25] =	ssyncadd.s32 $0xFFFFC000;
	(pc) =	sbr.rel @p2 .LBB2_5-.Ltmp5, $4  }
0x4e: {  	[spmem:s2] =	stream.indirect.scatter.add.f32 [tilespmem:s23], [sflag:$0x3], $0x80, s4, s20, $0xb8;
	[tilespmem:$0x1E080] =	vst v63  }
0x4f: {  	_ =	swait.ge [sflag:s18], $0x4000  }
0x50: {  	[sflag:s18] =	ssyncset.done $0x0  }
0x51: {  	s3 =	sadd.s32 $0x13A00, s3;
	[sflag:s18] =	ssyncadd.s32 $0xFFFFC000  }
0x52: {  	[tilespmem:s23], [sflag:$0x2] =	stream.indirect.gather [hbm4b:s1+s20], $0x80, s3, s20, $0xb8;
	[tilespmem:$0x1E080] =	vst v63  }
0x53: {  	_ =	swait.ge [sflag:s24], $0x4000  }
0x54: {  	[sflag:s24] =	ssyncset.done $0x0  }
0x55: {  	s0 =	simm.s32 $0x15F80;
	[sflag:s24] =	ssyncadd.s32 $0xFFFFC000  }
0x56: {  	[spmem:s2] =	stream.indirect.scatter.add.f32 [tilespmem:s21], [sflag:$0x3], $0x80, s0, s20, $0xb8;
	[tilespmem:$0x1E080] =	vst v63  }
0x57: {  	_ =	swait.ge [sflag:s18], $0x4000  }
0x58: {  	[sflag:s18] =	ssyncset.done $0x0  }
0x59: {  	[sflag:s18] =	ssyncadd.s32 $0xFFFFC000  }
0x5a: {  	_ =	swait.ge [sflag:s25], $0x4000  }
0x5b: {  	[sflag:s25] =	ssyncset.done $0x0  }
0x5c: {  	s11 =	simm.s32 $0x16000;
	[sflag:s25] =	ssyncadd.s32 $0xFFFFC000  }
0x5d: {  	[spmem:s2] =	stream.indirect.scatter.add.f32 [tilespmem:s23], [sflag:$0x3], $0x80, s11, s20, $0xb8;
	[tilespmem:$0x1E080] =	vst v63  }
0x5e: {  	_ =	swait.ge [sflag:s18], $0x4000  }
0x5f: {  	[sflag:s18] =	ssyncset.done $0x0  }
0x60: {  	s12 =	simm.s32 $0x0;
	s19 =	rddreg [dreg:$0x6];
	[sflag:s18] =	ssyncadd.s32 $0xFFFFC000  }
0x61: {  	[tilespmem:s17], [sflag:$0x3] =	stream.linear.gather [hbm4b:s19+s12], $0x1400, $0x38;
	[tilespmem:$0x1E080] =	vst v63  }
0x62: {  	_ =	swait.ge [sflag:s18], $0x1400  }
0x63: {  	[sflag:s18] =	ssyncset.done $0x0  }
0x64: {  	s26 =	rddreg [dreg:$0x7];
	[sflag:s18] =	ssyncadd.s32 $0xFFFFEC00  }
0x65: {  	[tilespmem:s7], [sflag:$0x3] =	stream.linear.gather [hbm4b:s26+s12], $0x1400, $0x38;
	[tilespmem:$0x1E080] =	vst v63  }
0x66: {  	_ =	swait.ge [sflag:s18], $0x1400  }
0x67: {  	[sflag:s18] =	ssyncset.done $0x0  }
0x68: {  	p2 =	sgt.u32 s8, $0x4E1;
	[sflag:s18] =	ssyncadd.s32 $0xFFFFEC00  }
0x69: {  	[tilespmem:s21], [sflag:$0x1] =	stream.indirect.gather [hbm4b:s1+s20], $0x80, s17, s20, $0xb8;
	[tilespmem:$0x1E080] =	vst v63  }
0x6a: {  	s0 =	simm.s32 @!p2 $0x1  }
0x6b: {  	[tilespmem:s23], [sflag:$0x2] =	stream.indirect.gather [hbm4b:s1+s20], $0x80, s22, s20, $0xb8;
	[tilespmem:$0x1E080] =	vst v63  }
0x6c: {  	s3 =	sadd.s32 @!p2 $0x2, s8;
	s4 =	simm.s32 @!p2 $0x14C80;
	_ =	swait.ge @!p2 [sflag:s0], $0x4000  }
0x6d: {  	p3 =	sgt.u32 @!p2 s3, $0x4E1;
	s3 =	simm.s32 @!p2 $0x3;
	[sflag:s0] =	ssyncset.done @!p2 $0x0  }
0x6e: {  	s26 =	simm.s32 @!p2 $0x16080;
	[sflag:s0] =	ssyncadd.s32 @!p2 $0xFFFFC000;
	s0 =	simm.s32 @!p2 $0x80  }
0x6f: {  	[spmem:s2] =	stream.indirect.scatter.add.f32 @!p2 [tilespmem:s26], [sflag:$0x3], $0x80, s4, s0, $0xb8;
	[tilespmem:$0x1E080] =	vst v63  }
0x70: {  	p3 =	por p3, p2;
	_ =	swait.ge @!p2 [sflag:s3], $0x4000  }
0x71: {  	s28 =	simm.s32 @!p3 $0x80;
	s7 =	simm.s32 @!p3 $0x16080;
	[sflag:s3] =	ssyncset.done @!p2 $0x0  }
0x72: {  	s4 =	simm.s32 @!p3 $0x13980;
	s26 =	simm.s32 @!p2 $0x2;
	[sflag:s3] =	ssyncadd.s32 @!p2 $0xFFFFC000  }
0x73: {  	[tilespmem:s7], [sflag:$0x1] =	stream.indirect.gather @!p3 [hbm4b:s1+s28], $0x80, s4, s28, $0xb8;
	[tilespmem:$0x1E080] =	vst v63  }
0x74: {  	_ =	swait.ge @!p2 [sflag:s26], $0x4000  }
0x75: {  	s4 =	simm.s32 @!p2 $0x14D00;
	s7 =	sadd.s32 @!p2 $0x3, s8;
	[sflag:s26] =	ssyncset.done @!p2 $0x0  }
0x76: {  	p3 =	sgt.u32 @!p2 s7, $0x4E1;
	s7 =	simm.s32 @!p2 $0x1A080;
	[sflag:s26] =	ssyncadd.s32 @!p2 $0xFFFFC000  }
0x77: {  	[spmem:s2] =	stream.indirect.scatter.add.f32 @!p2 [tilespmem:s7], [sflag:$0x3], $0x80, s4, s0, $0xb8;
	[tilespmem:$0x1E080] =	vst v63  }
0x78: {  	p3 =	por p3, p2;
	s26 =	sadd.s32 $0x2, s8;
	_ =	swait.ge @!p2 [sflag:s3], $0x4000  }
0x79: {  	s28 =	simm.s32 @!p3 $0x1A080;
	s0 =	simm.s32 $0x400;
	[sflag:s3] =	ssyncset.done @!p2 $0x0  }
0x7a: {  	s4 =	simm.s32 @!p3 $0x80;
	[sflag:s3] =	ssyncadd.s32 @!p2 $0xFFFFC000;
	s3 =	simm.s32 @!p3 $0x13A00  }
.LBB2_7:
0x7b: {  	[tilespmem:s28], [sflag:$0x2] =	stream.indirect.gather @!p3 [hbm4b:s1+s4], $0x80, s3, s4, $0xb8;
	[tilespmem:$0x1E080] =	vst v63  }
0x7c: {  	p2 =	sgt.u32 s26, $0x4E1;
	s3 =	smov.u32 s0;
	s0 =	sadd.s32 $0x400, s0  }
0x7d: {  	s4 =	simm.s32 @!p2 $0x1;
	s7 =	sshra.s32 @!p2 s3, $0x2;
	s28 =	sadd.s32 @!p2 $0x2, s26  }
0x7e: {  	s9 =	sadd.s32 @!p2 $0x14C80, s7;
	p3 =	sgt.u32 @!p2 s28, $0x4E1;
	_ =	swait.ge @!p2 [sflag:s4], $0x4000  }
0x7f: {  	s11 =	simm.s32 @!p2 $0x3;
	p3 =	por p3, p2;
	[sflag:s4] =	ssyncset.done @!p2 $0x0  }
0x80: {  	s28 =	simm.s32 @!p2 $0x16080;
	[sflag:s4] =	ssyncadd.s32 @!p2 $0xFFFFC000;
	s4 =	simm.s32 @!p2 $0x80  }
0x81: {  	[spmem:s2] =	stream.indirect.scatter.add.f32 @!p2 [tilespmem:s28], [sflag:$0x3], $0x80, s9, s4, $0xb8;
	[tilespmem:$0x1E080] =	vst v63  }
0x82: {  	s7 =	sadd.s32 @!p2 $0x14D00, s7;
	s9 =	sshra.s32 @!p3 s3, $0x2;
	_ =	swait.ge @!p2 [sflag:s11], $0x4000  }
0x83: {  	s28 =	simm.s32 @!p2 $0x2;
	s9 =	sadd.s32 @!p3 $0x13980, s9;
	[sflag:s11] =	ssyncset.done @!p2 $0x0  }
0x84: {  	s19 =	simm.s32 @!p3 $0x80;
	s12 =	simm.s32 @!p3 $0x16080;
	[sflag:s11] =	ssyncadd.s32 @!p2 $0xFFFFC000  }
0x85: {  	[tilespmem:s12], [sflag:$0x1] =	stream.indirect.gather @!p3 [hbm4b:s1+s19], $0x80, s9, s19, $0xb8;
	[tilespmem:$0x1E080] =	vst v63  }
0x86: {  	p4 =	sne.s32 s0, $0x4C00;
	s9 =	sadd.s32 @!p2 $0x3, s26;
	_ =	swait.ge @!p2 [sflag:s28], $0x4000  }
0x87: {  	p3 =	sgt.u32 @!p2 s9, $0x4E1;
	[sflag:s28] =	ssyncset.done @!p2 $0x0  }
.Ltmp6:
0x88: {  	s9 =	simm.s32 @!p2 $0x1A080;
	[sflag:s28] =	ssyncadd.s32 @!p2 $0xFFFFC000;
	(pc) =	sbr.rel @p4 .LBB2_7-.Ltmp6, $4  }
0x89: {  	[spmem:s2] =	stream.indirect.scatter.add.f32 @!p2 [tilespmem:s9], [sflag:$0x3], $0x80, s7, s4, $0xb8;
	[tilespmem:$0x1E080] =	vst v63  }
0x8a: {  	s26 =	sadd.s32 $0x2, s26;
	p3 =	por p3, p2;
	_ =	swait.ge @!p2 [sflag:s11], $0x4000  }
0x8b: {  	s3 =	sshra.s32 @!p3 s3, $0x2;
	s28 =	simm.s32 @!p3 $0x1A080;
	[sflag:s11] =	ssyncset.done @!p2 $0x0  }
0x8c: {  	s3 =	sadd.s32 @!p3 $0x13A00, s3;
	s4 =	simm.s32 @!p3 $0x80;
	[sflag:s11] =	ssyncadd.s32 @!p2 $0xFFFFC000  }
0x8d: {  	[tilespmem:s28], [sflag:$0x2] =	stream.indirect.gather @!p3 [hbm4b:s1+s4], $0x80, s3, s4, $0xb8;
	[tilespmem:$0x1E080] =	vst v63  }
0x8e: {  	s0 =	simm.s32 @!p1 $0x1  }
0x8f: {  	_ =	swait.ge @!p1 [sflag:s0], $0x4000  }
0x90: {  	s3 =	simm.s32 @!p1 $0x15F80;
	[sflag:s0] =	ssyncset.done @!p1 $0x0  }
0x91: {  	s4 =	simm.s32 @!p1 $0x16080;
	[sflag:s0] =	ssyncadd.s32 @!p1 $0xFFFFC000;
	s0 =	simm.s32 @!p1 $0x80  }
0x92: {  	[spmem:s2] =	stream.indirect.scatter.add.f32 @!p1 [tilespmem:s4], [sflag:$0x3], $0x80, s3, s0, $0xb8;
	[tilespmem:$0x1E080] =	vst v63  }
0x93: {  	s3 =	simm.s32 @!p1 $0x3  }
0x94: {  	_ =	swait.ge @!p1 [sflag:s3], $0x4000  }
0x95: {  	[sflag:s3] =	ssyncset.done @!p1 $0x0  }
0x96: {  	s4 =	simm.s32 @!p1 $0x2;
	[sflag:s3] =	ssyncadd.s32 @!p1 $0xFFFFC000  }
0x97: {  	_ =	swait.ge @!p1 [sflag:s4], $0x4000  }
0x98: {  	[sflag:s4] =	ssyncset.done @!p1 $0x0  }
0x99: {  	s7 =	simm.s32 @!p1 $0x1A080;
	[sflag:s4] =	ssyncadd.s32 @!p1 $0xFFFFC000;
	s4 =	simm.s32 @!p1 $0x16000  }
0x9a: {  	[spmem:s2] =	stream.indirect.scatter.add.f32 @!p1 [tilespmem:s7], [sflag:$0x3], $0x80, s4, s0, $0xb8;
	[tilespmem:$0x1E080] =	vst v63  }
0x9b: {  	_ =	swait.ge @!p1 [sflag:s3], $0x4000  }
0x9c: {  	p2 =	seq.s32 s10, $0x1;
	[sflag:s3] =	ssyncset.done @!p1 $0x0  }
.Ltmp7:
0x9d: {  	[sflag:s3] =	ssyncadd.s32 @!p1 $0xFFFFC000;
	(pc) =	sbr.rel @p2 .LBB2_10-.Ltmp7, $4  }
0x9e: {  	[bflag:$0x0] =	sbarrier.arrive $0xFFFF  }
0x9f: {  	[hbm:s16], [sflag:s30] =	dma.local [spmem:s31], $0x1900  }
0xa0: {  	s26 =	sadd.s32 $0xC8000, s14;
	s0 =	sadd.s32 $0xFFFFFFFF, s10;
	_ =	swait.ge [sflag:s18], $0x1900  }
0xa1: {  	s7 =	simm.s32 $0x14C80;
	s31 =	smov.u32 s16;
	[sflag:s18] =	ssyncset.done $0x0  }
.LBB2_9:
0xa2: {  	s3 =	sshrl.u32 s26, $0x3  }
0xa3: {  	[sflag:s18] =	ssyncadd.s32 $0xFFFFE700;
	s31 =	sadd.s32 $0x19000, s31;
	p2 =	seq.s32 s0, $0x1  }
0xa4: {  	[hbm:s31], [sflag:s30] =	dma.local [spmem:s3], $0x1900  }
.Ltmp8:
0xa5: {  	_ = 	snop;
	(pc) =	sbr.rel @!p2 .LBB2_9-.Ltmp8, $4  }
0xa6: {  	_ = 	snop  }
0xa7: {  	s0 =	sadd.s32 $0xFFFFFFFF, s0  }
0xa8: {  	_ =	swait.ge [sflag:s18], $0x1900  }
0xa9: {  	s26 =	sadd.s32 $0xC8000, s26;
	[sflag:s18] =	ssyncset.done $0x0  }
.LBB2_10:
.Ltmp9:
0xaa: {  	(pc) =	sbr.rel .LBB2_20-.Ltmp9, $2  }
0xab: {  	_ =	sdelay $0x2  }
0xac: {  	[sflag:s18] =	ssyncadd.s32 $0xFFFFE700  }
.LBB2_11:
0xad: {  	[tilespmem:s21], [sflag:$0x1] =	stream.indirect.gather [hbm4b:s5+s20], $0x80, s17, s20, $0xb8;
	[tilespmem:$0x1E080] =	vst v63  }
0xae: {  	p2 =	sne.s32 s10, $0x1  }
.Ltmp10:
0xaf: {  	_ = 	snop;
	(pc) =	sbr.rel @!p2 .LBB2_13-.Ltmp10, $4  }
0xb0: {  	[tilespmem:s23], [sflag:$0x2] =	stream.indirect.gather [hbm4b:s5+s20], $0x80, s22, s20, $0xb8;
	[tilespmem:$0x1E080] =	vst v63  }
0xb1: {  	[spmem:s31], [sflag:s30] =	dma.local [hbm:s6], $0x1900  }
0xb2: {  	_ =	swait.ge [sflag:s18], $0x1900  }
0xb3: {  	s0 =	sadd.s32 $0xFFFFFFFF, s10;
	s26 =	sadd.s32 $0xC8000, s14;
	[sflag:s18] =	ssyncset.done $0x0  }
.LBB2_12:
0xb4: {  	s3 =	sshrl.u32 s26, $0x3;
	[sflag:s18] =	ssyncadd.s32 $0xFFFFE700;
	p3 =	sne.s32 s0, $0x1  }
0xb5: {  	[spmem:s3], [sflag:s30] =	dma.local [hbm:s6], $0x1900  }
.Ltmp11:
0xb6: {  	_ = 	snop;
	(pc) =	sbr.rel @p3 .LBB2_12-.Ltmp11, $4  }
0xb7: {  	_ = 	snop  }
0xb8: {  	s0 =	sadd.s32 $0xFFFFFFFF, s0  }
0xb9: {  	_ =	swait.ge [sflag:s18], $0x1900  }
0xba: {  	s26 =	sadd.s32 $0xC8000, s26;
	[sflag:s18] =	ssyncset.done $0x0  }
.LBB2_13:
0xbb: {  	[sflag:s18] =	ssyncadd.s32 $0xFFFFE700  }
0xbc: {  	[bflag:$0x0] =	sbarrier.arrive $0xFFFF  }
0xbd: {  	_ =	swait.ge [sflag:s24], $0x4000  }
0xbe: {  	[sflag:s24] =	ssyncset.done $0x0  }
0xbf: {  	s0 =	simm.s32 $0x14C80;
	[sflag:s24] =	ssyncadd.s32 $0xFFFFC000  }
0xc0: {  	[spmem:s2] =	stream.indirect.scatter.add.f32 [tilespmem:s21], [sflag:$0x3], $0x80, s0, s20, $0xb8;
	[tilespmem:$0x1E080] =	vst v63  }
0xc1: {  	_ =	swait.ge [sflag:s18], $0x4000  }
0xc2: {  	[sflag:s18] =	ssyncset.done $0x0  }
0xc3: {  	s26 =	simm.s32 $0x13980;
	[sflag:s18] =	ssyncadd.s32 $0xFFFFC000  }
0xc4: {  	[tilespmem:s21], [sflag:$0x1] =	stream.indirect.gather [hbm4b:s5+s20], $0x80, s26, s20, $0xb8;
	[tilespmem:$0x1E080] =	vst v63  }
0xc5: {  	_ =	swait.ge [sflag:s25], $0x4000  }
0xc6: {  	[sflag:s25] =	ssyncset.done $0x0  }
0xc7: {  	s28 =	simm.s32 $0x14D00;
	[sflag:s25] =	ssyncadd.s32 $0xFFFFC000  }
0xc8: {  	[spmem:s2] =	stream.indirect.scatter.add.f32 [tilespmem:s23], [sflag:$0x3], $0x80, s28, s20, $0xb8;
	[tilespmem:$0x1E080] =	vst v63  }
0xc9: {  	_ =	swait.ge [sflag:s18], $0x4000  }
0xca: {  	[sflag:s18] =	ssyncset.done $0x0  }
0xcb: {  	s3 =	simm.s32 $0x13A00;
	s0 =	simm.s32 $0x400;
	[sflag:s18] =	ssyncadd.s32 $0xFFFFC000  }
.LBB2_14:
0xcc: {  	[tilespmem:s23], [sflag:$0x2] =	stream.indirect.gather [hbm4b:s5+s20], $0x80, s3, s20, $0xb8;
	[tilespmem:$0x1E080] =	vst v63  }
0xcd: {  	s3 =	smov.u32 s0  }
0xce: {  	p3 =	sne.s32 s0, $0x4800;
	s0 =	sadd.s32 $0x400, s0;
	_ =	swait.ge [sflag:s24], $0x4000  }
0xcf: {  	s3 =	sshra.s32 s3, $0x2;
	[sflag:s24] =	ssyncset.done $0x0  }
0xd0: {  	s4 =	sadd.s32 $0x14C80, s3;
	[sflag:s24] =	ssyncadd.s32 $0xFFFFC000  }
0xd1: {  	[spmem:s2] =	stream.indirect.scatter.add.f32 [tilespmem:s21], [sflag:$0x3], $0x80, s4, s20, $0xb8;
	[tilespmem:$0x1E080] =	vst v63  }
0xd2: {  	_ =	swait.ge [sflag:s18], $0x4000  }
0xd3: {  	[sflag:s18] =	ssyncset.done $0x0  }
0xd4: {  	s4 =	sadd.s32 $0x13980, s3;
	[sflag:s18] =	ssyncadd.s32 $0xFFFFC000  }
0xd5: {  	[tilespmem:s21], [sflag:$0x1] =	stream.indirect.gather [hbm4b:s5+s20], $0x80, s4, s20, $0xb8;
	[tilespmem:$0x1E080] =	vst v63  }
0xd6: {  	_ =	swait.ge [sflag:s25], $0x4000  }
0xd7: {  	[sflag:s25] =	ssyncset.done $0x0  }
.Ltmp12:
0xd8: {  	s4 =	sadd.s32 $0x14D00, s3;
	[sflag:s25] =	ssyncadd.s32 $0xFFFFC000;
	(pc) =	sbr.rel @p3 .LBB2_14-.Ltmp12, $4  }
0xd9: {  	[spmem:s2] =	stream.indirect.scatter.add.f32 [tilespmem:s23], [sflag:$0x3], $0x80, s4, s20, $0xb8;
	[tilespmem:$0x1E080] =	vst v63  }
0xda: {  	_ =	swait.ge [sflag:s18], $0x4000  }
0xdb: {  	[sflag:s18] =	ssyncset.done $0x0  }
0xdc: {  	s3 =	sadd.s32 $0x13A00, s3;
	[sflag:s18] =	ssyncadd.s32 $0xFFFFC000  }
0xdd: {  	[tilespmem:s23], [sflag:$0x2] =	stream.indirect.gather [hbm4b:s5+s20], $0x80, s3, s20, $0xb8;
	[tilespmem:$0x1E080] =	vst v63  }
0xde: {  	_ =	swait.ge [sflag:s24], $0x4000  }
0xdf: {  	[sflag:s24] =	ssyncset.done $0x0  }
0xe0: {  	s0 =	simm.s32 $0x15F80;
	[sflag:s24] =	ssyncadd.s32 $0xFFFFC000  }
0xe1: {  	[spmem:s2] =	stream.indirect.scatter.add.f32 [tilespmem:s21], [sflag:$0x3], $0x80, s0, s20, $0xb8;
	[tilespmem:$0x1E080] =	vst v63  }
0xe2: {  	_ =	swait.ge [sflag:s18], $0x4000  }
0xe3: {  	[sflag:s18] =	ssyncset.done $0x0  }
0xe4: {  	[sflag:s18] =	ssyncadd.s32 $0xFFFFC000  }
0xe5: {  	_ =	swait.ge [sflag:s25], $0x4000  }
0xe6: {  	[sflag:s25] =	ssyncset.done $0x0  }
0xe7: {  	s11 =	simm.s32 $0x16000;
	[sflag:s25] =	ssyncadd.s32 $0xFFFFC000  }
0xe8: {  	[spmem:s2] =	stream.indirect.scatter.add.f32 [tilespmem:s23], [sflag:$0x3], $0x80, s11, s20, $0xb8;
	[tilespmem:$0x1E080] =	vst v63  }
0xe9: {  	_ =	swait.ge [sflag:s18], $0x4000  }
0xea: {  	[sflag:s18] =	ssyncset.done $0x0  }
0xeb: {  	s12 =	simm.s32 $0x0;
	s19 =	rddreg [dreg:$0x6];
	[sflag:s18] =	ssyncadd.s32 $0xFFFFC000  }
0xec: {  	[tilespmem:s17], [sflag:$0x3] =	stream.linear.gather [hbm4b:s19+s12], $0x1400, $0x38;
	[tilespmem:$0x1E080] =	vst v63  }
0xed: {  	_ =	swait.ge [sflag:s18], $0x1400  }
0xee: {  	[sflag:s18] =	ssyncset.done $0x0  }
0xef: {  	s26 =	rddreg [dreg:$0x7];
	[sflag:s18] =	ssyncadd.s32 $0xFFFFEC00  }
0xf0: {  	[tilespmem:s7], [sflag:$0x3] =	stream.linear.gather [hbm4b:s26+s12], $0x1400, $0x38;
	[tilespmem:$0x1E080] =	vst v63  }
0xf1: {  	_ =	swait.ge [sflag:s18], $0x1400  }
0xf2: {  	[sflag:s18] =	ssyncset.done $0x0  }
0xf3: {  	p3 =	sgt.u32 s8, $0x4E1;
	[sflag:s18] =	ssyncadd.s32 $0xFFFFEC00  }
0xf4: {  	[tilespmem:s21], [sflag:$0x1] =	stream.indirect.gather [hbm4b:s5+s20], $0x80, s17, s20, $0xb8;
	[tilespmem:$0x1E080] =	vst v63  }
0xf5: {  	s0 =	simm.s32 @!p3 $0x1  }
0xf6: {  	[tilespmem:s23], [sflag:$0x2] =	stream.indirect.gather [hbm4b:s5+s20], $0x80, s22, s20, $0xb8;
	[tilespmem:$0x1E080] =	vst v63  }
0xf7: {  	s3 =	sadd.s32 @!p3 $0x2, s8;
	s4 =	simm.s32 @!p3 $0x14C80;
	_ =	swait.ge @!p3 [sflag:s0], $0x4000  }
0xf8: {  	p4 =	sgt.u32 @!p3 s3, $0x4E1;
	s3 =	simm.s32 @!p3 $0x3;
	[sflag:s0] =	ssyncset.done @!p3 $0x0  }
0xf9: {  	s7 =	simm.s32 @!p3 $0x16080;
	[sflag:s0] =	ssyncadd.s32 @!p3 $0xFFFFC000;
	s0 =	simm.s32 @!p3 $0x80  }
0xfa: {  	[spmem:s2] =	stream.indirect.scatter.add.f32 @!p3 [tilespmem:s7], [sflag:$0x3], $0x80, s4, s0, $0xb8;
	[tilespmem:$0x1E080] =	vst v63  }
0xfb: {  	p4 =	por p4, p3;
	_ =	swait.ge @!p3 [sflag:s3], $0x4000  }
0xfc: {  	s9 =	simm.s32 @!p4 $0x80;
	s11 =	simm.s32 @!p4 $0x16080;
	[sflag:s3] =	ssyncset.done @!p3 $0x0  }
0xfd: {  	s4 =	simm.s32 @!p4 $0x13980;
	s7 =	simm.s32 @!p3 $0x2;
	[sflag:s3] =	ssyncadd.s32 @!p3 $0xFFFFC000  }
0xfe: {  	[tilespmem:s11], [sflag:$0x1] =	stream.indirect.gather @!p4 [hbm4b:s5+s9], $0x80, s4, s9, $0xb8;
	[tilespmem:$0x1E080] =	vst v63  }
0xff: {  	_ =	swait.ge @!p3 [sflag:s7], $0x4000  }
0x100: {  	s4 =	simm.s32 @!p3 $0x14D00;
	s9 =	sadd.s32 @!p3 $0x3, s8;
	[sflag:s7] =	ssyncset.done @!p3 $0x0  }
0x101: {  	p4 =	sgt.u32 @!p3 s9, $0x4E1;
	[sflag:s7] =	ssyncadd.s32 @!p3 $0xFFFFC000;
	s7 =	simm.s32 @!p3 $0x1A080  }
0x102: {  	[spmem:s2] =	stream.indirect.scatter.add.f32 @!p3 [tilespmem:s7], [sflag:$0x3], $0x80, s4, s0, $0xb8;
	[tilespmem:$0x1E080] =	vst v63  }
0x103: {  	s26 =	sadd.s32 $0x2, s8;
	p4 =	por p4, p3;
	_ =	swait.ge @!p3 [sflag:s3], $0x4000  }
0x104: {  	s28 =	simm.s32 @!p4 $0x1A080;
	s0 =	simm.s32 $0x400;
	[sflag:s3] =	ssyncset.done @!p3 $0x0  }
0x105: {  	s4 =	simm.s32 @!p4 $0x80;
	[sflag:s3] =	ssyncadd.s32 @!p3 $0xFFFFC000;
	s3 =	simm.s32 @!p4 $0x13A00  }
.LBB2_16:
0x106: {  	[tilespmem:s28], [sflag:$0x2] =	stream.indirect.gather @!p4 [hbm4b:s5+s4], $0x80, s3, s4, $0xb8;
	[tilespmem:$0x1E080] =	vst v63  }
0x107: {  	p3 =	sgt.u32 s26, $0x4E1;
	s3 =	smov.u32 s0;
	s0 =	sadd.s32 $0x400, s0  }
0x108: {  	s4 =	simm.s32 @!p3 $0x1;
	s7 =	sshra.s32 @!p3 s3, $0x2;
	s9 =	sadd.s32 @!p3 $0x2, s26  }
0x109: {  	s11 =	sadd.s32 @!p3 $0x14C80, s7;
	p4 =	sgt.u32 @!p3 s9, $0x4E1;
	_ =	swait.ge @!p3 [sflag:s4], $0x4000  }
0x10a: {  	s9 =	simm.s32 @!p3 $0x3;
	p4 =	por p4, p3;
	[sflag:s4] =	ssyncset.done @!p3 $0x0  }
0x10b: {  	s12 =	simm.s32 @!p3 $0x16080;
	[sflag:s4] =	ssyncadd.s32 @!p3 $0xFFFFC000;
	s4 =	simm.s32 @!p3 $0x80  }
0x10c: {  	[spmem:s2] =	stream.indirect.scatter.add.f32 @!p3 [tilespmem:s12], [sflag:$0x3], $0x80, s11, s4, $0xb8;
	[tilespmem:$0x1E080] =	vst v63  }
0x10d: {  	s7 =	sadd.s32 @!p3 $0x14D00, s7;
	s11 =	sshra.s32 @!p4 s3, $0x2;
	_ =	swait.ge @!p3 [sflag:s9], $0x4000  }
0x10e: {  	s12 =	simm.s32 @!p3 $0x2;
	s11 =	sadd.s32 @!p4 $0x13980, s11;
	[sflag:s9] =	ssyncset.done @!p3 $0x0  }
0x10f: {  	s19 =	simm.s32 @!p4 $0x80;
	s28 =	simm.s32 @!p4 $0x16080;
	[sflag:s9] =	ssyncadd.s32 @!p3 $0xFFFFC000  }
0x110: {  	[tilespmem:s28], [sflag:$0x1] =	stream.indirect.gather @!p4 [hbm4b:s5+s19], $0x80, s11, s19, $0xb8;
	[tilespmem:$0x1E080] =	vst v63  }
0x111: {  	p5 =	sne.s32 s0, $0x4C00;
	s11 =	sadd.s32 @!p3 $0x3, s26;
	_ =	swait.ge @!p3 [sflag:s12], $0x4000  }
0x112: {  	p4 =	sgt.u32 @!p3 s11, $0x4E1;
	[sflag:s12] =	ssyncset.done @!p3 $0x0  }
.Ltmp13:
0x113: {  	s11 =	simm.s32 @!p3 $0x1A080;
	[sflag:s12] =	ssyncadd.s32 @!p3 $0xFFFFC000;
	(pc) =	sbr.rel @p5 .LBB2_16-.Ltmp13, $4  }
0x114: {  	[spmem:s2] =	stream.indirect.scatter.add.f32 @!p3 [tilespmem:s11], [sflag:$0x3], $0x80, s7, s4, $0xb8;
	[tilespmem:$0x1E080] =	vst v63  }
0x115: {  	s26 =	sadd.s32 $0x2, s26;
	p4 =	por p4, p3;
	_ =	swait.ge @!p3 [sflag:s9], $0x4000  }
0x116: {  	s3 =	sshra.s32 @!p4 s3, $0x2;
	s28 =	simm.s32 @!p4 $0x1A080;
	[sflag:s9] =	ssyncset.done @!p3 $0x0  }
0x117: {  	s3 =	sadd.s32 @!p4 $0x13A00, s3;
	s4 =	simm.s32 @!p4 $0x80;
	[sflag:s9] =	ssyncadd.s32 @!p3 $0xFFFFC000  }
0x118: {  	[tilespmem:s28], [sflag:$0x2] =	stream.indirect.gather @!p4 [hbm4b:s5+s4], $0x80, s3, s4, $0xb8;
	[tilespmem:$0x1E080] =	vst v63  }
0x119: {  	s0 =	simm.s32 @!p1 $0x1  }
0x11a: {  	_ =	swait.ge @!p1 [sflag:s0], $0x4000  }
0x11b: {  	s3 =	simm.s32 @!p1 $0x15F80;
	[sflag:s0] =	ssyncset.done @!p1 $0x0  }
0x11c: {  	s4 =	simm.s32 @!p1 $0x16080;
	[sflag:s0] =	ssyncadd.s32 @!p1 $0xFFFFC000;
	s0 =	simm.s32 @!p1 $0x80  }
0x11d: {  	[spmem:s2] =	stream.indirect.scatter.add.f32 @!p1 [tilespmem:s4], [sflag:$0x3], $0x80, s3, s0, $0xb8;
	[tilespmem:$0x1E080] =	vst v63  }
0x11e: {  	s3 =	simm.s32 @!p1 $0x3  }
0x11f: {  	_ =	swait.ge @!p1 [sflag:s3], $0x4000  }
0x120: {  	[sflag:s3] =	ssyncset.done @!p1 $0x0  }
0x121: {  	s4 =	simm.s32 @!p1 $0x2;
	[sflag:s3] =	ssyncadd.s32 @!p1 $0xFFFFC000  }
0x122: {  	_ =	swait.ge @!p1 [sflag:s4], $0x4000  }
0x123: {  	[sflag:s4] =	ssyncset.done @!p1 $0x0  }
0x124: {  	s7 =	simm.s32 @!p1 $0x1A080;
	[sflag:s4] =	ssyncadd.s32 @!p1 $0xFFFFC000;
	s4 =	simm.s32 @!p1 $0x16000  }
0x125: {  	[spmem:s2] =	stream.indirect.scatter.add.f32 @!p1 [tilespmem:s7], [sflag:$0x3], $0x80, s4, s0, $0xb8;
	[tilespmem:$0x1E080] =	vst v63  }
0x126: {  	_ =	swait.ge @!p1 [sflag:s3], $0x4000  }
0x127: {  	[sflag:s3] =	ssyncset.done @!p1 $0x0  }
.Ltmp14:
0x128: {  	[sflag:s3] =	ssyncadd.s32 @!p1 $0xFFFFC000;
	(pc) =	sbr.rel @!p2 .LBB2_19-.Ltmp14, $4  }
0x129: {  	[bflag:$0x0] =	sbarrier.arrive $0xFFFF  }
0x12a: {  	[hbm:s15], [sflag:s30] =	dma.local [spmem:s31], $0x1900  }
0x12b: {  	s26 =	sadd.s32 $0xC8000, s14;
	s0 =	sadd.s32 $0xFFFFFFFF, s10;
	_ =	swait.ge [sflag:s18], $0x1900  }
0x12c: {  	s7 =	simm.s32 $0x14C80;
	s31 =	smov.u32 s15;
	[sflag:s18] =	ssyncset.done $0x0  }
.LBB2_18:
0x12d: {  	s3 =	sshrl.u32 s26, $0x3  }
0x12e: {  	[sflag:s18] =	ssyncadd.s32 $0xFFFFE700;
	s31 =	sadd.s32 $0x19000, s31;
	p2 =	sne.s32 s0, $0x1  }
0x12f: {  	[hbm:s31], [sflag:s30] =	dma.local [spmem:s3], $0x1900  }
.Ltmp15:
0x130: {  	_ = 	snop;
	(pc) =	sbr.rel @p2 .LBB2_18-.Ltmp15, $4  }
0x131: {  	_ = 	snop  }
0x132: {  	s0 =	sadd.s32 $0xFFFFFFFF, s0  }
0x133: {  	_ =	swait.ge [sflag:s18], $0x1900  }
0x134: {  	s26 =	sadd.s32 $0xC8000, s26;
	[sflag:s18] =	ssyncset.done $0x0  }
.Ltmp16:
0x135: {  	_ = 	snop;
	(pc) =	sbr.rel .LBB2_19-.Ltmp16, $1  }
0x136: {  	_ =	sdelay $0x3  }
.LBB2_21:
0x137: {  	_ =	sfence.sel $0x180000  }
0x138: {  	[bflag:$0x0] =	sbarrier.arrive $0xFFFF  }
0x139: {  	_ =	strace $0x9000004A  }
0x13a: {  	s0 =	stileid.u32;
	[bflag:$0x2] =	sbarrier.arrive $0xFFFF  }
0x13b: {  	p0 =	sne.s32 s0, $0x0;
	s0 =	rddreg [dreg:$0x3]  }
0x13c: {  	s0 =	sadd.s32 @!p0 $0x100000, s0  }
0x13d: {  	[sflag:s0] =	ssyncadd.tile.s32 @!p0 $0x1;
	_ =	shalt  }
.Lfunc_end2:
_tile_overlayer_lowered:
.L_overlay_start_2:
0x13e: {  	(tag) =	ssettag $0x2  }
0x13f: {  	s0 =	rddreg [dreg:$0x0];
	s2 =	stileid.u32  }
0x140: {  	s1 =	rddreg [dreg:$0x1];
	p0 =	sne.s32 s2, $0x0  }
0x141: {  	s3 =	rddreg [dreg:$0x2];
	[bflag:$0x3] =	sbarrier.arrive $0xFFFF;
	s2 =	simm.s32 @!p0 $0x1C03  }
0x142: {  	[timem:s3], [sflag:s2] =	dma.local @!p0 [hbm:s0], s1  }
0x143: {  	s0 =	simm.s32 @!p0 $0x3  }
0x144: {  	_ =	swait.ge @!p0 [sflag:s0], s1  }
0x145: {  	s1 =	ssub.s32 @!p0 $0x0, s1;
	[sflag:s0] =	ssyncset.done @!p0 $0x0  }
0x146: {  	[sflag:s0] =	ssyncadd.s32 @!p0 s1  }
0x147: {  	[bflag:$0x3] =	sbarrier.arrive $0xFFFF  }
0x148: {  	_ =	shalt  }

</sc_bundles>
